<compile_context>
chip_gen: v7x
topology: tpu7x:2x2x1
jax: 0.10.2.dev20260603
libtpu: 0.0.44.dev20260713+nightly
codegen_flags: <defaults>
</compile_context>

<pallas_src>
import functools

import jax
import jax.numpy as jnp
from jax import lax
from jax.experimental import pallas as pl
from jax.experimental.pallas import tpu as pltpu
from jax.experimental.pallas import tpu_sc as plsc

N = 10000
E = 320000
HID = 128
NUM_IN = 128
EDIMS = [10, 24, 5, 18]
CARD_USED = 50

ROWB = 1000

NSC = 2
NTILE = 16
CHUNK = 128
NSLOT = 3
NCHUNK = 84
EDGES_PER_TILE = NCHUNK * CHUNK
E_PAD = NSC * NTILE * EDGES_PER_TILE
ACC_ROWS = N + CHUNK
ROWS_PER_TILE = 624
TAIL_ROWS = N - NTILE * ROWS_PER_TILE


def _zero_fill(buf, nrows):
    def zrow(i, _):
        r = i // (HID // 16)
        col = (i % (HID // 16)) * 16
        buf[r, pl.ds(col, 16)] = jnp.zeros((16,), jnp.float32)
        return 0

    lax.fori_loop(0, nrows * (HID // 16), zrow, 0)


def _zero_spmem_slice(acc, zeros, s):
    base = s * ROWS_PER_TILE
    nfull = ROWS_PER_TILE // CHUNK
    tail = ROWS_PER_TILE - nfull * CHUNK
    for k in range(nfull):
        pltpu.sync_copy(zeros, acc.at[pl.ds(base + k * CHUNK, CHUNK), :])
    pltpu.sync_copy(zeros.at[pl.ds(0, tail), :],
                    acc.at[pl.ds(base + nfull * CHUNK, tail), :])

    @pl.when(s == NTILE - 1)
    def _zero_last_rows():
        last = NTILE * ROWS_PER_TILE
        rest = ACC_ROWS - last
        pltpu.sync_copy(zeros.at[pl.ds(0, CHUNK), :],
                        acc.at[pl.ds(last, CHUNK), :])
        pltpu.sync_copy(zeros.at[pl.ds(0, rest - CHUNK), :],
                        acc.at[pl.ds(last + CHUNK, rest - CHUNK), :])


def _write_out_slice(acc, out, c, s):
    base = s * ROWS_PER_TILE
    pltpu.sync_copy(acc.at[pl.ds(base, ROWS_PER_TILE), :],
                    out.at[c, pl.ds(base, ROWS_PER_TILE), :])

    @pl.when(s == NTILE - 1)
    def _write_last_rows():
        last = NTILE * ROWS_PER_TILE
        pltpu.sync_copy(acc.at[pl.ds(last, TAIL_ROWS), :],
                        out.at[c, pl.ds(last, TAIL_ROWS), :])


def _make_seg_agg():
    mesh = plsc.VectorSubcoreMesh(core_axis_name="c", subcore_axis_name="s")

    def body(x_hbm, src_hbm, dst_hbm, acc_out, *refs):
        sidx = refs[0:NSLOT]
        didx = refs[NSLOT:2 * NSLOT]
        rows = refs[2 * NSLOT:3 * NSLOT]
        acc = refs[3 * NSLOT]
        isem = refs[3 * NSLOT + 1:3 * NSLOT + 1 + NSLOT]
        gsem = refs[3 * NSLOT + 1 + NSLOT:3 * NSLOT + 1 + 2 * NSLOT]
        c = lax.axis_index("c")
        s = lax.axis_index("s")
        _zero_fill(rows[0], CHUNK)
        _zero_spmem_slice(acc, rows[0], s)

        estart = (c * NTILE + s) * EDGES_PER_TILE

        def start_idx(i, b):
            off = estart + i * CHUNK
            pltpu.async_copy(src_hbm.at[pl.ds(off, CHUNK)], sidx[b], isem[b])
            pltpu.async_copy(dst_hbm.at[pl.ds(off, CHUNK)], didx[b], isem[b])

        def wait_idx(b):
            pltpu.make_async_copy(
                src_hbm.at[pl.ds(estart, CHUNK)], sidx[b], isem[b]).wait()
            pltpu.make_async_copy(
                dst_hbm.at[pl.ds(estart, CHUNK)], didx[b], isem[b]).wait()

        def start_gather(b):
            pltpu.async_copy(x_hbm.at[sidx[b]], rows[b], gsem[b])

        def wait_gather(b):
            pltpu.make_async_copy(
                x_hbm.at[sidx[b]], rows[b], gsem[b]).wait()

        for b in range(NSLOT):
            start_idx(b, b)
        wait_idx(0)
        start_gather(0)
        wait_idx(1)
        start_gather(1)
        plsc.subcore_barrier()

        def group(g, _):
            for b in range(NSLOT):
                i = NSLOT * g + b
                sp = (b + 2) % NSLOT

                @pl.when(i + 2 < NCHUNK)
                def _next_gather():
                    wait_idx(sp)
                    start_gather(sp)

                wait_gather(b)
                pltpu.sync_copy(rows[b], acc.at[didx[b]], add=True)

                @pl.when(i + 3 < NCHUNK)
                def _prefetch_idx():
                    start_idx(i + 3, b)
            return 0

        lax.fori_loop(0, NCHUNK // NSLOT, group, 0)
        plsc.subcore_barrier()
        _write_out_slice(acc, acc_out, c, s)

    return pl.kernel(
        body,
        out_type=jax.ShapeDtypeStruct((NSC, N, HID), jnp.float32),
        mesh=mesh,
        scratch_types=(
            [pltpu.VMEM((CHUNK,), jnp.int32) for _ in range(2 * NSLOT)]
            + [pltpu.VMEM((CHUNK, HID), jnp.float32) for _ in range(NSLOT)]
            + [pltpu.VMEM_SHARED((ACC_ROWS, HID), jnp.float32)]
            + [pltpu.SemaphoreType.DMA for _ in range(2 * NSLOT)]
        ))


def _make_deg_count():
    mesh = plsc.VectorSubcoreMesh(core_axis_name="c", subcore_axis_name="s")

    def body(dst_hbm, cnt_out, *refs):
        didx = refs[0:NSLOT]
        ones = refs[NSLOT]
        zeros = refs[NSLOT + 1]
        cnt = refs[NSLOT + 2]
        isem = refs[NSLOT + 3:NSLOT + 3 + NSLOT]
        c = lax.axis_index("c")
        s = lax.axis_index("s")
        _zero_fill(zeros, CHUNK)

        def orow(i, _):
            r = i // (HID // 16)
            col = (i % (HID // 16)) * 16
            ones[r, pl.ds(col, 16)] = jnp.ones((16,), jnp.float32)
            return 0

        lax.fori_loop(0, CHUNK * (HID // 16), orow, 0)
        _zero_spmem_slice(cnt, zeros, s)

        estart = (c * NTILE + s) * EDGES_PER_TILE

        def start_idx(i, b):
            pltpu.async_copy(dst_hbm.at[pl.ds(estart + i * CHUNK, CHUNK)],
                             didx[b], isem[b])

        for b in range(NSLOT):
            start_idx(b, b)
        plsc.subcore_barrier()

        def group(g, _):
            for b in range(NSLOT):
                i = NSLOT * g + b
                pltpu.make_async_copy(
                    dst_hbm.at[pl.ds(estart, CHUNK)], didx[b],
                    isem[b]).wait()
                pltpu.sync_copy(ones, cnt.at[didx[b]], add=True)

                @pl.when(i + NSLOT < NCHUNK)
                def _prefetch_idx():
                    start_idx(i + NSLOT, b)
            return 0

        lax.fori_loop(0, NCHUNK // NSLOT, group, 0)
        plsc.subcore_barrier()
        _write_out_slice(cnt, cnt_out, c, s)

    return pl.kernel(
        body,
        out_type=jax.ShapeDtypeStruct((NSC, N, HID), jnp.float32),
        mesh=mesh,
        scratch_types=(
            [pltpu.VMEM((CHUNK,), jnp.int32) for _ in range(NSLOT)]
            + [pltpu.VMEM((CHUNK, HID), jnp.float32),
               pltpu.VMEM((CHUNK, HID), jnp.float32),
               pltpu.VMEM_SHARED((ACC_ROWS, HID), jnp.float32)]
            + [pltpu.SemaphoreType.DMA for _ in range(NSLOT)]
        ))


_OFFS = [NUM_IN, NUM_IN + 10, NUM_IN + 34, NUM_IN + 39, NUM_IN + 57]


def _featurize_body(xn_ref, xc_ref, e0_ref, e1_ref, e2_ref, e3_ref,
                    w_ref, b_ref, o_ref):
    w = w_ref[...]
    acc = jnp.dot(xn_ref[...], w[:NUM_IN, :],
                  preferred_element_type=jnp.float32)
    xc = xc_ref[...]
    embs = [e0_ref[...], e1_ref[...], e2_ref[...], e3_ref[...]]
    for j in range(4):
        t = jnp.dot(embs[j], w[_OFFS[j]:_OFFS[j + 1], :],
                    preferred_element_type=jnp.float32)
        iota = lax.broadcasted_iota(jnp.int32, (ROWB, CARD_USED), 1)
        oh = (xc[:, j:j + 1] == iota).astype(jnp.float32)
        acc = acc + jnp.dot(oh, t, preferred_element_type=jnp.float32)
    o_ref[...] = jnp.maximum(acc + b_ref[...], 0.0)


def _featurize(x_num, x_cat, e0, e1, e2, e3, W_in, b_in2):
    grid = N // ROWB
    return pl.pallas_call(
        _featurize_body,
        grid=(grid,),
        in_specs=[
            pl.BlockSpec((ROWB, NUM_IN), lambda i: (i, 0)),
            pl.BlockSpec((ROWB, 4), lambda i: (i, 0)),
            pl.BlockSpec((CARD_USED, EDIMS[0]), lambda i: (0, 0)),
            pl.BlockSpec((CARD_USED, EDIMS[1]), lambda i: (0, 0)),
            pl.BlockSpec((CARD_USED, EDIMS[2]), lambda i: (0, 0)),
            pl.BlockSpec((CARD_USED, EDIMS[3]), lambda i: (0, 0)),
            pl.BlockSpec((NUM_IN + 57, HID), lambda i: (0, 0)),
            pl.BlockSpec((1, HID), lambda i: (0, 0)),
        ],
        out_specs=pl.BlockSpec((ROWB, HID), lambda i: (i, 0)),
        out_shape=jax.ShapeDtypeStruct((N, HID), jnp.float32),
    )(x_num, x_cat, e0, e1, e2, e3, W_in, b_in2)


def _sage_dense_body(with_head, a0, a1, c0, c1, x_ref, wl, bl, wr, g, be,
                     *rest):
    if with_head:
        wh1, bh1, wh2, bh2, o_ref = rest
    else:
        (o_ref,) = rest
    cnt = c0[:, 0:1] + c1[:, 0:1]
    mean = (a0[...] + a1[...]) / jnp.maximum(cnt, 1.0)
    x = x_ref[...]
    h = (jnp.dot(mean, wl[...], preferred_element_type=jnp.float32) + bl[...]
         + jnp.dot(x, wr[...], preferred_element_type=jnp.float32))
    mu = jnp.mean(h, axis=1, keepdims=True)
    var = jnp.mean((h - mu) ** 2, axis=1, keepdims=True)
    y = (h - mu) / jnp.sqrt(var + 1e-5) * g[...] + be[...]
    xo = x + 0.5 * jnp.maximum(y, 0.0)
    if with_head:
        h1 = jnp.maximum(
            jnp.dot(xo, wh1[...], preferred_element_type=jnp.float32)
            + bh1[...], 0.0)
        o_ref[...] = (jnp.dot(h1, wh2[...], preferred_element_type=jnp.float32)
                      + bh2[...])
    else:
        o_ref[...] = xo


def _sage_dense(with_head, a0, a1, c0, c1, x, wl, bl, wr, g, be, extra=()):
    grid = N // ROWB
    full = lambda r, c: pl.BlockSpec((r, c), lambda i: (0, 0))
    rblk = lambda c: pl.BlockSpec((ROWB, c), lambda i: (i, 0))
    in_specs = [
        rblk(HID), rblk(HID), rblk(HID), rblk(HID), rblk(HID),
        full(HID, HID), full(1, HID), full(HID, HID), full(1, HID),
        full(1, HID),
    ]
    if with_head:
        in_specs += [full(HID, 64), full(1, 64), full(64, 1), full(1, 1)]
        out_specs = pl.BlockSpec((ROWB, 1), lambda i: (i, 0))
        out_shape = jax.ShapeDtypeStruct((N, 1), jnp.float32)
    else:
        out_specs = rblk(HID)
        out_shape = jax.ShapeDtypeStruct((N, HID), jnp.float32)
    return pl.pallas_call(
        functools.partial(_sage_dense_body, with_head),
        grid=(grid,),
        in_specs=in_specs,
        out_specs=out_specs,
        out_shape=out_shape,
    )(a0, a1, c0, c1, x, wl, bl, wr, g, be, *extra)


def kernel(x_num, x_cat, edge_index, emb0, emb1, emb2, emb3, W_in, b_in,
           Wl1, bl1, Wr1, g1, be1, Wl2, bl2, Wr2, g2, be2,
           Wh1, bh1, Wh2, bh2):
    src = edge_index[0].astype(jnp.int32)
    dst = edge_index[1].astype(jnp.int32)
    npad = E_PAD - E
    pad_iota = jnp.arange(npad, dtype=jnp.int32)
    src_p = jnp.concatenate([src, pad_iota % N])
    dst_p = jnp.concatenate([dst, N + pad_iota % CHUNK])
    xc = x_cat.astype(jnp.int32)
    row = lambda v: v.reshape(1, -1)

    x0 = _featurize(x_num, xc, emb0[:CARD_USED], emb1[:CARD_USED],
                    emb2[:CARD_USED], emb3[:CARD_USED], W_in, row(b_in))

    cnt = _make_deg_count()(dst_p)
    acc1 = _make_seg_agg()(x0, src_p, dst_p)
    x1 = _sage_dense(False, acc1[0], acc1[1], cnt[0], cnt[1], x0,
                     Wl1, row(bl1), Wr1, row(g1), row(be1))

    acc2 = _make_seg_agg()(x1, src_p, dst_p)
    out = _sage_dense(True, acc2[0], acc2[1], cnt[0], cnt[1], x1,
                      Wl2, row(bl2), Wr2, row(g2), row(be2),
                      extra=(Wh1, row(bh1), Wh2, bh2.reshape(1, 1)))
    return out[:, 0]

# --- scband reference (transcript-rebuilt; emitter-appended) ---
"""Pipeline reference for scband-sagewith-cats-22247930593832 (READ-ONLY COPY).

The authoritative reference and input builder live on the scoring server;
editing this copy changes nothing except your own understanding.
"""

import jax, jax.numpy as jnp
import numpy as np

N = 10000
E = 320000
NUM_IN = 128
HID = 128
CARDS = [1000, 100000, 50, 10000]
EDIMS = [10, 24, 5, 18]
IN_DIM = NUM_IN + sum(EDIMS)


def setup_inputs(seed: int = 0):
    key = jax.random.key(seed)
    ks = jax.random.split(key, 32)
    inp = {}
    inp['x_num'] = jax.random.normal(ks[0], (N, NUM_IN), jnp.float32)
    inp['x_cat'] = jax.random.randint(ks[1], (N, 4), 0, 50)
    inp['edge_index'] = jax.random.randint(ks[2], (2, E), 0, N)
    for j, (c, d) in enumerate(zip(CARDS, EDIMS)):
        inp[f'emb{j}'] = 0.02 * jax.random.normal(ks[3 + j], (c, d), jnp.float32)

    def lin(k, fi, fo):
        lim = 1.0 / np.sqrt(fi)
        k1, k2 = jax.random.split(k)
        W = jax.random.uniform(k1, (fi, fo), jnp.float32, -lim, lim)
        b = jax.random.uniform(k2, (fo,), jnp.float32, -lim, lim)
        return W, b

    inp['W_in'], inp['b_in'] = lin(ks[8], IN_DIM, HID)
    inp['Wl1'], inp['bl1'] = lin(ks[9], HID, HID)
    inp['Wr1'], _ = lin(ks[10], HID, HID)
    inp['g1'] = jnp.ones((HID,), jnp.float32)
    inp['be1'] = jnp.zeros((HID,), jnp.float32)
    inp['Wl2'], inp['bl2'] = lin(ks[11], HID, HID)
    inp['Wr2'], _ = lin(ks[12], HID, HID)
    inp['g2'] = jnp.ones((HID,), jnp.float32)
    inp['be2'] = jnp.zeros((HID,), jnp.float32)
    inp['Wh1'], inp['bh1'] = lin(ks[13], HID, 64)
    inp['Wh2'], inp['bh2'] = lin(ks[14], 64, 1)
    return inp


def _ln(x, g, b):
    mu = x.mean(-1, keepdims=True)
    var = ((x - mu) ** 2).mean(-1, keepdims=True)
    return (x - mu) / jnp.sqrt(var + 1e-5) * g + b


def _sage(x, src, dst, Wl, bl, Wr):
    # PyG SAGEConv with mean aggregation: lin_l(mean_{j in N(i)} x_j) + lin_r(x_i)
    s = jax.ops.segment_sum(x[src], dst, num_segments=N)
    cnt = jax.ops.segment_sum(jnp.ones((src.shape[0], 1), x.dtype), dst, num_segments=N)
    mean = s / jnp.clip(cnt, 1.0)
    return mean @ Wl + bl + x @ Wr


def reference(x_num, x_cat, edge_index, emb0, emb1, emb2, emb3, W_in, b_in,
              Wl1, bl1, Wr1, g1, be1, Wl2, bl2, Wr2, g2, be2, Wh1, bh1, Wh2, bh2):
    zc = jnp.concatenate([emb0[x_cat[:, 0]], emb1[x_cat[:, 1]],
                          emb2[x_cat[:, 2]], emb3[x_cat[:, 3]]], axis=1)
    x = jax.nn.relu(jnp.concatenate([x_num, zc], axis=1) @ W_in + b_in)
    src, dst = edge_index[0], edge_index[1]
    x1 = jax.nn.relu(_ln(_sage(x, src, dst, Wl1, bl1, Wr1), g1, be1))
    x = x + 0.5 * x1
    x2 = jax.nn.relu(_ln(_sage(x, src, dst, Wl2, bl2, Wr2), g2, be2))
    x = x + 0.5 * x2
    out = jax.nn.relu(x @ Wh1 + bh1) @ Wh2 + bh2
    return out.squeeze(-1)

if __name__ == "__main__":
    import jax
    _d = setup_inputs()
    print(jax.jit(kernel)(*tuple(_d.values())))

</pallas_src>

<mosaic_0001>
#map = affine_map<(d0, d1) -> (0)>
#map1 = affine_map<(d0, d1) -> (0, 0, 0)>
module attributes {stable_mosaic.version = 14 : i64} {
  func.func @body(%arg0: i32, %arg1: i32, %arg2: memref<344064xi32, #tpu.memory_space<hbm>>, %arg3: memref<2x10000x128xf32, #tpu.memory_space<hbm>>, %arg4: memref<128xi32, #tpu.memory_space<vmem>>, %arg5: memref<128xi32, #tpu.memory_space<vmem>>, %arg6: memref<128xi32, #tpu.memory_space<vmem>>, %arg7: memref<128x128xf32, #tpu.memory_space<vmem>>, %arg8: memref<128x128xf32, #tpu.memory_space<vmem>>, %arg9: memref<10128x128xf32, #tpu.memory_space<vmem_shared>>, %arg10: memref<!tpu.dma_semaphore, #tpu.memory_space<semaphore_mem>>, %arg11: memref<!tpu.dma_semaphore, #tpu.memory_space<semaphore_mem>>, %arg12: memref<!tpu.dma_semaphore, #tpu.memory_space<semaphore_mem>>) attributes {dimension_semantics = [#tpu.dimension_semantics<core_parallel>, #tpu.dimension_semantics<subcore_parallel>], iteration_bounds = array<i64: 2, 16>, scalar_prefetch = 0 : i64, scratch_operands = 9 : i64, tpu.core_type = #tpu.core_type<sc_vector_subcore>, window_params = [{transform_indices = #map}, {transform_indices = #map1}]} {
    %scan3A = arith.constant 0 : i32
    %scan3A_0 = arith.constant 0 : i32
    %scan3A_1 = arith.constant 1024 : i32
    %scan3A_2 = arith.addi %scan3A_0, %scan3A_1 : i32
    %scan3A_3 = arith.constant 1 : i32
    %scan3A_4 = scf.for %scan3A_56 = %scan3A_0 to %scan3A_2 step %scan3A_3 iter_args(%scan3A_57 = %scan3A) -> (i32)  : i32 {
      %jit3A = arith.constant 8 : i32
      %div3A = arith.divsi %scan3A_56, %jit3A : i32
      %sign3A = arith.constant 0 : i32
      %sign3A_58 = arith.cmpi sgt, %scan3A_56, %sign3A : i32
      %sign3A_59 = arith.extui %sign3A_58 : i1 to i32
      %sign3A_60 = arith.constant 0 : i32
      %sign3A_61 = arith.cmpi slt, %scan3A_56, %sign3A_60 : i32
      %sign3A_62 = arith.extui %sign3A_61 : i1 to i32
      %sign3A_63 = arith.subi %sign3A_59, %sign3A_62 : i32
      %sign3A_64 = arith.constant 0 : i32
      %sign3A_65 = arith.cmpi sgt, %jit3A, %sign3A_64 : i32
      %sign3A_66 = arith.extui %sign3A_65 : i1 to i32
      %sign3A_67 = arith.constant 0 : i32
      %sign3A_68 = arith.cmpi slt, %jit3A, %sign3A_67 : i32
      %sign3A_69 = arith.extui %sign3A_68 : i1 to i32
      %sign3A_70 = arith.subi %sign3A_66, %sign3A_69 : i32
      %ne3A = arith.cmpi ne, %sign3A_63, %sign3A_70 : i32
      %rem3A = arith.remsi %scan3A_56, %jit3A : i32
      %ne3A_71 = arith.constant 0 : i32
      %ne3A_72 = arith.cmpi ne, %rem3A, %ne3A_71 : i32
      %and3A = arith.andi %ne3A, %ne3A_72 : i1
      %sub3A = arith.constant 1 : i32
      %sub3A_73 = arith.subi %div3A, %sub3A : i32
      %select_n3A = arith.select %and3A, %sub3A_73, %div3A : i32
      %jit3A_74 = arith.constant 8 : i32
      %eq3A_75 = arith.constant 0 : i32
      %eq3A_76 = arith.cmpi eq, %jit3A_74, %eq3A_75 : i32
      %jit3A_77 = arith.constant 1 : i32
      %select_n3A_78 = arith.select %eq3A_76, %jit3A_77, %jit3A_74 : i32
      %rem3A_79 = arith.remsi %scan3A_56, %select_n3A_78 : i32
      %ne3A_80 = arith.constant 0 : i32
      %ne3A_81 = arith.cmpi ne, %rem3A_79, %ne3A_80 : i32
      %lt3A = arith.constant 0 : i32
      %lt3A_82 = arith.cmpi slt, %rem3A_79, %lt3A : i32
      %lt3A_83 = arith.constant 0 : i32
      %lt3A_84 = arith.cmpi slt, %select_n3A_78, %lt3A_83 : i32
      %ne3A_85 = arith.xori %lt3A_82, %lt3A_84 : i1
      %and3A_86 = arith.andi %ne3A_85, %ne3A_81 : i1
      %add3A_87 = arith.addi %rem3A_79, %select_n3A_78 : i32
      %select_n3A_88 = arith.select %and3A_86, %add3A_87, %rem3A_79 : i32
      %mul3A_89 = arith.constant 16 : i32
      %mul3A_90 = arith.muli %select_n3A_88, %mul3A_89 : i32
      %broadcast_in_dim3A = arith.constant 0.000000e+00 : f32
      %broadcast_in_dim3A_91 = vector.broadcast %broadcast_in_dim3A : f32 to vector<16xf32>
      %swap3A = arith.index_cast %select_n3A : i32 to index
      %swap3A_92 = arith.index_cast %mul3A_90 : i32 to index
      %swap3A_93 = tpu.vector_load %arg8[%swap3A, %swap3A_92] {strides = array<i32>} : memref<128x128xf32, #tpu.memory_space<vmem>>, vector<1x16xf32>,
      %swap3A_94 = vector.shape_cast %swap3A_93 : vector<1x16xf32> to vector<16xf32>
      %swap3A_95 = vector.shape_cast %broadcast_in_dim3A_91 : vector<16xf32> to vector<1x16xf32>
      tpu.vector_store %arg8[%swap3A, %swap3A_92], %swap3A_95 {strides = array<i32>} : memref<128x128xf32, #tpu.memory_space<vmem>>, vector<1x16xf32>,
      %scan3A_96 = arith.constant 0 : i32
      scf.yield %scan3A_96 : i32
    }
    %scan3A_5 = arith.constant 1024 : i32
    %scan3A_6 = arith.constant 0 : i32
    %scan3A_7 = arith.constant 0 : i32
    %scan3A_8 = arith.constant 1024 : i32
    %scan3A_9 = arith.addi %scan3A_7, %scan3A_8 : i32
    %scan3A_10 = arith.constant 1 : i32
    %scan3A_11 = scf.for %scan3A_56 = %scan3A_7 to %scan3A_9 step %scan3A_10 iter_args(%scan3A_57 = %scan3A_6) -> (i32)  : i32 {
      %jit3A = arith.constant 8 : i32
      %div3A = arith.divsi %scan3A_56, %jit3A : i32
      %sign3A = arith.constant 0 : i32
      %sign3A_58 = arith.cmpi sgt, %scan3A_56, %sign3A : i32
      %sign3A_59 = arith.extui %sign3A_58 : i1 to i32
      %sign3A_60 = arith.constant 0 : i32
      %sign3A_61 = arith.cmpi slt, %scan3A_56, %sign3A_60 : i32
      %sign3A_62 = arith.extui %sign3A_61 : i1 to i32
      %sign3A_63 = arith.subi %sign3A_59, %sign3A_62 : i32
      %sign3A_64 = arith.constant 0 : i32
      %sign3A_65 = arith.cmpi sgt, %jit3A, %sign3A_64 : i32
      %sign3A_66 = arith.extui %sign3A_65 : i1 to i32
      %sign3A_67 = arith.constant 0 : i32
      %sign3A_68 = arith.cmpi slt, %jit3A, %sign3A_67 : i32
      %sign3A_69 = arith.extui %sign3A_68 : i1 to i32
      %sign3A_70 = arith.subi %sign3A_66, %sign3A_69 : i32
      %ne3A = arith.cmpi ne, %sign3A_63, %sign3A_70 : i32
      %rem3A = arith.remsi %scan3A_56, %jit3A : i32
      %ne3A_71 = arith.constant 0 : i32
      %ne3A_72 = arith.cmpi ne, %rem3A, %ne3A_71 : i32
      %and3A = arith.andi %ne3A, %ne3A_72 : i1
      %sub3A = arith.constant 1 : i32
      %sub3A_73 = arith.subi %div3A, %sub3A : i32
      %select_n3A = arith.select %and3A, %sub3A_73, %div3A : i32
      %jit3A_74 = arith.constant 8 : i32
      %eq3A_75 = arith.constant 0 : i32
      %eq3A_76 = arith.cmpi eq, %jit3A_74, %eq3A_75 : i32
      %jit3A_77 = arith.constant 1 : i32
      %select_n3A_78 = arith.select %eq3A_76, %jit3A_77, %jit3A_74 : i32
      %rem3A_79 = arith.remsi %scan3A_56, %select_n3A_78 : i32
      %ne3A_80 = arith.constant 0 : i32
      %ne3A_81 = arith.cmpi ne, %rem3A_79, %ne3A_80 : i32
      %lt3A = arith.constant 0 : i32
      %lt3A_82 = arith.cmpi slt, %rem3A_79, %lt3A : i32
      %lt3A_83 = arith.constant 0 : i32
      %lt3A_84 = arith.cmpi slt, %select_n3A_78, %lt3A_83 : i32
      %ne3A_85 = arith.xori %lt3A_82, %lt3A_84 : i1
      %and3A_86 = arith.andi %ne3A_85, %ne3A_81 : i1
      %add3A_87 = arith.addi %rem3A_79, %select_n3A_78 : i32
      %select_n3A_88 = arith.select %and3A_86, %add3A_87, %rem3A_79 : i32
      %mul3A_89 = arith.constant 16 : i32
      %mul3A_90 = arith.muli %select_n3A_88, %mul3A_89 : i32
      %broadcast_in_dim3A = arith.constant 1.000000e+00 : f32
      %broadcast_in_dim3A_91 = vector.broadcast %broadcast_in_dim3A : f32 to vector<16xf32>
      %swap3A = arith.index_cast %select_n3A : i32 to index
      %swap3A_92 = arith.index_cast %mul3A_90 : i32 to index
      %swap3A_93 = tpu.vector_load %arg7[%swap3A, %swap3A_92] {strides = array<i32>} : memref<128x128xf32, #tpu.memory_space<vmem>>, vector<1x16xf32>,
      %swap3A_94 = vector.shape_cast %swap3A_93 : vector<1x16xf32> to vector<16xf32>
      %swap3A_95 = vector.shape_cast %broadcast_in_dim3A_91 : vector<16xf32> to vector<1x16xf32>
      tpu.vector_store %arg7[%swap3A, %swap3A_92], %swap3A_95 {strides = array<i32>} : memref<128x128xf32, #tpu.memory_space<vmem>>, vector<1x16xf32>,
      %scan3A_96 = arith.constant 0 : i32
      scf.yield %scan3A_96 : i32
    }
    %scan3A_12 = arith.constant 1024 : i32
    %mul3A = arith.constant 624 : i32
    %mul3A_13 = arith.muli %arg1, %mul3A : i32
    %add3A = arith.constant 0 : i32
    %add3A_14 = arith.addi %mul3A_13, %add3A : i32
    "tpu.region"() ({
      %run_scoped3A = tpu.sem_alloc : memref<!tpu.dma_semaphore, #tpu.memory_space<semaphore_mem>>
      %dma_start3A_56 = arith.constant 0 : i32
      %dma_start3A_57 = tpu.memref_slice %arg9[%add3A_14, %dma_start3A_56] : memref<10128x128xf32, #tpu.memory_space<vmem_shared>> -> memref<128x128xf32, #tpu.memory_space<vmem_shared>>
      %dma_start3A_58 = arith.constant 0 : i32
      %dma_start3A_59 = tpu.memref_slice %arg9[%add3A_14, %dma_start3A_58] : memref<10128x128xf32, #tpu.memory_space<vmem_shared>> -> memref<128x128xf32, #tpu.memory_space<vmem_shared>>
      tpu.enqueue_dma source(%arg8 : memref<128x128xf32, #tpu.memory_space<vmem>>) target(%dma_start3A_59 : memref<128x128xf32, #tpu.memory_space<vmem_shared>>) target_semaphore(%run_scoped3A : memref<!tpu.dma_semaphore, #tpu.memory_space<semaphore_mem>>)
      %dma_wait3A = arith.constant 0 : i32
      %dma_wait3A_60 = tpu.memref_slice %arg9[%add3A_14, %dma_wait3A] : memref<10128x128xf32, #tpu.memory_space<vmem_shared>> -> memref<128x128xf32, #tpu.memory_space<vmem_shared>>
      %dma_wait3A_61 = arith.constant 0 : i32
      %dma_wait3A_62 = tpu.memref_slice %arg9[%add3A_14, %dma_wait3A_61] : memref<10128x128xf32, #tpu.memory_space<vmem_shared>> -> memref<128x128xf32, #tpu.memory_space<vmem_shared>>
      tpu.wait_dma2 semaphore(%run_scoped3A : memref<!tpu.dma_semaphore, #tpu.memory_space<semaphore_mem>>) src(%arg8 : memref<128x128xf32, #tpu.memory_space<vmem>>) dst(%dma_wait3A_62 : memref<128x128xf32, #tpu.memory_space<vmem_shared>>)
      tpu.yield
    }) : () -> ()
    %add3A_15 = arith.constant 128 : i32
    %add3A_16 = arith.addi %mul3A_13, %add3A_15 : i32
    "tpu.region"() ({
      %run_scoped3A = tpu.sem_alloc : memref<!tpu.dma_semaphore, #tpu.memory_space<semaphore_mem>>
      %dma_start3A_56 = arith.constant 0 : i32
      %dma_start3A_57 = tpu.memref_slice %arg9[%add3A_16, %dma_start3A_56] : memref<10128x128xf32, #tpu.memory_space<vmem_shared>> -> memref<128x128xf32, #tpu.memory_space<vmem_shared>>
      %dma_start3A_58 = arith.constant 0 : i32
      %dma_start3A_59 = tpu.memref_slice %arg9[%add3A_16, %dma_start3A_58] : memref<10128x128xf32, #tpu.memory_space<vmem_shared>> -> memref<128x128xf32, #tpu.memory_space<vmem_shared>>
      tpu.enqueue_dma source(%arg8 : memref<128x128xf32, #tpu.memory_space<vmem>>) target(%dma_start3A_59 : memref<128x128xf32, #tpu.memory_space<vmem_shared>>) target_semaphore(%run_scoped3A : memref<!tpu.dma_semaphore, #tpu.memory_space<semaphore_mem>>)
      %dma_wait3A = arith.constant 0 : i32
      %dma_wait3A_60 = tpu.memref_slice %arg9[%add3A_16, %dma_wait3A] : memref<10128x128xf32, #tpu.memory_space<vmem_shared>> -> memref<128x128xf32, #tpu.memory_space<vmem_shared>>
      %dma_wait3A_61 = arith.constant 0 : i32
      %dma_wait3A_62 = tpu.memref_slice %arg9[%add3A_16, %dma_wait3A_61] : memref<10128x128xf32, #tpu.memory_space<vmem_shared>> -> memref<128x128xf32, #tpu.memory_space<vmem_shared>>
      tpu.wait_dma2 semaphore(%run_scoped3A : memref<!tpu.dma_semaphore, #tpu.memory_space<semaphore_mem>>) src(%arg8 : memref<128x128xf32, #tpu.memory_space<vmem>>) dst(%dma_wait3A_62 : memref<128x128xf32, #tpu.memory_space<vmem_shared>>)
      tpu.yield
    }) : () -> ()
    %add3A_17 = arith.constant 256 : i32
    %add3A_18 = arith.addi %mul3A_13, %add3A_17 : i32
    "tpu.region"() ({
      %run_scoped3A = tpu.sem_alloc : memref<!tpu.dma_semaphore, #tpu.memory_space<semaphore_mem>>
      %dma_start3A_56 = arith.constant 0 : i32
      %dma_start3A_57 = tpu.memref_slice %arg9[%add3A_18, %dma_start3A_56] : memref<10128x128xf32, #tpu.memory_space<vmem_shared>> -> memref<128x128xf32, #tpu.memory_space<vmem_shared>>
      %dma_start3A_58 = arith.constant 0 : i32
      %dma_start3A_59 = tpu.memref_slice %arg9[%add3A_18, %dma_start3A_58] : memref<10128x128xf32, #tpu.memory_space<vmem_shared>> -> memref<128x128xf32, #tpu.memory_space<vmem_shared>>
      tpu.enqueue_dma source(%arg8 : memref<128x128xf32, #tpu.memory_space<vmem>>) target(%dma_start3A_59 : memref<128x128xf32, #tpu.memory_space<vmem_shared>>) target_semaphore(%run_scoped3A : memref<!tpu.dma_semaphore, #tpu.memory_space<semaphore_mem>>)
      %dma_wait3A = arith.constant 0 : i32
      %dma_wait3A_60 = tpu.memref_slice %arg9[%add3A_18, %dma_wait3A] : memref<10128x128xf32, #tpu.memory_space<vmem_shared>> -> memref<128x128xf32, #tpu.memory_space<vmem_shared>>
      %dma_wait3A_61 = arith.constant 0 : i32
      %dma_wait3A_62 = tpu.memref_slice %arg9[%add3A_18, %dma_wait3A_61] : memref<10128x128xf32, #tpu.memory_space<vmem_shared>> -> memref<128x128xf32, #tpu.memory_space<vmem_shared>>
      tpu.wait_dma2 semaphore(%run_scoped3A : memref<!tpu.dma_semaphore, #tpu.memory_space<semaphore_mem>>) src(%arg8 : memref<128x128xf32, #tpu.memory_space<vmem>>) dst(%dma_wait3A_62 : memref<128x128xf32, #tpu.memory_space<vmem_shared>>)
      tpu.yield
    }) : () -> ()
    %add3A_19 = arith.constant 384 : i32
    %add3A_20 = arith.addi %mul3A_13, %add3A_19 : i32
    "tpu.region"() ({
      %run_scoped3A = tpu.sem_alloc : memref<!tpu.dma_semaphore, #tpu.memory_space<semaphore_mem>>
      %dma_start3A_56 = arith.constant 0 : i32
      %dma_start3A_57 = tpu.memref_slice %arg9[%add3A_20, %dma_start3A_56] : memref<10128x128xf32, #tpu.memory_space<vmem_shared>> -> memref<128x128xf32, #tpu.memory_space<vmem_shared>>
      %dma_start3A_58 = arith.constant 0 : i32
      %dma_start3A_59 = tpu.memref_slice %arg9[%add3A_20, %dma_start3A_58] : memref<10128x128xf32, #tpu.memory_space<vmem_shared>> -> memref<128x128xf32, #tpu.memory_space<vmem_shared>>
      tpu.enqueue_dma source(%arg8 : memref<128x128xf32, #tpu.memory_space<vmem>>) target(%dma_start3A_59 : memref<128x128xf32, #tpu.memory_space<vmem_shared>>) target_semaphore(%run_scoped3A : memref<!tpu.dma_semaphore, #tpu.memory_space<semaphore_mem>>)
      %dma_wait3A = arith.constant 0 : i32
      %dma_wait3A_60 = tpu.memref_slice %arg9[%add3A_20, %dma_wait3A] : memref<10128x128xf32, #tpu.memory_space<vmem_shared>> -> memref<128x128xf32, #tpu.memory_space<vmem_shared>>
      %dma_wait3A_61 = arith.constant 0 : i32
      %dma_wait3A_62 = tpu.memref_slice %arg9[%add3A_20, %dma_wait3A_61] : memref<10128x128xf32, #tpu.memory_space<vmem_shared>> -> memref<128x128xf32, #tpu.memory_space<vmem_shared>>
      tpu.wait_dma2 semaphore(%run_scoped3A : memref<!tpu.dma_semaphore, #tpu.memory_space<semaphore_mem>>) src(%arg8 : memref<128x128xf32, #tpu.memory_space<vmem>>) dst(%dma_wait3A_62 : memref<128x128xf32, #tpu.memory_space<vmem_shared>>)
      tpu.yield
    }) : () -> ()
    %add3A_21 = arith.constant 512 : i32
    %add3A_22 = arith.addi %mul3A_13, %add3A_21 : i32
    "tpu.region"() ({
      %run_scoped3A = tpu.sem_alloc : memref<!tpu.dma_semaphore, #tpu.memory_space<semaphore_mem>>
      %dma_start3A_56 = arith.constant 0 : i32
      %dma_start3A_57 = arith.constant 0 : i32
      %dma_start3A_58 = tpu.memref_slice %arg8[%dma_start3A_56, %dma_start3A_57] : memref<128x128xf32, #tpu.memory_space<vmem>> -> memref<112x128xf32, #tpu.memory_space<vmem>>
      %dma_start3A_59 = arith.constant 0 : i32
      %dma_start3A_60 = tpu.memref_slice %arg9[%add3A_22, %dma_start3A_59] : memref<10128x128xf32, #tpu.memory_space<vmem_shared>> -> memref<112x128xf32, #tpu.memory_space<vmem_shared>>
      %dma_start3A_61 = arith.constant 0 : i32
      %dma_start3A_62 = tpu.memref_slice %arg9[%add3A_22, %dma_start3A_61] : memref<10128x128xf32, #tpu.memory_space<vmem_shared>> -> memref<112x128xf32, #tpu.memory_space<vmem_shared>>
      %dma_start3A_63 = arith.constant 0 : i32
      %dma_start3A_64 = arith.constant 0 : i32
      %dma_start3A_65 = tpu.memref_slice %arg8[%dma_start3A_63, %dma_start3A_64] : memref<128x128xf32, #tpu.memory_space<vmem>> -> memref<112x128xf32, #tpu.memory_space<vmem>>
      tpu.enqueue_dma source(%dma_start3A_65 : memref<112x128xf32, #tpu.memory_space<vmem>>) target(%dma_start3A_62 : memref<112x128xf32, #tpu.memory_space<vmem_shared>>) target_semaphore(%run_scoped3A : memref<!tpu.dma_semaphore, #tpu.memory_space<semaphore_mem>>)
      %dma_wait3A = arith.constant 0 : i32
      %dma_wait3A_66 = arith.constant 0 : i32
      %dma_wait3A_67 = tpu.memref_slice %arg8[%dma_wait3A, %dma_wait3A_66] : memref<128x128xf32, #tpu.memory_space<vmem>> -> memref<112x128xf32, #tpu.memory_space<vmem>>
      %dma_wait3A_68 = arith.constant 0 : i32
      %dma_wait3A_69 = tpu.memref_slice %arg9[%add3A_22, %dma_wait3A_68] : memref<10128x128xf32, #tpu.memory_space<vmem_shared>> -> memref<112x128xf32, #tpu.memory_space<vmem_shared>>
      %dma_wait3A_70 = arith.constant 0 : i32
      %dma_wait3A_71 = tpu.memref_slice %arg9[%add3A_22, %dma_wait3A_70] : memref<10128x128xf32, #tpu.memory_space<vmem_shared>> -> memref<112x128xf32, #tpu.memory_space<vmem_shared>>
      %dma_wait3A_72 = arith.constant 0 : i32
      %dma_wait3A_73 = arith.constant 0 : i32
      %dma_wait3A_74 = tpu.memref_slice %arg8[%dma_wait3A_72, %dma_wait3A_73] : memref<128x128xf32, #tpu.memory_space<vmem>> -> memref<112x128xf32, #tpu.memory_space<vmem>>
      tpu.wait_dma2 semaphore(%run_scoped3A : memref<!tpu.dma_semaphore, #tpu.memory_space<semaphore_mem>>) src(%dma_wait3A_74 : memref<112x128xf32, #tpu.memory_space<vmem>>) dst(%dma_wait3A_71 : memref<112x128xf32, #tpu.memory_space<vmem_shared>>)
      tpu.yield
    }) : () -> ()
    %eq3A = arith.constant 15 : i32
    %eq3A_23 = arith.cmpi eq, %arg1, %eq3A : i32
    %convert_element_type3A = arith.extui %eq3A_23 : i1 to i32
    %cond3A = arith.constant 0 : i32
    %cond3A_24 = arith.cmpi ne, %convert_element_type3A, %cond3A : i32
    scf.if %cond3A_24 {
      "tpu.region"() ({
        %run_scoped3A = tpu.sem_alloc : memref<!tpu.dma_semaphore, #tpu.memory_space<semaphore_mem>>
        %dma_start3A_56 = arith.constant 0 : i32
        %dma_start3A_57 = arith.constant 0 : i32
        %dma_start3A_58 = tpu.memref_slice %arg8[%dma_start3A_56, %dma_start3A_57] : memref<128x128xf32, #tpu.memory_space<vmem>> -> memref<128x128xf32, #tpu.memory_space<vmem>>
        %dma_start3A_59 = arith.constant 9984 : i32
        %dma_start3A_60 = arith.constant 0 : i32
        %dma_start3A_61 = tpu.memref_slice %arg9[%dma_start3A_59, %dma_start3A_60] : memref<10128x128xf32, #tpu.memory_space<vmem_shared>> -> memref<128x128xf32, #tpu.memory_space<vmem_shared>>
        %dma_start3A_62 = arith.constant 9984 : i32
        %dma_start3A_63 = arith.constant 0 : i32
        %dma_start3A_64 = tpu.memref_slice %arg9[%dma_start3A_62, %dma_start3A_63] : memref<10128x128xf32, #tpu.memory_space<vmem_shared>> -> memref<128x128xf32, #tpu.memory_space<vmem_shared>>
        %dma_start3A_65 = arith.constant 0 : i32
        %dma_start3A_66 = arith.constant 0 : i32
        %dma_start3A_67 = tpu.memref_slice %arg8[%dma_start3A_65, %dma_start3A_66] : memref<128x128xf32, #tpu.memory_space<vmem>> -> memref<128x128xf32, #tpu.memory_space<vmem>>
        tpu.enqueue_dma source(%dma_start3A_67 : memref<128x128xf32, #tpu.memory_space<vmem>>) target(%dma_start3A_64 : memref<128x128xf32, #tpu.memory_space<vmem_shared>>) target_semaphore(%run_scoped3A : memref<!tpu.dma_semaphore, #tpu.memory_space<semaphore_mem>>)
        %dma_wait3A = arith.constant 0 : i32
        %dma_wait3A_68 = arith.constant 0 : i32
        %dma_wait3A_69 = tpu.memref_slice %arg8[%dma_wait3A, %dma_wait3A_68] : memref<128x128xf32, #tpu.memory_space<vmem>> -> memref<128x128xf32, #tpu.memory_space<vmem>>
        %dma_wait3A_70 = arith.constant 9984 : i32
        %dma_wait3A_71 = arith.constant 0 : i32
        %dma_wait3A_72 = tpu.memref_slice %arg9[%dma_wait3A_70, %dma_wait3A_71] : memref<10128x128xf32, #tpu.memory_space<vmem_shared>> -> memref<128x128xf32, #tpu.memory_space<vmem_shared>>
        %dma_wait3A_73 = arith.constant 9984 : i32
        %dma_wait3A_74 = arith.constant 0 : i32
        %dma_wait3A_75 = tpu.memref_slice %arg9[%dma_wait3A_73, %dma_wait3A_74] : memref<10128x128xf32, #tpu.memory_space<vmem_shared>> -> memref<128x128xf32, #tpu.memory_space<vmem_shared>>
        %dma_wait3A_76 = arith.constant 0 : i32
        %dma_wait3A_77 = arith.constant 0 : i32
        %dma_wait3A_78 = tpu.memref_slice %arg8[%dma_wait3A_76, %dma_wait3A_77] : memref<128x128xf32, #tpu.memory_space<vmem>> -> memref<128x128xf32, #tpu.memory_space<vmem>>
        tpu.wait_dma2 semaphore(%run_scoped3A : memref<!tpu.dma_semaphore, #tpu.memory_space<semaphore_mem>>) src(%dma_wait3A_78 : memref<128x128xf32, #tpu.memory_space<vmem>>) dst(%dma_wait3A_75 : memref<128x128xf32, #tpu.memory_space<vmem_shared>>)
        tpu.yield
      }) : () -> ()
      "tpu.region"() ({
        %run_scoped3A = tpu.sem_alloc : memref<!tpu.dma_semaphore, #tpu.memory_space<semaphore_mem>>
        %dma_start3A_56 = arith.constant 0 : i32
        %dma_start3A_57 = arith.constant 0 : i32
        %dma_start3A_58 = tpu.memref_slice %arg8[%dma_start3A_56, %dma_start3A_57] : memref<128x128xf32, #tpu.memory_space<vmem>> -> memref<16x128xf32, #tpu.memory_space<vmem>>
        %dma_start3A_59 = arith.constant 10112 : i32
        %dma_start3A_60 = arith.constant 0 : i32
        %dma_start3A_61 = tpu.memref_slice %arg9[%dma_start3A_59, %dma_start3A_60] : memref<10128x128xf32, #tpu.memory_space<vmem_shared>> -> memref<16x128xf32, #tpu.memory_space<vmem_shared>>
        %dma_start3A_62 = arith.constant 10112 : i32
        %dma_start3A_63 = arith.constant 0 : i32
        %dma_start3A_64 = tpu.memref_slice %arg9[%dma_start3A_62, %dma_start3A_63] : memref<10128x128xf32, #tpu.memory_space<vmem_shared>> -> memref<16x128xf32, #tpu.memory_space<vmem_shared>>
        %dma_start3A_65 = arith.constant 0 : i32
        %dma_start3A_66 = arith.constant 0 : i32
        %dma_start3A_67 = tpu.memref_slice %arg8[%dma_start3A_65, %dma_start3A_66] : memref<128x128xf32, #tpu.memory_space<vmem>> -> memref<16x128xf32, #tpu.memory_space<vmem>>
        tpu.enqueue_dma source(%dma_start3A_67 : memref<16x128xf32, #tpu.memory_space<vmem>>) target(%dma_start3A_64 : memref<16x128xf32, #tpu.memory_space<vmem_shared>>) target_semaphore(%run_scoped3A : memref<!tpu.dma_semaphore, #tpu.memory_space<semaphore_mem>>)
        %dma_wait3A = arith.constant 0 : i32
        %dma_wait3A_68 = arith.constant 0 : i32
        %dma_wait3A_69 = tpu.memref_slice %arg8[%dma_wait3A, %dma_wait3A_68] : memref<128x128xf32, #tpu.memory_space<vmem>> -> memref<16x128xf32, #tpu.memory_space<vmem>>
        %dma_wait3A_70 = arith.constant 10112 : i32
        %dma_wait3A_71 = arith.constant 0 : i32
        %dma_wait3A_72 = tpu.memref_slice %arg9[%dma_wait3A_70, %dma_wait3A_71] : memref<10128x128xf32, #tpu.memory_space<vmem_shared>> -> memref<16x128xf32, #tpu.memory_space<vmem_shared>>
        %dma_wait3A_73 = arith.constant 10112 : i32
        %dma_wait3A_74 = arith.constant 0 : i32
        %dma_wait3A_75 = tpu.memref_slice %arg9[%dma_wait3A_73, %dma_wait3A_74] : memref<10128x128xf32, #tpu.memory_space<vmem_shared>> -> memref<16x128xf32, #tpu.memory_space<vmem_shared>>
        %dma_wait3A_76 = arith.constant 0 : i32
        %dma_wait3A_77 = arith.constant 0 : i32
        %dma_wait3A_78 = tpu.memref_slice %arg8[%dma_wait3A_76, %dma_wait3A_77] : memref<128x128xf32, #tpu.memory_space<vmem>> -> memref<16x128xf32, #tpu.memory_space<vmem>>
        tpu.wait_dma2 semaphore(%run_scoped3A : memref<!tpu.dma_semaphore, #tpu.memory_space<semaphore_mem>>) src(%dma_wait3A_78 : memref<16x128xf32, #tpu.memory_space<vmem>>) dst(%dma_wait3A_75 : memref<16x128xf32, #tpu.memory_space<vmem_shared>>)
        tpu.yield
      }) : () -> ()
    } else {
    }
    %mul3A_25 = arith.constant 16 : i32
    %mul3A_26 = arith.muli %arg0, %mul3A_25 : i32
    %add3A_27 = arith.addi %mul3A_26, %arg1 : i32
    %mul3A_28 = arith.constant 10752 : i32
    %mul3A_29 = arith.muli %add3A_27, %mul3A_28 : i32
    %add3A_30 = arith.constant 0 : i32
    %add3A_31 = arith.addi %mul3A_29, %add3A_30 : i32
    %dma_start3A = tpu.memref_slice %arg2[%add3A_31] : memref<344064xi32, #tpu.memory_space<hbm>> -> memref<128xi32, #tpu.memory_space<hbm>>
    %dma_start3A_32 = tpu.memref_slice %arg2[%add3A_31] : memref<344064xi32, #tpu.memory_space<hbm>> -> memref<128xi32, #tpu.memory_space<hbm>>
    tpu.enqueue_dma source(%dma_start3A_32 : memref<128xi32, #tpu.memory_space<hbm>>) target(%arg4 : memref<128xi32, #tpu.memory_space<vmem>>) target_semaphore(%arg10 : memref<!tpu.dma_semaphore, #tpu.memory_space<semaphore_mem>>)
    %add3A_33 = arith.constant 128 : i32
    %add3A_34 = arith.addi %mul3A_29, %add3A_33 : i32
    %dma_start3A_35 = tpu.memref_slice %arg2[%add3A_34] : memref<344064xi32, #tpu.memory_space<hbm>> -> memref<128xi32, #tpu.memory_space<hbm>>
    %dma_start3A_36 = tpu.memref_slice %arg2[%add3A_34] : memref<344064xi32, #tpu.memory_space<hbm>> -> memref<128xi32, #tpu.memory_space<hbm>>
    tpu.enqueue_dma source(%dma_start3A_36 : memref<128xi32, #tpu.memory_space<hbm>>) target(%arg5 : memref<128xi32, #tpu.memory_space<vmem>>) target_semaphore(%arg11 : memref<!tpu.dma_semaphore, #tpu.memory_space<semaphore_mem>>)
    %add3A_37 = arith.constant 256 : i32
    %add3A_38 = arith.addi %mul3A_29, %add3A_37 : i32
    %dma_start3A_39 = tpu.memref_slice %arg2[%add3A_38] : memref<344064xi32, #tpu.memory_space<hbm>> -> memref<128xi32, #tpu.memory_space<hbm>>
    %dma_start3A_40 = tpu.memref_slice %arg2[%add3A_38] : memref<344064xi32, #tpu.memory_space<hbm>> -> memref<128xi32, #tpu.memory_space<hbm>>
    tpu.enqueue_dma source(%dma_start3A_40 : memref<128xi32, #tpu.memory_space<hbm>>) target(%arg6 : memref<128xi32, #tpu.memory_space<vmem>>) target_semaphore(%arg12 : memref<!tpu.dma_semaphore, #tpu.memory_space<semaphore_mem>>)
    %barrier3A = arith.constant 0 : index
    tpu.barrier barrier_id(%barrier3A)
    %scan3A_41 = arith.constant 0 : i32
    %scan3A_42 = arith.constant 0 : i32
    %scan3A_43 = arith.constant 28 : i32
    %scan3A_44 = arith.addi %scan3A_42, %scan3A_43 : i32
    %scan3A_45 = arith.constant 1 : i32
    %scan3A_46 = scf.for %scan3A_56 = %scan3A_42 to %scan3A_44 step %scan3A_45 iter_args(%scan3A_57 = %scan3A_41) -> (i32)  : i32 {
      %mul3A_58 = arith.constant 3 : i32
      %mul3A_59 = arith.muli %mul3A_58, %scan3A_56 : i32
      %add3A_60 = arith.constant 0 : i32
      %add3A_61 = arith.addi %mul3A_59, %add3A_60 : i32
      %dma_wait3A = tpu.memref_slice %arg2[%mul3A_29] : memref<344064xi32, #tpu.memory_space<hbm>> -> memref<128xi32, #tpu.memory_space<hbm>>
      %dma_wait3A_62 = tpu.memref_slice %arg2[%mul3A_29] : memref<344064xi32, #tpu.memory_space<hbm>> -> memref<128xi32, #tpu.memory_space<hbm>>
      tpu.wait_dma2 semaphore(%arg10 : memref<!tpu.dma_semaphore, #tpu.memory_space<semaphore_mem>>) src(%dma_wait3A_62 : memref<128xi32, #tpu.memory_space<hbm>>) dst(%arg4 : memref<128xi32, #tpu.memory_space<vmem>>)
      "tpu.region"() ({
        %run_scoped3A = tpu.sem_alloc : memref<!tpu.dma_semaphore, #tpu.memory_space<semaphore_mem>>
        %dma_start3A_96 = arith.constant 0 : i32
        %dma_start3A_97 = arith.constant 0 : i32
        %dma_start3A_98 = tpu.memref_slice %arg9[%dma_start3A_96, %dma_start3A_97] : memref<10128x128xf32, #tpu.memory_space<vmem_shared>> -> memref<10128x128xf32, #tpu.memory_space<vmem_shared>>
        tpu.enqueue_indirect_dma source(%arg7 : memref<128x128xf32, #tpu.memory_space<vmem>>) target(%dma_start3A_98 : memref<10128x128xf32, #tpu.memory_space<vmem_shared>>) offsets(%arg4 : memref<128xi32, #tpu.memory_space<vmem>>) semaphore(%run_scoped3A : memref<!tpu.dma_semaphore, #tpu.memory_space<semaphore_mem>>) {add = true}
        %dma_wait3A_99 = arith.constant 0 : i32
        %dma_wait3A_100 = arith.constant 0 : i32
        %dma_wait3A_101 = tpu.memref_slice %arg9[%dma_wait3A_99, %dma_wait3A_100] : memref<10128x128xf32, #tpu.memory_space<vmem_shared>> -> memref<10128x128xf32, #tpu.memory_space<vmem_shared>>
        tpu.wait_indirect_dma semaphore(%run_scoped3A : memref<!tpu.dma_semaphore, #tpu.memory_space<semaphore_mem>>) src(%arg7 : memref<128x128xf32, #tpu.memory_space<vmem>>) dst(%dma_wait3A_101 : memref<10128x128xf32, #tpu.memory_space<vmem_shared>>)
        tpu.yield
      }) : () -> ()
      %add3A_63 = arith.constant 3 : i32
      %add3A_64 = arith.addi %add3A_61, %add3A_63 : i32
      %lt3A = arith.constant 84 : i32
      %lt3A_65 = arith.cmpi slt, %add3A_64, %lt3A : i32
      %convert_element_type3A_66 = arith.extui %lt3A_65 : i1 to i32
      %cond3A_67 = arith.constant 0 : i32
      %cond3A_68 = arith.cmpi ne, %convert_element_type3A_66, %cond3A_67 : i32
      scf.if %cond3A_68 {
        %add3A_96 = arith.constant 3 : i32
        %add3A_97 = arith.addi %add3A_61, %add3A_96 : i32
        %mul3A_98 = arith.constant 128 : i32
        %mul3A_99 = arith.muli %add3A_97, %mul3A_98 : i32
        %add3A_100 = arith.addi %mul3A_29, %mul3A_99 : i32
        %dma_start3A_101 = tpu.memref_slice %arg2[%add3A_100] : memref<344064xi32, #tpu.memory_space<hbm>> -> memref<128xi32, #tpu.memory_space<hbm>>
        %dma_start3A_102 = tpu.memref_slice %arg2[%add3A_100] : memref<344064xi32, #tpu.memory_space<hbm>> -> memref<128xi32, #tpu.memory_space<hbm>>
        tpu.enqueue_dma source(%dma_start3A_102 : memref<128xi32, #tpu.memory_space<hbm>>) target(%arg4 : memref<128xi32, #tpu.memory_space<vmem>>) target_semaphore(%arg10 : memref<!tpu.dma_semaphore, #tpu.memory_space<semaphore_mem>>)
      } else {
      }
      %mul3A_69 = arith.constant 3 : i32
      %mul3A_70 = arith.muli %mul3A_69, %scan3A_56 : i32
      %add3A_71 = arith.constant 1 : i32
      %add3A_72 = arith.addi %mul3A_70, %add3A_71 : i32
      %dma_wait3A_73 = tpu.memref_slice %arg2[%mul3A_29] : memref<344064xi32, #tpu.memory_space<hbm>> -> memref<128xi32, #tpu.memory_space<hbm>>
      %dma_wait3A_74 = tpu.memref_slice %arg2[%mul3A_29] : memref<344064xi32, #tpu.memory_space<hbm>> -> memref<128xi32, #tpu.memory_space<hbm>>
      tpu.wait_dma2 semaphore(%arg11 : memref<!tpu.dma_semaphore, #tpu.memory_space<semaphore_mem>>) src(%dma_wait3A_74 : memref<128xi32, #tpu.memory_space<hbm>>) dst(%arg5 : memref<128xi32, #tpu.memory_space<vmem>>)
      "tpu.region"() ({
        %run_scoped3A = tpu.sem_alloc : memref<!tpu.dma_semaphore, #tpu.memory_space<semaphore_mem>>
        %dma_start3A_96 = arith.constant 0 : i32
        %dma_start3A_97 = arith.constant 0 : i32
        %dma_start3A_98 = tpu.memref_slice %arg9[%dma_start3A_96, %dma_start3A_97] : memref<10128x128xf32, #tpu.memory_space<vmem_shared>> -> memref<10128x128xf32, #tpu.memory_space<vmem_shared>>
        tpu.enqueue_indirect_dma source(%arg7 : memref<128x128xf32, #tpu.memory_space<vmem>>) target(%dma_start3A_98 : memref<10128x128xf32, #tpu.memory_space<vmem_shared>>) offsets(%arg5 : memref<128xi32, #tpu.memory_space<vmem>>) semaphore(%run_scoped3A : memref<!tpu.dma_semaphore, #tpu.memory_space<semaphore_mem>>) {add = true}
        %dma_wait3A_99 = arith.constant 0 : i32
        %dma_wait3A_100 = arith.constant 0 : i32
        %dma_wait3A_101 = tpu.memref_slice %arg9[%dma_wait3A_99, %dma_wait3A_100] : memref<10128x128xf32, #tpu.memory_space<vmem_shared>> -> memref<10128x128xf32, #tpu.memory_space<vmem_shared>>
        tpu.wait_indirect_dma semaphore(%run_scoped3A : memref<!tpu.dma_semaphore, #tpu.memory_space<semaphore_mem>>) src(%arg7 : memref<128x128xf32, #tpu.memory_space<vmem>>) dst(%dma_wait3A_101 : memref<10128x128xf32, #tpu.memory_space<vmem_shared>>)
        tpu.yield
      }) : () -> ()
      %add3A_75 = arith.constant 3 : i32
      %add3A_76 = arith.addi %add3A_72, %add3A_75 : i32
      %lt3A_77 = arith.constant 84 : i32
      %lt3A_78 = arith.cmpi slt, %add3A_76, %lt3A_77 : i32
      %convert_element_type3A_79 = arith.extui %lt3A_78 : i1 to i32
      %cond3A_80 = arith.constant 0 : i32
      %cond3A_81 = arith.cmpi ne, %convert_element_type3A_79, %cond3A_80 : i32
      scf.if %cond3A_81 {
        %add3A_96 = arith.constant 3 : i32
        %add3A_97 = arith.addi %add3A_72, %add3A_96 : i32
        %mul3A_98 = arith.constant 128 : i32
        %mul3A_99 = arith.muli %add3A_97, %mul3A_98 : i32
        %add3A_100 = arith.addi %mul3A_29, %mul3A_99 : i32
        %dma_start3A_101 = tpu.memref_slice %arg2[%add3A_100] : memref<344064xi32, #tpu.memory_space<hbm>> -> memref<128xi32, #tpu.memory_space<hbm>>
        %dma_start3A_102 = tpu.memref_slice %arg2[%add3A_100] : memref<344064xi32, #tpu.memory_space<hbm>> -> memref<128xi32, #tpu.memory_space<hbm>>
        tpu.enqueue_dma source(%dma_start3A_102 : memref<128xi32, #tpu.memory_space<hbm>>) target(%arg5 : memref<128xi32, #tpu.memory_space<vmem>>) target_semaphore(%arg11 : memref<!tpu.dma_semaphore, #tpu.memory_space<semaphore_mem>>)
      } else {
      }
      %mul3A_82 = arith.constant 3 : i32
      %mul3A_83 = arith.muli %mul3A_82, %scan3A_56 : i32
      %add3A_84 = arith.constant 2 : i32
      %add3A_85 = arith.addi %mul3A_83, %add3A_84 : i32
      %dma_wait3A_86 = tpu.memref_slice %arg2[%mul3A_29] : memref<344064xi32, #tpu.memory_space<hbm>> -> memref<128xi32, #tpu.memory_space<hbm>>
      %dma_wait3A_87 = tpu.memref_slice %arg2[%mul3A_29] : memref<344064xi32, #tpu.memory_space<hbm>> -> memref<128xi32, #tpu.memory_space<hbm>>
      tpu.wait_dma2 semaphore(%arg12 : memref<!tpu.dma_semaphore, #tpu.memory_space<semaphore_mem>>) src(%dma_wait3A_87 : memref<128xi32, #tpu.memory_space<hbm>>) dst(%arg6 : memref<128xi32, #tpu.memory_space<vmem>>)
      "tpu.region"() ({
        %run_scoped3A = tpu.sem_alloc : memref<!tpu.dma_semaphore, #tpu.memory_space<semaphore_mem>>
        %dma_start3A_96 = arith.constant 0 : i32
        %dma_start3A_97 = arith.constant 0 : i32
        %dma_start3A_98 = tpu.memref_slice %arg9[%dma_start3A_96, %dma_start3A_97] : memref<10128x128xf32, #tpu.memory_space<vmem_shared>> -> memref<10128x128xf32, #tpu.memory_space<vmem_shared>>
        tpu.enqueue_indirect_dma source(%arg7 : memref<128x128xf32, #tpu.memory_space<vmem>>) target(%dma_start3A_98 : memref<10128x128xf32, #tpu.memory_space<vmem_shared>>) offsets(%arg6 : memref<128xi32, #tpu.memory_space<vmem>>) semaphore(%run_scoped3A : memref<!tpu.dma_semaphore, #tpu.memory_space<semaphore_mem>>) {add = true}
        %dma_wait3A_99 = arith.constant 0 : i32
        %dma_wait3A_100 = arith.constant 0 : i32
        %dma_wait3A_101 = tpu.memref_slice %arg9[%dma_wait3A_99, %dma_wait3A_100] : memref<10128x128xf32, #tpu.memory_space<vmem_shared>> -> memref<10128x128xf32, #tpu.memory_space<vmem_shared>>
        tpu.wait_indirect_dma semaphore(%run_scoped3A : memref<!tpu.dma_semaphore, #tpu.memory_space<semaphore_mem>>) src(%arg7 : memref<128x128xf32, #tpu.memory_space<vmem>>) dst(%dma_wait3A_101 : memref<10128x128xf32, #tpu.memory_space<vmem_shared>>)
        tpu.yield
      }) : () -> ()
      %add3A_88 = arith.constant 3 : i32
      %add3A_89 = arith.addi %add3A_85, %add3A_88 : i32
      %lt3A_90 = arith.constant 84 : i32
      %lt3A_91 = arith.cmpi slt, %add3A_89, %lt3A_90 : i32
      %convert_element_type3A_92 = arith.extui %lt3A_91 : i1 to i32
      %cond3A_93 = arith.constant 0 : i32
      %cond3A_94 = arith.cmpi ne, %convert_element_type3A_92, %cond3A_93 : i32
      scf.if %cond3A_94 {
        %add3A_96 = arith.constant 3 : i32
        %add3A_97 = arith.addi %add3A_85, %add3A_96 : i32
        %mul3A_98 = arith.constant 128 : i32
        %mul3A_99 = arith.muli %add3A_97, %mul3A_98 : i32
        %add3A_100 = arith.addi %mul3A_29, %mul3A_99 : i32
        %dma_start3A_101 = tpu.memref_slice %arg2[%add3A_100] : memref<344064xi32, #tpu.memory_space<hbm>> -> memref<128xi32, #tpu.memory_space<hbm>>
        %dma_start3A_102 = tpu.memref_slice %arg2[%add3A_100] : memref<344064xi32, #tpu.memory_space<hbm>> -> memref<128xi32, #tpu.memory_space<hbm>>
        tpu.enqueue_dma source(%dma_start3A_102 : memref<128xi32, #tpu.memory_space<hbm>>) target(%arg6 : memref<128xi32, #tpu.memory_space<vmem>>) target_semaphore(%arg12 : memref<!tpu.dma_semaphore, #tpu.memory_space<semaphore_mem>>)
      } else {
      }
      %scan3A_95 = arith.constant 0 : i32
      scf.yield %scan3A_95 : i32
    }
    %scan3A_47 = arith.constant 28 : i32
    %barrier3A_48 = arith.constant 0 : index
    tpu.barrier barrier_id(%barrier3A_48)
    %mul3A_49 = arith.constant 624 : i32
    %mul3A_50 = arith.muli %arg1, %mul3A_49 : i32
    "tpu.region"() ({
      %run_scoped3A = tpu.sem_alloc : memref<!tpu.dma_semaphore, #tpu.memory_space<semaphore_mem>>
      %dma_start3A_56 = arith.constant 0 : i32
      %dma_start3A_57 = tpu.memref_slice %arg3[%arg0, %mul3A_50, %dma_start3A_56] : memref<2x10000x128xf32, #tpu.memory_space<hbm>> -> memref<1x624x128xf32, #tpu.memory_space<hbm>>
      %dma_start3A_58 = tpu.memref_squeeze %dma_start3A_57 : memref<1x624x128xf32, #tpu.memory_space<hbm>> -> memref<624x128xf32, #tpu.memory_space<hbm>>
      %dma_start3A_59 = arith.constant 0 : i32
      %dma_start3A_60 = tpu.memref_slice %arg9[%mul3A_50, %dma_start3A_59] : memref<10128x128xf32, #tpu.memory_space<vmem_shared>> -> memref<624x128xf32, #tpu.memory_space<vmem_shared>>
      tpu.enqueue_dma source(%dma_start3A_60 : memref<624x128xf32, #tpu.memory_space<vmem_shared>>) target(%dma_start3A_58 : memref<624x128xf32, #tpu.memory_space<hbm>>) target_semaphore(%run_scoped3A : memref<!tpu.dma_semaphore, #tpu.memory_space<semaphore_mem>>)
      %dma_wait3A = arith.constant 0 : i32
      %dma_wait3A_61 = tpu.memref_slice %arg3[%arg0, %mul3A_50, %dma_wait3A] : memref<2x10000x128xf32, #tpu.memory_space<hbm>> -> memref<1x624x128xf32, #tpu.memory_space<hbm>>
      %dma_wait3A_62 = tpu.memref_squeeze %dma_wait3A_61 : memref<1x624x128xf32, #tpu.memory_space<hbm>> -> memref<624x128xf32, #tpu.memory_space<hbm>>
      %dma_wait3A_63 = arith.constant 0 : i32
      %dma_wait3A_64 = tpu.memref_slice %arg9[%mul3A_50, %dma_wait3A_63] : memref<10128x128xf32, #tpu.memory_space<vmem_shared>> -> memref<624x128xf32, #tpu.memory_space<vmem_shared>>
      tpu.wait_dma2 semaphore(%run_scoped3A : memref<!tpu.dma_semaphore, #tpu.memory_space<semaphore_mem>>) src(%dma_wait3A_64 : memref<624x128xf32, #tpu.memory_space<vmem_shared>>) dst(%dma_wait3A_62 : memref<624x128xf32, #tpu.memory_space<hbm>>)
      tpu.yield
    }) : () -> ()
    %eq3A_51 = arith.constant 15 : i32
    %eq3A_52 = arith.cmpi eq, %arg1, %eq3A_51 : i32
    %convert_element_type3A_53 = arith.extui %eq3A_52 : i1 to i32
    %cond3A_54 = arith.constant 0 : i32
    %cond3A_55 = arith.cmpi ne, %convert_element_type3A_53, %cond3A_54 : i32
    scf.if %cond3A_55 {
      "tpu.region"() ({
        %run_scoped3A = tpu.sem_alloc : memref<!tpu.dma_semaphore, #tpu.memory_space<semaphore_mem>>
        %dma_start3A_56 = arith.constant 9984 : i32
        %dma_start3A_57 = arith.constant 0 : i32
        %dma_start3A_58 = tpu.memref_slice %arg3[%arg0, %dma_start3A_56, %dma_start3A_57] : memref<2x10000x128xf32, #tpu.memory_space<hbm>> -> memref<1x16x128xf32, #tpu.memory_space<hbm>>
        %dma_start3A_59 = tpu.memref_squeeze %dma_start3A_58 : memref<1x16x128xf32, #tpu.memory_space<hbm>> -> memref<16x128xf32, #tpu.memory_space<hbm>>
        %dma_start3A_60 = arith.constant 9984 : i32
        %dma_start3A_61 = arith.constant 0 : i32
        %dma_start3A_62 = tpu.memref_slice %arg9[%dma_start3A_60, %dma_start3A_61] : memref<10128x128xf32, #tpu.memory_space<vmem_shared>> -> memref<16x128xf32, #tpu.memory_space<vmem_shared>>
        tpu.enqueue_dma source(%dma_start3A_62 : memref<16x128xf32, #tpu.memory_space<vmem_shared>>) target(%dma_start3A_59 : memref<16x128xf32, #tpu.memory_space<hbm>>) target_semaphore(%run_scoped3A : memref<!tpu.dma_semaphore, #tpu.memory_space<semaphore_mem>>)
        %dma_wait3A = arith.constant 9984 : i32
        %dma_wait3A_63 = arith.constant 0 : i32
        %dma_wait3A_64 = tpu.memref_slice %arg3[%arg0, %dma_wait3A, %dma_wait3A_63] : memref<2x10000x128xf32, #tpu.memory_space<hbm>> -> memref<1x16x128xf32, #tpu.memory_space<hbm>>
        %dma_wait3A_65 = tpu.memref_squeeze %dma_wait3A_64 : memref<1x16x128xf32, #tpu.memory_space<hbm>> -> memref<16x128xf32, #tpu.memory_space<hbm>>
        %dma_wait3A_66 = arith.constant 9984 : i32
        %dma_wait3A_67 = arith.constant 0 : i32
        %dma_wait3A_68 = tpu.memref_slice %arg9[%dma_wait3A_66, %dma_wait3A_67] : memref<10128x128xf32, #tpu.memory_space<vmem_shared>> -> memref<16x128xf32, #tpu.memory_space<vmem_shared>>
        tpu.wait_dma2 semaphore(%run_scoped3A : memref<!tpu.dma_semaphore, #tpu.memory_space<semaphore_mem>>) src(%dma_wait3A_68 : memref<16x128xf32, #tpu.memory_space<vmem_shared>>) dst(%dma_wait3A_65 : memref<16x128xf32, #tpu.memory_space<hbm>>)
        tpu.yield
      }) : () -> ()
    } else {
    }
    return
  }
}

#map = affine_map<(d0, d1) -> (0, 0)>
#map1 = affine_map<(d0, d1) -> (0)>
#map2 = affine_map<(d0, d1) -> (0, 0, 0)>
module attributes {stable_mosaic.version = 14 : i64} {
  func.func @body(%arg0: i32, %arg1: i32, %arg2: memref<10000x128xf32, #tpu.memory_space<hbm>>, %arg3: memref<344064xi32, #tpu.memory_space<hbm>>, %arg4: memref<344064xi32, #tpu.memory_space<hbm>>, %arg5: memref<2x10000x128xf32, #tpu.memory_space<hbm>>, %arg6: memref<128xi32, #tpu.memory_space<vmem>>, %arg7: memref<128xi32, #tpu.memory_space<vmem>>, %arg8: memref<128xi32, #tpu.memory_space<vmem>>, %arg9: memref<128xi32, #tpu.memory_space<vmem>>, %arg10: memref<128xi32, #tpu.memory_space<vmem>>, %arg11: memref<128xi32, #tpu.memory_space<vmem>>, %arg12: memref<128x128xf32, #tpu.memory_space<vmem>>, %arg13: memref<128x128xf32, #tpu.memory_space<vmem>>, %arg14: memref<128x128xf32, #tpu.memory_space<vmem>>, %arg15: memref<10128x128xf32, #tpu.memory_space<vmem_shared>>, %arg16: memref<!tpu.dma_semaphore, #tpu.memory_space<semaphore_mem>>, %arg17: memref<!tpu.dma_semaphore, #tpu.memory_space<semaphore_mem>>, %arg18: memref<!tpu.dma_semaphore, #tpu.memory_space<semaphore_mem>>, %arg19: memref<!tpu.dma_semaphore, #tpu.memory_space<semaphore_mem>>, %arg20: memref<!tpu.dma_semaphore, #tpu.memory_space<semaphore_mem>>, %arg21: memref<!tpu.dma_semaphore, #tpu.memory_space<semaphore_mem>>) attributes {dimension_semantics = [#tpu.dimension_semantics<core_parallel>, #tpu.dimension_semantics<subcore_parallel>], iteration_bounds = array<i64: 2, 16>, scalar_prefetch = 0 : i64, scratch_operands = 16 : i64, tpu.core_type = #tpu.core_type<sc_vector_subcore>, window_params = [{transform_indices = #map}, {transform_indices = #map1}, {transform_indices = #map1}, {transform_indices = #map2}]} {
    %scan3A = arith.constant 0 : i32
    %scan3A_0 = arith.constant 0 : i32
    %scan3A_1 = arith.constant 1024 : i32
    %scan3A_2 = arith.addi %scan3A_0, %scan3A_1 : i32
    %scan3A_3 = arith.constant 1 : i32
    %scan3A_4 = scf.for %scan3A_68 = %scan3A_0 to %scan3A_2 step %scan3A_3 iter_args(%scan3A_69 = %scan3A) -> (i32)  : i32 {
      %jit3A = arith.constant 8 : i32
      %div3A = arith.divsi %scan3A_68, %jit3A : i32
      %sign3A = arith.constant 0 : i32
      %sign3A_70 = arith.cmpi sgt, %scan3A_68, %sign3A : i32
      %sign3A_71 = arith.extui %sign3A_70 : i1 to i32
      %sign3A_72 = arith.constant 0 : i32
      %sign3A_73 = arith.cmpi slt, %scan3A_68, %sign3A_72 : i32
      %sign3A_74 = arith.extui %sign3A_73 : i1 to i32
      %sign3A_75 = arith.subi %sign3A_71, %sign3A_74 : i32
      %sign3A_76 = arith.constant 0 : i32
      %sign3A_77 = arith.cmpi sgt, %jit3A, %sign3A_76 : i32
      %sign3A_78 = arith.extui %sign3A_77 : i1 to i32
      %sign3A_79 = arith.constant 0 : i32
      %sign3A_80 = arith.cmpi slt, %jit3A, %sign3A_79 : i32
      %sign3A_81 = arith.extui %sign3A_80 : i1 to i32
      %sign3A_82 = arith.subi %sign3A_78, %sign3A_81 : i32
      %ne3A = arith.cmpi ne, %sign3A_75, %sign3A_82 : i32
      %rem3A = arith.remsi %scan3A_68, %jit3A : i32
      %ne3A_83 = arith.constant 0 : i32
      %ne3A_84 = arith.cmpi ne, %rem3A, %ne3A_83 : i32
      %and3A = arith.andi %ne3A, %ne3A_84 : i1
      %sub3A = arith.constant 1 : i32
      %sub3A_85 = arith.subi %div3A, %sub3A : i32
      %select_n3A = arith.select %and3A, %sub3A_85, %div3A : i32
      %jit3A_86 = arith.constant 8 : i32
      %eq3A_87 = arith.constant 0 : i32
      %eq3A_88 = arith.cmpi eq, %jit3A_86, %eq3A_87 : i32
      %jit3A_89 = arith.constant 1 : i32
      %select_n3A_90 = arith.select %eq3A_88, %jit3A_89, %jit3A_86 : i32
      %rem3A_91 = arith.remsi %scan3A_68, %select_n3A_90 : i32
      %ne3A_92 = arith.constant 0 : i32
      %ne3A_93 = arith.cmpi ne, %rem3A_91, %ne3A_92 : i32
      %lt3A = arith.constant 0 : i32
      %lt3A_94 = arith.cmpi slt, %rem3A_91, %lt3A : i32
      %lt3A_95 = arith.constant 0 : i32
      %lt3A_96 = arith.cmpi slt, %select_n3A_90, %lt3A_95 : i32
      %ne3A_97 = arith.xori %lt3A_94, %lt3A_96 : i1
      %and3A_98 = arith.andi %ne3A_97, %ne3A_93 : i1
      %add3A_99 = arith.addi %rem3A_91, %select_n3A_90 : i32
      %select_n3A_100 = arith.select %and3A_98, %add3A_99, %rem3A_91 : i32
      %mul3A_101 = arith.constant 16 : i32
      %mul3A_102 = arith.muli %select_n3A_100, %mul3A_101 : i32
      %broadcast_in_dim3A = arith.constant 0.000000e+00 : f32
      %broadcast_in_dim3A_103 = vector.broadcast %broadcast_in_dim3A : f32 to vector<16xf32>
      %swap3A = arith.index_cast %select_n3A : i32 to index
      %swap3A_104 = arith.index_cast %mul3A_102 : i32 to index
      %swap3A_105 = tpu.vector_load %arg12[%swap3A, %swap3A_104] {strides = array<i32>} : memref<128x128xf32, #tpu.memory_space<vmem>>, vector<1x16xf32>,
      %swap3A_106 = vector.shape_cast %swap3A_105 : vector<1x16xf32> to vector<16xf32>
      %swap3A_107 = vector.shape_cast %broadcast_in_dim3A_103 : vector<16xf32> to vector<1x16xf32>
      tpu.vector_store %arg12[%swap3A, %swap3A_104], %swap3A_107 {strides = array<i32>} : memref<128x128xf32, #tpu.memory_space<vmem>>, vector<1x16xf32>,
      %scan3A_108 = arith.constant 0 : i32
      scf.yield %scan3A_108 : i32
    }
    %scan3A_5 = arith.constant 1024 : i32
    %mul3A = arith.constant 624 : i32
    %mul3A_6 = arith.muli %arg1, %mul3A : i32
    %add3A = arith.constant 0 : i32
    %add3A_7 = arith.addi %mul3A_6, %add3A : i32
    "tpu.region"() ({
      %run_scoped3A = tpu.sem_alloc : memref<!tpu.dma_semaphore, #tpu.memory_space<semaphore_mem>>
      %dma_start3A_68 = arith.constant 0 : i32
      %dma_start3A_69 = tpu.memref_slice %arg15[%add3A_7, %dma_start3A_68] : memref<10128x128xf32, #tpu.memory_space<vmem_shared>> -> memref<128x128xf32, #tpu.memory_space<vmem_shared>>
      %dma_start3A_70 = arith.constant 0 : i32
      %dma_start3A_71 = tpu.memref_slice %arg15[%add3A_7, %dma_start3A_70] : memref<10128x128xf32, #tpu.memory_space<vmem_shared>> -> memref<128x128xf32, #tpu.memory_space<vmem_shared>>
      tpu.enqueue_dma source(%arg12 : memref<128x128xf32, #tpu.memory_space<vmem>>) target(%dma_start3A_71 : memref<128x128xf32, #tpu.memory_space<vmem_shared>>) target_semaphore(%run_scoped3A : memref<!tpu.dma_semaphore, #tpu.memory_space<semaphore_mem>>)
      %dma_wait3A_72 = arith.constant 0 : i32
      %dma_wait3A_73 = tpu.memref_slice %arg15[%add3A_7, %dma_wait3A_72] : memref<10128x128xf32, #tpu.memory_space<vmem_shared>> -> memref<128x128xf32, #tpu.memory_space<vmem_shared>>
      %dma_wait3A_74 = arith.constant 0 : i32
      %dma_wait3A_75 = tpu.memref_slice %arg15[%add3A_7, %dma_wait3A_74] : memref<10128x128xf32, #tpu.memory_space<vmem_shared>> -> memref<128x128xf32, #tpu.memory_space<vmem_shared>>
      tpu.wait_dma2 semaphore(%run_scoped3A : memref<!tpu.dma_semaphore, #tpu.memory_space<semaphore_mem>>) src(%arg12 : memref<128x128xf32, #tpu.memory_space<vmem>>) dst(%dma_wait3A_75 : memref<128x128xf32, #tpu.memory_space<vmem_shared>>)
      tpu.yield
    }) : () -> ()
    %add3A_8 = arith.constant 128 : i32
    %add3A_9 = arith.addi %mul3A_6, %add3A_8 : i32
    "tpu.region"() ({
      %run_scoped3A = tpu.sem_alloc : memref<!tpu.dma_semaphore, #tpu.memory_space<semaphore_mem>>
      %dma_start3A_68 = arith.constant 0 : i32
      %dma_start3A_69 = tpu.memref_slice %arg15[%add3A_9, %dma_start3A_68] : memref<10128x128xf32, #tpu.memory_space<vmem_shared>> -> memref<128x128xf32, #tpu.memory_space<vmem_shared>>
      %dma_start3A_70 = arith.constant 0 : i32
      %dma_start3A_71 = tpu.memref_slice %arg15[%add3A_9, %dma_start3A_70] : memref<10128x128xf32, #tpu.memory_space<vmem_shared>> -> memref<128x128xf32, #tpu.memory_space<vmem_shared>>
      tpu.enqueue_dma source(%arg12 : memref<128x128xf32, #tpu.memory_space<vmem>>) target(%dma_start3A_71 : memref<128x128xf32, #tpu.memory_space<vmem_shared>>) target_semaphore(%run_scoped3A : memref<!tpu.dma_semaphore, #tpu.memory_space<semaphore_mem>>)
      %dma_wait3A_72 = arith.constant 0 : i32
      %dma_wait3A_73 = tpu.memref_slice %arg15[%add3A_9, %dma_wait3A_72] : memref<10128x128xf32, #tpu.memory_space<vmem_shared>> -> memref<128x128xf32, #tpu.memory_space<vmem_shared>>
      %dma_wait3A_74 = arith.constant 0 : i32
      %dma_wait3A_75 = tpu.memref_slice %arg15[%add3A_9, %dma_wait3A_74] : memref<10128x128xf32, #tpu.memory_space<vmem_shared>> -> memref<128x128xf32, #tpu.memory_space<vmem_shared>>
      tpu.wait_dma2 semaphore(%run_scoped3A : memref<!tpu.dma_semaphore, #tpu.memory_space<semaphore_mem>>) src(%arg12 : memref<128x128xf32, #tpu.memory_space<vmem>>) dst(%dma_wait3A_75 : memref<128x128xf32, #tpu.memory_space<vmem_shared>>)
      tpu.yield
    }) : () -> ()
    %add3A_10 = arith.constant 256 : i32
    %add3A_11 = arith.addi %mul3A_6, %add3A_10 : i32
    "tpu.region"() ({
      %run_scoped3A = tpu.sem_alloc : memref<!tpu.dma_semaphore, #tpu.memory_space<semaphore_mem>>
      %dma_start3A_68 = arith.constant 0 : i32
      %dma_start3A_69 = tpu.memref_slice %arg15[%add3A_11, %dma_start3A_68] : memref<10128x128xf32, #tpu.memory_space<vmem_shared>> -> memref<128x128xf32, #tpu.memory_space<vmem_shared>>
      %dma_start3A_70 = arith.constant 0 : i32
      %dma_start3A_71 = tpu.memref_slice %arg15[%add3A_11, %dma_start3A_70] : memref<10128x128xf32, #tpu.memory_space<vmem_shared>> -> memref<128x128xf32, #tpu.memory_space<vmem_shared>>
      tpu.enqueue_dma source(%arg12 : memref<128x128xf32, #tpu.memory_space<vmem>>) target(%dma_start3A_71 : memref<128x128xf32, #tpu.memory_space<vmem_shared>>) target_semaphore(%run_scoped3A : memref<!tpu.dma_semaphore, #tpu.memory_space<semaphore_mem>>)
      %dma_wait3A_72 = arith.constant 0 : i32
      %dma_wait3A_73 = tpu.memref_slice %arg15[%add3A_11, %dma_wait3A_72] : memref<10128x128xf32, #tpu.memory_space<vmem_shared>> -> memref<128x128xf32, #tpu.memory_space<vmem_shared>>
      %dma_wait3A_74 = arith.constant 0 : i32
      %dma_wait3A_75 = tpu.memref_slice %arg15[%add3A_11, %dma_wait3A_74] : memref<10128x128xf32, #tpu.memory_space<vmem_shared>> -> memref<128x128xf32, #tpu.memory_space<vmem_shared>>
      tpu.wait_dma2 semaphore(%run_scoped3A : memref<!tpu.dma_semaphore, #tpu.memory_space<semaphore_mem>>) src(%arg12 : memref<128x128xf32, #tpu.memory_space<vmem>>) dst(%dma_wait3A_75 : memref<128x128xf32, #tpu.memory_space<vmem_shared>>)
      tpu.yield
    }) : () -> ()
    %add3A_12 = arith.constant 384 : i32
    %add3A_13 = arith.addi %mul3A_6, %add3A_12 : i32
    "tpu.region"() ({
      %run_scoped3A = tpu.sem_alloc : memref<!tpu.dma_semaphore, #tpu.memory_space<semaphore_mem>>
      %dma_start3A_68 = arith.constant 0 : i32
      %dma_start3A_69 = tpu.memref_slice %arg15[%add3A_13, %dma_start3A_68] : memref<10128x128xf32, #tpu.memory_space<vmem_shared>> -> memref<128x128xf32, #tpu.memory_space<vmem_shared>>
      %dma_start3A_70 = arith.constant 0 : i32
      %dma_start3A_71 = tpu.memref_slice %arg15[%add3A_13, %dma_start3A_70] : memref<10128x128xf32, #tpu.memory_space<vmem_shared>> -> memref<128x128xf32, #tpu.memory_space<vmem_shared>>
      tpu.enqueue_dma source(%arg12 : memref<128x128xf32, #tpu.memory_space<vmem>>) target(%dma_start3A_71 : memref<128x128xf32, #tpu.memory_space<vmem_shared>>) target_semaphore(%run_scoped3A : memref<!tpu.dma_semaphore, #tpu.memory_space<semaphore_mem>>)
      %dma_wait3A_72 = arith.constant 0 : i32
      %dma_wait3A_73 = tpu.memref_slice %arg15[%add3A_13, %dma_wait3A_72] : memref<10128x128xf32, #tpu.memory_space<vmem_shared>> -> memref<128x128xf32, #tpu.memory_space<vmem_shared>>
      %dma_wait3A_74 = arith.constant 0 : i32
      %dma_wait3A_75 = tpu.memref_slice %arg15[%add3A_13, %dma_wait3A_74] : memref<10128x128xf32, #tpu.memory_space<vmem_shared>> -> memref<128x128xf32, #tpu.memory_space<vmem_shared>>
      tpu.wait_dma2 semaphore(%run_scoped3A : memref<!tpu.dma_semaphore, #tpu.memory_space<semaphore_mem>>) src(%arg12 : memref<128x128xf32, #tpu.memory_space<vmem>>) dst(%dma_wait3A_75 : memref<128x128xf32, #tpu.memory_space<vmem_shared>>)
      tpu.yield
    }) : () -> ()
    %add3A_14 = arith.constant 512 : i32
    %add3A_15 = arith.addi %mul3A_6, %add3A_14 : i32
    "tpu.region"() ({
      %run_scoped3A = tpu.sem_alloc : memref<!tpu.dma_semaphore, #tpu.memory_space<semaphore_mem>>
      %dma_start3A_68 = arith.constant 0 : i32
      %dma_start3A_69 = arith.constant 0 : i32
      %dma_start3A_70 = tpu.memref_slice %arg12[%dma_start3A_68, %dma_start3A_69] : memref<128x128xf32, #tpu.memory_space<vmem>> -> memref<112x128xf32, #tpu.memory_space<vmem>>
      %dma_start3A_71 = arith.constant 0 : i32
      %dma_start3A_72 = tpu.memref_slice %arg15[%add3A_15, %dma_start3A_71] : memref<10128x128xf32, #tpu.memory_space<vmem_shared>> -> memref<112x128xf32, #tpu.memory_space<vmem_shared>>
      %dma_start3A_73 = arith.constant 0 : i32
      %dma_start3A_74 = tpu.memref_slice %arg15[%add3A_15, %dma_start3A_73] : memref<10128x128xf32, #tpu.memory_space<vmem_shared>> -> memref<112x128xf32, #tpu.memory_space<vmem_shared>>
      %dma_start3A_75 = arith.constant 0 : i32
      %dma_start3A_76 = arith.constant 0 : i32
      %dma_start3A_77 = tpu.memref_slice %arg12[%dma_start3A_75, %dma_start3A_76] : memref<128x128xf32, #tpu.memory_space<vmem>> -> memref<112x128xf32, #tpu.memory_space<vmem>>
      tpu.enqueue_dma source(%dma_start3A_77 : memref<112x128xf32, #tpu.memory_space<vmem>>) target(%dma_start3A_74 : memref<112x128xf32, #tpu.memory_space<vmem_shared>>) target_semaphore(%run_scoped3A : memref<!tpu.dma_semaphore, #tpu.memory_space<semaphore_mem>>)
      %dma_wait3A_78 = arith.constant 0 : i32
      %dma_wait3A_79 = arith.constant 0 : i32
      %dma_wait3A_80 = tpu.memref_slice %arg12[%dma_wait3A_78, %dma_wait3A_79] : memref<128x128xf32, #tpu.memory_space<vmem>> -> memref<112x128xf32, #tpu.memory_space<vmem>>
      %dma_wait3A_81 = arith.constant 0 : i32
      %dma_wait3A_82 = tpu.memref_slice %arg15[%add3A_15, %dma_wait3A_81] : memref<10128x128xf32, #tpu.memory_space<vmem_shared>> -> memref<112x128xf32, #tpu.memory_space<vmem_shared>>
      %dma_wait3A_83 = arith.constant 0 : i32
      %dma_wait3A_84 = tpu.memref_slice %arg15[%add3A_15, %dma_wait3A_83] : memref<10128x128xf32, #tpu.memory_space<vmem_shared>> -> memref<112x128xf32, #tpu.memory_space<vmem_shared>>
      %dma_wait3A_85 = arith.constant 0 : i32
      %dma_wait3A_86 = arith.constant 0 : i32
      %dma_wait3A_87 = tpu.memref_slice %arg12[%dma_wait3A_85, %dma_wait3A_86] : memref<128x128xf32, #tpu.memory_space<vmem>> -> memref<112x128xf32, #tpu.memory_space<vmem>>
      tpu.wait_dma2 semaphore(%run_scoped3A : memref<!tpu.dma_semaphore, #tpu.memory_space<semaphore_mem>>) src(%dma_wait3A_87 : memref<112x128xf32, #tpu.memory_space<vmem>>) dst(%dma_wait3A_84 : memref<112x128xf32, #tpu.memory_space<vmem_shared>>)
      tpu.yield
    }) : () -> ()
    %eq3A = arith.constant 15 : i32
    %eq3A_16 = arith.cmpi eq, %arg1, %eq3A : i32
    %convert_element_type3A = arith.extui %eq3A_16 : i1 to i32
    %cond3A = arith.constant 0 : i32
    %cond3A_17 = arith.cmpi ne, %convert_element_type3A, %cond3A : i32
    scf.if %cond3A_17 {
      "tpu.region"() ({
        %run_scoped3A = tpu.sem_alloc : memref<!tpu.dma_semaphore, #tpu.memory_space<semaphore_mem>>
        %dma_start3A_68 = arith.constant 0 : i32
        %dma_start3A_69 = arith.constant 0 : i32
        %dma_start3A_70 = tpu.memref_slice %arg12[%dma_start3A_68, %dma_start3A_69] : memref<128x128xf32, #tpu.memory_space<vmem>> -> memref<128x128xf32, #tpu.memory_space<vmem>>
        %dma_start3A_71 = arith.constant 9984 : i32
        %dma_start3A_72 = arith.constant 0 : i32
        %dma_start3A_73 = tpu.memref_slice %arg15[%dma_start3A_71, %dma_start3A_72] : memref<10128x128xf32, #tpu.memory_space<vmem_shared>> -> memref<128x128xf32, #tpu.memory_space<vmem_shared>>
        %dma_start3A_74 = arith.constant 9984 : i32
        %dma_start3A_75 = arith.constant 0 : i32
        %dma_start3A_76 = tpu.memref_slice %arg15[%dma_start3A_74, %dma_start3A_75] : memref<10128x128xf32, #tpu.memory_space<vmem_shared>> -> memref<128x128xf32, #tpu.memory_space<vmem_shared>>
        %dma_start3A_77 = arith.constant 0 : i32
        %dma_start3A_78 = arith.constant 0 : i32
        %dma_start3A_79 = tpu.memref_slice %arg12[%dma_start3A_77, %dma_start3A_78] : memref<128x128xf32, #tpu.memory_space<vmem>> -> memref<128x128xf32, #tpu.memory_space<vmem>>
        tpu.enqueue_dma source(%dma_start3A_79 : memref<128x128xf32, #tpu.memory_space<vmem>>) target(%dma_start3A_76 : memref<128x128xf32, #tpu.memory_space<vmem_shared>>) target_semaphore(%run_scoped3A : memref<!tpu.dma_semaphore, #tpu.memory_space<semaphore_mem>>)
        %dma_wait3A_80 = arith.constant 0 : i32
        %dma_wait3A_81 = arith.constant 0 : i32
        %dma_wait3A_82 = tpu.memref_slice %arg12[%dma_wait3A_80, %dma_wait3A_81] : memref<128x128xf32, #tpu.memory_space<vmem>> -> memref<128x128xf32, #tpu.memory_space<vmem>>
        %dma_wait3A_83 = arith.constant 9984 : i32
        %dma_wait3A_84 = arith.constant 0 : i32
        %dma_wait3A_85 = tpu.memref_slice %arg15[%dma_wait3A_83, %dma_wait3A_84] : memref<10128x128xf32, #tpu.memory_space<vmem_shared>> -> memref<128x128xf32, #tpu.memory_space<vmem_shared>>
        %dma_wait3A_86 = arith.constant 9984 : i32
        %dma_wait3A_87 = arith.constant 0 : i32
        %dma_wait3A_88 = tpu.memref_slice %arg15[%dma_wait3A_86, %dma_wait3A_87] : memref<10128x128xf32, #tpu.memory_space<vmem_shared>> -> memref<128x128xf32, #tpu.memory_space<vmem_shared>>
        %dma_wait3A_89 = arith.constant 0 : i32
        %dma_wait3A_90 = arith.constant 0 : i32
        %dma_wait3A_91 = tpu.memref_slice %arg12[%dma_wait3A_89, %dma_wait3A_90] : memref<128x128xf32, #tpu.memory_space<vmem>> -> memref<128x128xf32, #tpu.memory_space<vmem>>
        tpu.wait_dma2 semaphore(%run_scoped3A : memref<!tpu.dma_semaphore, #tpu.memory_space<semaphore_mem>>) src(%dma_wait3A_91 : memref<128x128xf32, #tpu.memory_space<vmem>>) dst(%dma_wait3A_88 : memref<128x128xf32, #tpu.memory_space<vmem_shared>>)
        tpu.yield
      }) : () -> ()
      "tpu.region"() ({
        %run_scoped3A = tpu.sem_alloc : memref<!tpu.dma_semaphore, #tpu.memory_space<semaphore_mem>>
        %dma_start3A_68 = arith.constant 0 : i32
        %dma_start3A_69 = arith.constant 0 : i32
        %dma_start3A_70 = tpu.memref_slice %arg12[%dma_start3A_68, %dma_start3A_69] : memref<128x128xf32, #tpu.memory_space<vmem>> -> memref<16x128xf32, #tpu.memory_space<vmem>>
        %dma_start3A_71 = arith.constant 10112 : i32
        %dma_start3A_72 = arith.constant 0 : i32
        %dma_start3A_73 = tpu.memref_slice %arg15[%dma_start3A_71, %dma_start3A_72] : memref<10128x128xf32, #tpu.memory_space<vmem_shared>> -> memref<16x128xf32, #tpu.memory_space<vmem_shared>>
        %dma_start3A_74 = arith.constant 10112 : i32
        %dma_start3A_75 = arith.constant 0 : i32
        %dma_start3A_76 = tpu.memref_slice %arg15[%dma_start3A_74, %dma_start3A_75] : memref<10128x128xf32, #tpu.memory_space<vmem_shared>> -> memref<16x128xf32, #tpu.memory_space<vmem_shared>>
        %dma_start3A_77 = arith.constant 0 : i32
        %dma_start3A_78 = arith.constant 0 : i32
        %dma_start3A_79 = tpu.memref_slice %arg12[%dma_start3A_77, %dma_start3A_78] : memref<128x128xf32, #tpu.memory_space<vmem>> -> memref<16x128xf32, #tpu.memory_space<vmem>>
        tpu.enqueue_dma source(%dma_start3A_79 : memref<16x128xf32, #tpu.memory_space<vmem>>) target(%dma_start3A_76 : memref<16x128xf32, #tpu.memory_space<vmem_shared>>) target_semaphore(%run_scoped3A : memref<!tpu.dma_semaphore, #tpu.memory_space<semaphore_mem>>)
        %dma_wait3A_80 = arith.constant 0 : i32
        %dma_wait3A_81 = arith.constant 0 : i32
        %dma_wait3A_82 = tpu.memref_slice %arg12[%dma_wait3A_80, %dma_wait3A_81] : memref<128x128xf32, #tpu.memory_space<vmem>> -> memref<16x128xf32, #tpu.memory_space<vmem>>
        %dma_wait3A_83 = arith.constant 10112 : i32
        %dma_wait3A_84 = arith.constant 0 : i32
        %dma_wait3A_85 = tpu.memref_slice %arg15[%dma_wait3A_83, %dma_wait3A_84] : memref<10128x128xf32, #tpu.memory_space<vmem_shared>> -> memref<16x128xf32, #tpu.memory_space<vmem_shared>>
        %dma_wait3A_86 = arith.constant 10112 : i32
        %dma_wait3A_87 = arith.constant 0 : i32
        %dma_wait3A_88 = tpu.memref_slice %arg15[%dma_wait3A_86, %dma_wait3A_87] : memref<10128x128xf32, #tpu.memory_space<vmem_shared>> -> memref<16x128xf32, #tpu.memory_space<vmem_shared>>
        %dma_wait3A_89 = arith.constant 0 : i32
        %dma_wait3A_90 = arith.constant 0 : i32
        %dma_wait3A_91 = tpu.memref_slice %arg12[%dma_wait3A_89, %dma_wait3A_90] : memref<128x128xf32, #tpu.memory_space<vmem>> -> memref<16x128xf32, #tpu.memory_space<vmem>>
        tpu.wait_dma2 semaphore(%run_scoped3A : memref<!tpu.dma_semaphore, #tpu.memory_space<semaphore_mem>>) src(%dma_wait3A_91 : memref<16x128xf32, #tpu.memory_space<vmem>>) dst(%dma_wait3A_88 : memref<16x128xf32, #tpu.memory_space<vmem_shared>>)
        tpu.yield
      }) : () -> ()
    } else {
    }
    %mul3A_18 = arith.constant 16 : i32
    %mul3A_19 = arith.muli %arg0, %mul3A_18 : i32
    %add3A_20 = arith.addi %mul3A_19, %arg1 : i32
    %mul3A_21 = arith.constant 10752 : i32
    %mul3A_22 = arith.muli %add3A_20, %mul3A_21 : i32
    %add3A_23 = arith.constant 0 : i32
    %add3A_24 = arith.addi %mul3A_22, %add3A_23 : i32
    %dma_start3A = tpu.memref_slice %arg3[%add3A_24] : memref<344064xi32, #tpu.memory_space<hbm>> -> memref<128xi32, #tpu.memory_space<hbm>>
    %dma_start3A_25 = tpu.memref_slice %arg3[%add3A_24] : memref<344064xi32, #tpu.memory_space<hbm>> -> memref<128xi32, #tpu.memory_space<hbm>>
    tpu.enqueue_dma source(%dma_start3A_25 : memref<128xi32, #tpu.memory_space<hbm>>) target(%arg6 : memref<128xi32, #tpu.memory_space<vmem>>) target_semaphore(%arg16 : memref<!tpu.dma_semaphore, #tpu.memory_space<semaphore_mem>>)
    %dma_start3A_26 = tpu.memref_slice %arg4[%add3A_24] : memref<344064xi32, #tpu.memory_space<hbm>> -> memref<128xi32, #tpu.memory_space<hbm>>
    %dma_start3A_27 = tpu.memref_slice %arg4[%add3A_24] : memref<344064xi32, #tpu.memory_space<hbm>> -> memref<128xi32, #tpu.memory_space<hbm>>
    tpu.enqueue_dma source(%dma_start3A_27 : memref<128xi32, #tpu.memory_space<hbm>>) target(%arg9 : memref<128xi32, #tpu.memory_space<vmem>>) target_semaphore(%arg16 : memref<!tpu.dma_semaphore, #tpu.memory_space<semaphore_mem>>)
    %add3A_28 = arith.constant 128 : i32
    %add3A_29 = arith.addi %mul3A_22, %add3A_28 : i32
    %dma_start3A_30 = tpu.memref_slice %arg3[%add3A_29] : memref<344064xi32, #tpu.memory_space<hbm>> -> memref<128xi32, #tpu.memory_space<hbm>>
    %dma_start3A_31 = tpu.memref_slice %arg3[%add3A_29] : memref<344064xi32, #tpu.memory_space<hbm>> -> memref<128xi32, #tpu.memory_space<hbm>>
    tpu.enqueue_dma source(%dma_start3A_31 : memref<128xi32, #tpu.memory_space<hbm>>) target(%arg7 : memref<128xi32, #tpu.memory_space<vmem>>) target_semaphore(%arg17 : memref<!tpu.dma_semaphore, #tpu.memory_space<semaphore_mem>>)
    %dma_start3A_32 = tpu.memref_slice %arg4[%add3A_29] : memref<344064xi32, #tpu.memory_space<hbm>> -> memref<128xi32, #tpu.memory_space<hbm>>
    %dma_start3A_33 = tpu.memref_slice %arg4[%add3A_29] : memref<344064xi32, #tpu.memory_space<hbm>> -> memref<128xi32, #tpu.memory_space<hbm>>
    tpu.enqueue_dma source(%dma_start3A_33 : memref<128xi32, #tpu.memory_space<hbm>>) target(%arg10 : memref<128xi32, #tpu.memory_space<vmem>>) target_semaphore(%arg17 : memref<!tpu.dma_semaphore, #tpu.memory_space<semaphore_mem>>)
    %add3A_34 = arith.constant 256 : i32
    %add3A_35 = arith.addi %mul3A_22, %add3A_34 : i32
    %dma_start3A_36 = tpu.memref_slice %arg3[%add3A_35] : memref<344064xi32, #tpu.memory_space<hbm>> -> memref<128xi32, #tpu.memory_space<hbm>>
    %dma_start3A_37 = tpu.memref_slice %arg3[%add3A_35] : memref<344064xi32, #tpu.memory_space<hbm>> -> memref<128xi32, #tpu.memory_space<hbm>>
    tpu.enqueue_dma source(%dma_start3A_37 : memref<128xi32, #tpu.memory_space<hbm>>) target(%arg8 : memref<128xi32, #tpu.memory_space<vmem>>) target_semaphore(%arg18 : memref<!tpu.dma_semaphore, #tpu.memory_space<semaphore_mem>>)
    %dma_start3A_38 = tpu.memref_slice %arg4[%add3A_35] : memref<344064xi32, #tpu.memory_space<hbm>> -> memref<128xi32, #tpu.memory_space<hbm>>
    %dma_start3A_39 = tpu.memref_slice %arg4[%add3A_35] : memref<344064xi32, #tpu.memory_space<hbm>> -> memref<128xi32, #tpu.memory_space<hbm>>
    tpu.enqueue_dma source(%dma_start3A_39 : memref<128xi32, #tpu.memory_space<hbm>>) target(%arg11 : memref<128xi32, #tpu.memory_space<vmem>>) target_semaphore(%arg18 : memref<!tpu.dma_semaphore, #tpu.memory_space<semaphore_mem>>)
    %dma_wait3A = tpu.memref_slice %arg3[%mul3A_22] : memref<344064xi32, #tpu.memory_space<hbm>> -> memref<128xi32, #tpu.memory_space<hbm>>
    %dma_wait3A_40 = tpu.memref_slice %arg3[%mul3A_22] : memref<344064xi32, #tpu.memory_space<hbm>> -> memref<128xi32, #tpu.memory_space<hbm>>
    tpu.wait_dma2 semaphore(%arg16 : memref<!tpu.dma_semaphore, #tpu.memory_space<semaphore_mem>>) src(%dma_wait3A_40 : memref<128xi32, #tpu.memory_space<hbm>>) dst(%arg6 : memref<128xi32, #tpu.memory_space<vmem>>)
    %dma_wait3A_41 = tpu.memref_slice %arg4[%mul3A_22] : memref<344064xi32, #tpu.memory_space<hbm>> -> memref<128xi32, #tpu.memory_space<hbm>>
    %dma_wait3A_42 = tpu.memref_slice %arg4[%mul3A_22] : memref<344064xi32, #tpu.memory_space<hbm>> -> memref<128xi32, #tpu.memory_space<hbm>>
    tpu.wait_dma2 semaphore(%arg16 : memref<!tpu.dma_semaphore, #tpu.memory_space<semaphore_mem>>) src(%dma_wait3A_42 : memref<128xi32, #tpu.memory_space<hbm>>) dst(%arg9 : memref<128xi32, #tpu.memory_space<vmem>>)
    %dma_start3A_43 = arith.constant 0 : i32
    %dma_start3A_44 = arith.constant 0 : i32
    %dma_start3A_45 = tpu.memref_slice %arg2[%dma_start3A_43, %dma_start3A_44] : memref<10000x128xf32, #tpu.memory_space<hbm>> -> memref<10000x128xf32, #tpu.memory_space<hbm>>
    tpu.enqueue_indirect_dma source(%dma_start3A_45 : memref<10000x128xf32, #tpu.memory_space<hbm>>) target(%arg12 : memref<128x128xf32, #tpu.memory_space<vmem>>) offsets(%arg6 : memref<128xi32, #tpu.memory_space<vmem>>) semaphore(%arg19 : memref<!tpu.dma_semaphore, #tpu.memory_space<semaphore_mem>>)
    %dma_wait3A_46 = tpu.memref_slice %arg3[%mul3A_22] : memref<344064xi32, #tpu.memory_space<hbm>> -> memref<128xi32, #tpu.memory_space<hbm>>
    %dma_wait3A_47 = tpu.memref_slice %arg3[%mul3A_22] : memref<344064xi32, #tpu.memory_space<hbm>> -> memref<128xi32, #tpu.memory_space<hbm>>
    tpu.wait_dma2 semaphore(%arg17 : memref<!tpu.dma_semaphore, #tpu.memory_space<semaphore_mem>>) src(%dma_wait3A_47 : memref<128xi32, #tpu.memory_space<hbm>>) dst(%arg7 : memref<128xi32, #tpu.memory_space<vmem>>)
    %dma_wait3A_48 = tpu.memref_slice %arg4[%mul3A_22] : memref<344064xi32, #tpu.memory_space<hbm>> -> memref<128xi32, #tpu.memory_space<hbm>>
    %dma_wait3A_49 = tpu.memref_slice %arg4[%mul3A_22] : memref<344064xi32, #tpu.memory_space<hbm>> -> memref<128xi32, #tpu.memory_space<hbm>>
    tpu.wait_dma2 semaphore(%arg17 : memref<!tpu.dma_semaphore, #tpu.memory_space<semaphore_mem>>) src(%dma_wait3A_49 : memref<128xi32, #tpu.memory_space<hbm>>) dst(%arg10 : memref<128xi32, #tpu.memory_space<vmem>>)
    %dma_start3A_50 = arith.constant 0 : i32
    %dma_start3A_51 = arith.constant 0 : i32
    %dma_start3A_52 = tpu.memref_slice %arg2[%dma_start3A_50, %dma_start3A_51] : memref<10000x128xf32, #tpu.memory_space<hbm>> -> memref<10000x128xf32, #tpu.memory_space<hbm>>
    tpu.enqueue_indirect_dma source(%dma_start3A_52 : memref<10000x128xf32, #tpu.memory_space<hbm>>) target(%arg13 : memref<128x128xf32, #tpu.memory_space<vmem>>) offsets(%arg7 : memref<128xi32, #tpu.memory_space<vmem>>) semaphore(%arg20 : memref<!tpu.dma_semaphore, #tpu.memory_space<semaphore_mem>>)
    %barrier3A = arith.constant 0 : index
    tpu.barrier barrier_id(%barrier3A)
    %scan3A_53 = arith.constant 0 : i32
    %scan3A_54 = arith.constant 0 : i32
    %scan3A_55 = arith.constant 28 : i32
    %scan3A_56 = arith.addi %scan3A_54, %scan3A_55 : i32
    %scan3A_57 = arith.constant 1 : i32
    %scan3A_58 = scf.for %scan3A_68 = %scan3A_54 to %scan3A_56 step %scan3A_57 iter_args(%scan3A_69 = %scan3A_53) -> (i32)  : i32 {
      %mul3A_70 = arith.constant 3 : i32
      %mul3A_71 = arith.muli %mul3A_70, %scan3A_68 : i32
      %add3A_72 = arith.constant 0 : i32
      %add3A_73 = arith.addi %mul3A_71, %add3A_72 : i32
      %add3A_74 = arith.constant 2 : i32
      %add3A_75 = arith.addi %add3A_73, %add3A_74 : i32
      %lt3A = arith.constant 84 : i32
      %lt3A_76 = arith.cmpi slt, %add3A_75, %lt3A : i32
      %convert_element_type3A_77 = arith.extui %lt3A_76 : i1 to i32
      %cond3A_78 = arith.constant 0 : i32
      %cond3A_79 = arith.cmpi ne, %convert_element_type3A_77, %cond3A_78 : i32
      scf.if %cond3A_79 {
        %dma_wait3A_133 = tpu.memref_slice %arg3[%mul3A_22] : memref<344064xi32, #tpu.memory_space<hbm>> -> memref<128xi32, #tpu.memory_space<hbm>>
        %dma_wait3A_134 = tpu.memref_slice %arg3[%mul3A_22] : memref<344064xi32, #tpu.memory_space<hbm>> -> memref<128xi32, #tpu.memory_space<hbm>>
        tpu.wait_dma2 semaphore(%arg18 : memref<!tpu.dma_semaphore, #tpu.memory_space<semaphore_mem>>) src(%dma_wait3A_134 : memref<128xi32, #tpu.memory_space<hbm>>) dst(%arg8 : memref<128xi32, #tpu.memory_space<vmem>>)
        %dma_wait3A_135 = tpu.memref_slice %arg4[%mul3A_22] : memref<344064xi32, #tpu.memory_space<hbm>> -> memref<128xi32, #tpu.memory_space<hbm>>
        %dma_wait3A_136 = tpu.memref_slice %arg4[%mul3A_22] : memref<344064xi32, #tpu.memory_space<hbm>> -> memref<128xi32, #tpu.memory_space<hbm>>
        tpu.wait_dma2 semaphore(%arg18 : memref<!tpu.dma_semaphore, #tpu.memory_space<semaphore_mem>>) src(%dma_wait3A_136 : memref<128xi32, #tpu.memory_space<hbm>>) dst(%arg11 : memref<128xi32, #tpu.memory_space<vmem>>)
        %dma_start3A_137 = arith.constant 0 : i32
        %dma_start3A_138 = arith.constant 0 : i32
        %dma_start3A_139 = tpu.memref_slice %arg2[%dma_start3A_137, %dma_start3A_138] : memref<10000x128xf32, #tpu.memory_space<hbm>> -> memref<10000x128xf32, #tpu.memory_space<hbm>>
        tpu.enqueue_indirect_dma source(%dma_start3A_139 : memref<10000x128xf32, #tpu.memory_space<hbm>>) target(%arg14 : memref<128x128xf32, #tpu.memory_space<vmem>>) offsets(%arg8 : memref<128xi32, #tpu.memory_space<vmem>>) semaphore(%arg21 : memref<!tpu.dma_semaphore, #tpu.memory_space<semaphore_mem>>)
      } else {
      }
      %dma_wait3A_80 = arith.constant 0 : i32
      %dma_wait3A_81 = arith.constant 0 : i32
      %dma_wait3A_82 = tpu.memref_slice %arg2[%dma_wait3A_80, %dma_wait3A_81] : memref<10000x128xf32, #tpu.memory_space<hbm>> -> memref<10000x128xf32, #tpu.memory_space<hbm>>
      tpu.wait_indirect_dma semaphore(%arg19 : memref<!tpu.dma_semaphore, #tpu.memory_space<semaphore_mem>>) src(%dma_wait3A_82 : memref<10000x128xf32, #tpu.memory_space<hbm>>) dst(%arg12 : memref<128x128xf32, #tpu.memory_space<vmem>>)
      "tpu.region"() ({
        %run_scoped3A = tpu.sem_alloc : memref<!tpu.dma_semaphore, #tpu.memory_space<semaphore_mem>>
        %dma_start3A_133 = arith.constant 0 : i32
        %dma_start3A_134 = arith.constant 0 : i32
        %dma_start3A_135 = tpu.memref_slice %arg15[%dma_start3A_133, %dma_start3A_134] : memref<10128x128xf32, #tpu.memory_space<vmem_shared>> -> memref<10128x128xf32, #tpu.memory_space<vmem_shared>>
        tpu.enqueue_indirect_dma source(%arg12 : memref<128x128xf32, #tpu.memory_space<vmem>>) target(%dma_start3A_135 : memref<10128x128xf32, #tpu.memory_space<vmem_shared>>) offsets(%arg9 : memref<128xi32, #tpu.memory_space<vmem>>) semaphore(%run_scoped3A : memref<!tpu.dma_semaphore, #tpu.memory_space<semaphore_mem>>) {add = true}
        %dma_wait3A_136 = arith.constant 0 : i32
        %dma_wait3A_137 = arith.constant 0 : i32
        %dma_wait3A_138 = tpu.memref_slice %arg15[%dma_wait3A_136, %dma_wait3A_137] : memref<10128x128xf32, #tpu.memory_space<vmem_shared>> -> memref<10128x128xf32, #tpu.memory_space<vmem_shared>>
        tpu.wait_indirect_dma semaphore(%run_scoped3A : memref<!tpu.dma_semaphore, #tpu.memory_space<semaphore_mem>>) src(%arg12 : memref<128x128xf32, #tpu.memory_space<vmem>>) dst(%dma_wait3A_138 : memref<10128x128xf32, #tpu.memory_space<vmem_shared>>)
        tpu.yield
      }) : () -> ()
      %add3A_83 = arith.constant 3 : i32
      %add3A_84 = arith.addi %add3A_73, %add3A_83 : i32
      %lt3A_85 = arith.constant 84 : i32
      %lt3A_86 = arith.cmpi slt, %add3A_84, %lt3A_85 : i32
      %convert_element_type3A_87 = arith.extui %lt3A_86 : i1 to i32
      %cond3A_88 = arith.constant 0 : i32
      %cond3A_89 = arith.cmpi ne, %convert_element_type3A_87, %cond3A_88 : i32
      scf.if %cond3A_89 {
        %add3A_133 = arith.constant 3 : i32
        %add3A_134 = arith.addi %add3A_73, %add3A_133 : i32
        %mul3A_135 = arith.constant 128 : i32
        %mul3A_136 = arith.muli %add3A_134, %mul3A_135 : i32
        %add3A_137 = arith.addi %mul3A_22, %mul3A_136 : i32
        %dma_start3A_138 = tpu.memref_slice %arg3[%add3A_137] : memref<344064xi32, #tpu.memory_space<hbm>> -> memref<128xi32, #tpu.memory_space<hbm>>
        %dma_start3A_139 = tpu.memref_slice %arg3[%add3A_137] : memref<344064xi32, #tpu.memory_space<hbm>> -> memref<128xi32, #tpu.memory_space<hbm>>
        tpu.enqueue_dma source(%dma_start3A_139 : memref<128xi32, #tpu.memory_space<hbm>>) target(%arg6 : memref<128xi32, #tpu.memory_space<vmem>>) target_semaphore(%arg16 : memref<!tpu.dma_semaphore, #tpu.memory_space<semaphore_mem>>)
        %dma_start3A_140 = tpu.memref_slice %arg4[%add3A_137] : memref<344064xi32, #tpu.memory_space<hbm>> -> memref<128xi32, #tpu.memory_space<hbm>>
        %dma_start3A_141 = tpu.memref_slice %arg4[%add3A_137] : memref<344064xi32, #tpu.memory_space<hbm>> -> memref<128xi32, #tpu.memory_space<hbm>>
        tpu.enqueue_dma source(%dma_start3A_141 : memref<128xi32, #tpu.memory_space<hbm>>) target(%arg9 : memref<128xi32, #tpu.memory_space<vmem>>) target_semaphore(%arg16 : memref<!tpu.dma_semaphore, #tpu.memory_space<semaphore_mem>>)
      } else {
      }
      %mul3A_90 = arith.constant 3 : i32
      %mul3A_91 = arith.muli %mul3A_90, %scan3A_68 : i32
      %add3A_92 = arith.constant 1 : i32
      %add3A_93 = arith.addi %mul3A_91, %add3A_92 : i32
      %add3A_94 = arith.constant 2 : i32
      %add3A_95 = arith.addi %add3A_93, %add3A_94 : i32
      %lt3A_96 = arith.constant 84 : i32
      %lt3A_97 = arith.cmpi slt, %add3A_95, %lt3A_96 : i32
      %convert_element_type3A_98 = arith.extui %lt3A_97 : i1 to i32
      %cond3A_99 = arith.constant 0 : i32
      %cond3A_100 = arith.cmpi ne, %convert_element_type3A_98, %cond3A_99 : i32
      scf.if %cond3A_100 {
        %dma_wait3A_133 = tpu.memref_slice %arg3[%mul3A_22] : memref<344064xi32, #tpu.memory_space<hbm>> -> memref<128xi32, #tpu.memory_space<hbm>>
        %dma_wait3A_134 = tpu.memref_slice %arg3[%mul3A_22] : memref<344064xi32, #tpu.memory_space<hbm>> -> memref<128xi32, #tpu.memory_space<hbm>>
        tpu.wait_dma2 semaphore(%arg16 : memref<!tpu.dma_semaphore, #tpu.memory_space<semaphore_mem>>) src(%dma_wait3A_134 : memref<128xi32, #tpu.memory_space<hbm>>) dst(%arg6 : memref<128xi32, #tpu.memory_space<vmem>>)
        %dma_wait3A_135 = tpu.memref_slice %arg4[%mul3A_22] : memref<344064xi32, #tpu.memory_space<hbm>> -> memref<128xi32, #tpu.memory_space<hbm>>
        %dma_wait3A_136 = tpu.memref_slice %arg4[%mul3A_22] : memref<344064xi32, #tpu.memory_space<hbm>> -> memref<128xi32, #tpu.memory_space<hbm>>
        tpu.wait_dma2 semaphore(%arg16 : memref<!tpu.dma_semaphore, #tpu.memory_space<semaphore_mem>>) src(%dma_wait3A_136 : memref<128xi32, #tpu.memory_space<hbm>>) dst(%arg9 : memref<128xi32, #tpu.memory_space<vmem>>)
        %dma_start3A_137 = arith.constant 0 : i32
        %dma_start3A_138 = arith.constant 0 : i32
        %dma_start3A_139 = tpu.memref_slice %arg2[%dma_start3A_137, %dma_start3A_138] : memref<10000x128xf32, #tpu.memory_space<hbm>> -> memref<10000x128xf32, #tpu.memory_space<hbm>>
        tpu.enqueue_indirect_dma source(%dma_start3A_139 : memref<10000x128xf32, #tpu.memory_space<hbm>>) target(%arg12 : memref<128x128xf32, #tpu.memory_space<vmem>>) offsets(%arg6 : memref<128xi32, #tpu.memory_space<vmem>>) semaphore(%arg19 : memref<!tpu.dma_semaphore, #tpu.memory_space<semaphore_mem>>)
      } else {
      }
      %dma_wait3A_101 = arith.constant 0 : i32
      %dma_wait3A_102 = arith.constant 0 : i32
      %dma_wait3A_103 = tpu.memref_slice %arg2[%dma_wait3A_101, %dma_wait3A_102] : memref<10000x128xf32, #tpu.memory_space<hbm>> -> memref<10000x128xf32, #tpu.memory_space<hbm>>
      tpu.wait_indirect_dma semaphore(%arg20 : memref<!tpu.dma_semaphore, #tpu.memory_space<semaphore_mem>>) src(%dma_wait3A_103 : memref<10000x128xf32, #tpu.memory_space<hbm>>) dst(%arg13 : memref<128x128xf32, #tpu.memory_space<vmem>>)
      "tpu.region"() ({
        %run_scoped3A = tpu.sem_alloc : memref<!tpu.dma_semaphore, #tpu.memory_space<semaphore_mem>>
        %dma_start3A_133 = arith.constant 0 : i32
        %dma_start3A_134 = arith.constant 0 : i32
        %dma_start3A_135 = tpu.memref_slice %arg15[%dma_start3A_133, %dma_start3A_134] : memref<10128x128xf32, #tpu.memory_space<vmem_shared>> -> memref<10128x128xf32, #tpu.memory_space<vmem_shared>>
        tpu.enqueue_indirect_dma source(%arg13 : memref<128x128xf32, #tpu.memory_space<vmem>>) target(%dma_start3A_135 : memref<10128x128xf32, #tpu.memory_space<vmem_shared>>) offsets(%arg10 : memref<128xi32, #tpu.memory_space<vmem>>) semaphore(%run_scoped3A : memref<!tpu.dma_semaphore, #tpu.memory_space<semaphore_mem>>) {add = true}
        %dma_wait3A_136 = arith.constant 0 : i32
        %dma_wait3A_137 = arith.constant 0 : i32
        %dma_wait3A_138 = tpu.memref_slice %arg15[%dma_wait3A_136, %dma_wait3A_137] : memref<10128x128xf32, #tpu.memory_space<vmem_shared>> -> memref<10128x128xf32, #tpu.memory_space<vmem_shared>>
        tpu.wait_indirect_dma semaphore(%run_scoped3A : memref<!tpu.dma_semaphore, #tpu.memory_space<semaphore_mem>>) src(%arg13 : memref<128x128xf32, #tpu.memory_space<vmem>>) dst(%dma_wait3A_138 : memref<10128x128xf32, #tpu.memory_space<vmem_shared>>)
        tpu.yield
      }) : () -> ()
      %add3A_104 = arith.constant 3 : i32
      %add3A_105 = arith.addi %add3A_93, %add3A_104 : i32
      %lt3A_106 = arith.constant 84 : i32
      %lt3A_107 = arith.cmpi slt, %add3A_105, %lt3A_106 : i32
      %convert_element_type3A_108 = arith.extui %lt3A_107 : i1 to i32
      %cond3A_109 = arith.constant 0 : i32
      %cond3A_110 = arith.cmpi ne, %convert_element_type3A_108, %cond3A_109 : i32
      scf.if %cond3A_110 {
        %add3A_133 = arith.constant 3 : i32
        %add3A_134 = arith.addi %add3A_93, %add3A_133 : i32
        %mul3A_135 = arith.constant 128 : i32
        %mul3A_136 = arith.muli %add3A_134, %mul3A_135 : i32
        %add3A_137 = arith.addi %mul3A_22, %mul3A_136 : i32
        %dma_start3A_138 = tpu.memref_slice %arg3[%add3A_137] : memref<344064xi32, #tpu.memory_space<hbm>> -> memref<128xi32, #tpu.memory_space<hbm>>
        %dma_start3A_139 = tpu.memref_slice %arg3[%add3A_137] : memref<344064xi32, #tpu.memory_space<hbm>> -> memref<128xi32, #tpu.memory_space<hbm>>
        tpu.enqueue_dma source(%dma_start3A_139 : memref<128xi32, #tpu.memory_space<hbm>>) target(%arg7 : memref<128xi32, #tpu.memory_space<vmem>>) target_semaphore(%arg17 : memref<!tpu.dma_semaphore, #tpu.memory_space<semaphore_mem>>)
        %dma_start3A_140 = tpu.memref_slice %arg4[%add3A_137] : memref<344064xi32, #tpu.memory_space<hbm>> -> memref<128xi32, #tpu.memory_space<hbm>>
        %dma_start3A_141 = tpu.memref_slice %arg4[%add3A_137] : memref<344064xi32, #tpu.memory_space<hbm>> -> memref<128xi32, #tpu.memory_space<hbm>>
        tpu.enqueue_dma source(%dma_start3A_141 : memref<128xi32, #tpu.memory_space<hbm>>) target(%arg10 : memref<128xi32, #tpu.memory_space<vmem>>) target_semaphore(%arg17 : memref<!tpu.dma_semaphore, #tpu.memory_space<semaphore_mem>>)
      } else {
      }
      %mul3A_111 = arith.constant 3 : i32
      %mul3A_112 = arith.muli %mul3A_111, %scan3A_68 : i32
      %add3A_113 = arith.constant 2 : i32
      %add3A_114 = arith.addi %mul3A_112, %add3A_113 : i32
      %add3A_115 = arith.constant 2 : i32
      %add3A_116 = arith.addi %add3A_114, %add3A_115 : i32
      %lt3A_117 = arith.constant 84 : i32
      %lt3A_118 = arith.cmpi slt, %add3A_116, %lt3A_117 : i32
      %convert_element_type3A_119 = arith.extui %lt3A_118 : i1 to i32
      %cond3A_120 = arith.constant 0 : i32
      %cond3A_121 = arith.cmpi ne, %convert_element_type3A_119, %cond3A_120 : i32
      scf.if %cond3A_121 {
        %dma_wait3A_133 = tpu.memref_slice %arg3[%mul3A_22] : memref<344064xi32, #tpu.memory_space<hbm>> -> memref<128xi32, #tpu.memory_space<hbm>>
        %dma_wait3A_134 = tpu.memref_slice %arg3[%mul3A_22] : memref<344064xi32, #tpu.memory_space<hbm>> -> memref<128xi32, #tpu.memory_space<hbm>>
        tpu.wait_dma2 semaphore(%arg17 : memref<!tpu.dma_semaphore, #tpu.memory_space<semaphore_mem>>) src(%dma_wait3A_134 : memref<128xi32, #tpu.memory_space<hbm>>) dst(%arg7 : memref<128xi32, #tpu.memory_space<vmem>>)
        %dma_wait3A_135 = tpu.memref_slice %arg4[%mul3A_22] : memref<344064xi32, #tpu.memory_space<hbm>> -> memref<128xi32, #tpu.memory_space<hbm>>
        %dma_wait3A_136 = tpu.memref_slice %arg4[%mul3A_22] : memref<344064xi32, #tpu.memory_space<hbm>> -> memref<128xi32, #tpu.memory_space<hbm>>
        tpu.wait_dma2 semaphore(%arg17 : memref<!tpu.dma_semaphore, #tpu.memory_space<semaphore_mem>>) src(%dma_wait3A_136 : memref<128xi32, #tpu.memory_space<hbm>>) dst(%arg10 : memref<128xi32, #tpu.memory_space<vmem>>)
        %dma_start3A_137 = arith.constant 0 : i32
        %dma_start3A_138 = arith.constant 0 : i32
        %dma_start3A_139 = tpu.memref_slice %arg2[%dma_start3A_137, %dma_start3A_138] : memref<10000x128xf32, #tpu.memory_space<hbm>> -> memref<10000x128xf32, #tpu.memory_space<hbm>>
        tpu.enqueue_indirect_dma source(%dma_start3A_139 : memref<10000x128xf32, #tpu.memory_space<hbm>>) target(%arg13 : memref<128x128xf32, #tpu.memory_space<vmem>>) offsets(%arg7 : memref<128xi32, #tpu.memory_space<vmem>>) semaphore(%arg20 : memref<!tpu.dma_semaphore, #tpu.memory_space<semaphore_mem>>)
      } else {
      }
      %dma_wait3A_122 = arith.constant 0 : i32
      %dma_wait3A_123 = arith.constant 0 : i32
      %dma_wait3A_124 = tpu.memref_slice %arg2[%dma_wait3A_122, %dma_wait3A_123] : memref<10000x128xf32, #tpu.memory_space<hbm>> -> memref<10000x128xf32, #tpu.memory_space<hbm>>
      tpu.wait_indirect_dma semaphore(%arg21 : memref<!tpu.dma_semaphore, #tpu.memory_space<semaphore_mem>>) src(%dma_wait3A_124 : memref<10000x128xf32, #tpu.memory_space<hbm>>) dst(%arg14 : memref<128x128xf32, #tpu.memory_space<vmem>>)
      "tpu.region"() ({
        %run_scoped3A = tpu.sem_alloc : memref<!tpu.dma_semaphore, #tpu.memory_space<semaphore_mem>>
        %dma_start3A_133 = arith.constant 0 : i32
        %dma_start3A_134 = arith.constant 0 : i32
        %dma_start3A_135 = tpu.memref_slice %arg15[%dma_start3A_133, %dma_start3A_134] : memref<10128x128xf32, #tpu.memory_space<vmem_shared>> -> memref<10128x128xf32, #tpu.memory_space<vmem_shared>>
        tpu.enqueue_indirect_dma source(%arg14 : memref<128x128xf32, #tpu.memory_space<vmem>>) target(%dma_start3A_135 : memref<10128x128xf32, #tpu.memory_space<vmem_shared>>) offsets(%arg11 : memref<128xi32, #tpu.memory_space<vmem>>) semaphore(%run_scoped3A : memref<!tpu.dma_semaphore, #tpu.memory_space<semaphore_mem>>) {add = true}
        %dma_wait3A_136 = arith.constant 0 : i32
        %dma_wait3A_137 = arith.constant 0 : i32
        %dma_wait3A_138 = tpu.memref_slice %arg15[%dma_wait3A_136, %dma_wait3A_137] : memref<10128x128xf32, #tpu.memory_space<vmem_shared>> -> memref<10128x128xf32, #tpu.memory_space<vmem_shared>>
        tpu.wait_indirect_dma semaphore(%run_scoped3A : memref<!tpu.dma_semaphore, #tpu.memory_space<semaphore_mem>>) src(%arg14 : memref<128x128xf32, #tpu.memory_space<vmem>>) dst(%dma_wait3A_138 : memref<10128x128xf32, #tpu.memory_space<vmem_shared>>)
        tpu.yield
      }) : () -> ()
      %add3A_125 = arith.constant 3 : i32
      %add3A_126 = arith.addi %add3A_114, %add3A_125 : i32
      %lt3A_127 = arith.constant 84 : i32
      %lt3A_128 = arith.cmpi slt, %add3A_126, %lt3A_127 : i32
      %convert_element_type3A_129 = arith.extui %lt3A_128 : i1 to i32
      %cond3A_130 = arith.constant 0 : i32
      %cond3A_131 = arith.cmpi ne, %convert_element_type3A_129, %cond3A_130 : i32
      scf.if %cond3A_131 {
        %add3A_133 = arith.constant 3 : i32
        %add3A_134 = arith.addi %add3A_114, %add3A_133 : i32
        %mul3A_135 = arith.constant 128 : i32
        %mul3A_136 = arith.muli %add3A_134, %mul3A_135 : i32
        %add3A_137 = arith.addi %mul3A_22, %mul3A_136 : i32
        %dma_start3A_138 = tpu.memref_slice %arg3[%add3A_137] : memref<344064xi32, #tpu.memory_space<hbm>> -> memref<128xi32, #tpu.memory_space<hbm>>
        %dma_start3A_139 = tpu.memref_slice %arg3[%add3A_137] : memref<344064xi32, #tpu.memory_space<hbm>> -> memref<128xi32, #tpu.memory_space<hbm>>
        tpu.enqueue_dma source(%dma_start3A_139 : memref<128xi32, #tpu.memory_space<hbm>>) target(%arg8 : memref<128xi32, #tpu.memory_space<vmem>>) target_semaphore(%arg18 : memref<!tpu.dma_semaphore, #tpu.memory_space<semaphore_mem>>)
        %dma_start3A_140 = tpu.memref_slice %arg4[%add3A_137] : memref<344064xi32, #tpu.memory_space<hbm>> -> memref<128xi32, #tpu.memory_space<hbm>>
        %dma_start3A_141 = tpu.memref_slice %arg4[%add3A_137] : memref<344064xi32, #tpu.memory_space<hbm>> -> memref<128xi32, #tpu.memory_space<hbm>>
        tpu.enqueue_dma source(%dma_start3A_141 : memref<128xi32, #tpu.memory_space<hbm>>) target(%arg11 : memref<128xi32, #tpu.memory_space<vmem>>) target_semaphore(%arg18 : memref<!tpu.dma_semaphore, #tpu.memory_space<semaphore_mem>>)
      } else {
      }
      %scan3A_132 = arith.constant 0 : i32
      scf.yield %scan3A_132 : i32
    }
    %scan3A_59 = arith.constant 28 : i32
    %barrier3A_60 = arith.constant 0 : index
    tpu.barrier barrier_id(%barrier3A_60)
    %mul3A_61 = arith.constant 624 : i32
    %mul3A_62 = arith.muli %arg1, %mul3A_61 : i32
    "tpu.region"() ({
      %run_scoped3A = tpu.sem_alloc : memref<!tpu.dma_semaphore, #tpu.memory_space<semaphore_mem>>
      %dma_start3A_68 = arith.constant 0 : i32
      %dma_start3A_69 = tpu.memref_slice %arg5[%arg0, %mul3A_62, %dma_start3A_68] : memref<2x10000x128xf32, #tpu.memory_space<hbm>> -> memref<1x624x128xf32, #tpu.memory_space<hbm>>
      %dma_start3A_70 = tpu.memref_squeeze %dma_start3A_69 : memref<1x624x128xf32, #tpu.memory_space<hbm>> -> memref<624x128xf32, #tpu.memory_space<hbm>>
      %dma_start3A_71 = arith.constant 0 : i32
      %dma_start3A_72 = tpu.memref_slice %arg15[%mul3A_62, %dma_start3A_71] : memref<10128x128xf32, #tpu.memory_space<vmem_shared>> -> memref<624x128xf32, #tpu.memory_space<vmem_shared>>
      tpu.enqueue_dma source(%dma_start3A_72 : memref<624x128xf32, #tpu.memory_space<vmem_shared>>) target(%dma_start3A_70 : memref<624x128xf32, #tpu.memory_space<hbm>>) target_semaphore(%run_scoped3A : memref<!tpu.dma_semaphore, #tpu.memory_space<semaphore_mem>>)
      %dma_wait3A_73 = arith.constant 0 : i32
      %dma_wait3A_74 = tpu.memref_slice %arg5[%arg0, %mul3A_62, %dma_wait3A_73] : memref<2x10000x128xf32, #tpu.memory_space<hbm>> -> memref<1x624x128xf32, #tpu.memory_space<hbm>>
      %dma_wait3A_75 = tpu.memref_squeeze %dma_wait3A_74 : memref<1x624x128xf32, #tpu.memory_space<hbm>> -> memref<624x128xf32, #tpu.memory_space<hbm>>
      %dma_wait3A_76 = arith.constant 0 : i32
      %dma_wait3A_77 = tpu.memref_slice %arg15[%mul3A_62, %dma_wait3A_76] : memref<10128x128xf32, #tpu.memory_space<vmem_shared>> -> memref<624x128xf32, #tpu.memory_space<vmem_shared>>
      tpu.wait_dma2 semaphore(%run_scoped3A : memref<!tpu.dma_semaphore, #tpu.memory_space<semaphore_mem>>) src(%dma_wait3A_77 : memref<624x128xf32, #tpu.memory_space<vmem_shared>>) dst(%dma_wait3A_75 : memref<624x128xf32, #tpu.memory_space<hbm>>)
      tpu.yield
    }) : () -> ()
    %eq3A_63 = arith.constant 15 : i32
    %eq3A_64 = arith.cmpi eq, %arg1, %eq3A_63 : i32
    %convert_element_type3A_65 = arith.extui %eq3A_64 : i1 to i32
    %cond3A_66 = arith.constant 0 : i32
    %cond3A_67 = arith.cmpi ne, %convert_element_type3A_65, %cond3A_66 : i32
    scf.if %cond3A_67 {
      "tpu.region"() ({
        %run_scoped3A = tpu.sem_alloc : memref<!tpu.dma_semaphore, #tpu.memory_space<semaphore_mem>>
        %dma_start3A_68 = arith.constant 9984 : i32
        %dma_start3A_69 = arith.constant 0 : i32
        %dma_start3A_70 = tpu.memref_slice %arg5[%arg0, %dma_start3A_68, %dma_start3A_69] : memref<2x10000x128xf32, #tpu.memory_space<hbm>> -> memref<1x16x128xf32, #tpu.memory_space<hbm>>
        %dma_start3A_71 = tpu.memref_squeeze %dma_start3A_70 : memref<1x16x128xf32, #tpu.memory_space<hbm>> -> memref<16x128xf32, #tpu.memory_space<hbm>>
        %dma_start3A_72 = arith.constant 9984 : i32
        %dma_start3A_73 = arith.constant 0 : i32
        %dma_start3A_74 = tpu.memref_slice %arg15[%dma_start3A_72, %dma_start3A_73] : memref<10128x128xf32, #tpu.memory_space<vmem_shared>> -> memref<16x128xf32, #tpu.memory_space<vmem_shared>>
        tpu.enqueue_dma source(%dma_start3A_74 : memref<16x128xf32, #tpu.memory_space<vmem_shared>>) target(%dma_start3A_71 : memref<16x128xf32, #tpu.memory_space<hbm>>) target_semaphore(%run_scoped3A : memref<!tpu.dma_semaphore, #tpu.memory_space<semaphore_mem>>)
        %dma_wait3A_75 = arith.constant 9984 : i32
        %dma_wait3A_76 = arith.constant 0 : i32
        %dma_wait3A_77 = tpu.memref_slice %arg5[%arg0, %dma_wait3A_75, %dma_wait3A_76] : memref<2x10000x128xf32, #tpu.memory_space<hbm>> -> memref<1x16x128xf32, #tpu.memory_space<hbm>>
        %dma_wait3A_78 = tpu.memref_squeeze %dma_wait3A_77 : memref<1x16x128xf32, #tpu.memory_space<hbm>> -> memref<16x128xf32, #tpu.memory_space<hbm>>
        %dma_wait3A_79 = arith.constant 9984 : i32
        %dma_wait3A_80 = arith.constant 0 : i32
        %dma_wait3A_81 = tpu.memref_slice %arg15[%dma_wait3A_79, %dma_wait3A_80] : memref<10128x128xf32, #tpu.memory_space<vmem_shared>> -> memref<16x128xf32, #tpu.memory_space<vmem_shared>>
        tpu.wait_dma2 semaphore(%run_scoped3A : memref<!tpu.dma_semaphore, #tpu.memory_space<semaphore_mem>>) src(%dma_wait3A_81 : memref<16x128xf32, #tpu.memory_space<vmem_shared>>) dst(%dma_wait3A_78 : memref<16x128xf32, #tpu.memory_space<hbm>>)
        tpu.yield
      }) : () -> ()
    } else {
    }
    return
  }
}

#map = affine_map<(d0, d1) -> (0, 0)>
#map1 = affine_map<(d0, d1) -> (0)>
#map2 = affine_map<(d0, d1) -> (0, 0, 0)>
module attributes {stable_mosaic.version = 14 : i64} {
  func.func @body(%arg0: i32, %arg1: i32, %arg2: memref<10000x128xf32, #tpu.memory_space<hbm>>, %arg3: memref<344064xi32, #tpu.memory_space<hbm>>, %arg4: memref<344064xi32, #tpu.memory_space<hbm>>, %arg5: memref<2x10000x128xf32, #tpu.memory_space<hbm>>, %arg6: memref<128xi32, #tpu.memory_space<vmem>>, %arg7: memref<128xi32, #tpu.memory_space<vmem>>, %arg8: memref<128xi32, #tpu.memory_space<vmem>>, %arg9: memref<128xi32, #tpu.memory_space<vmem>>, %arg10: memref<128xi32, #tpu.memory_space<vmem>>, %arg11: memref<128xi32, #tpu.memory_space<vmem>>, %arg12: memref<128x128xf32, #tpu.memory_space<vmem>>, %arg13: memref<128x128xf32, #tpu.memory_space<vmem>>, %arg14: memref<128x128xf32, #tpu.memory_space<vmem>>, %arg15: memref<10128x128xf32, #tpu.memory_space<vmem_shared>>, %arg16: memref<!tpu.dma_semaphore, #tpu.memory_space<semaphore_mem>>, %arg17: memref<!tpu.dma_semaphore, #tpu.memory_space<semaphore_mem>>, %arg18: memref<!tpu.dma_semaphore, #tpu.memory_space<semaphore_mem>>, %arg19: memref<!tpu.dma_semaphore, #tpu.memory_space<semaphore_mem>>, %arg20: memref<!tpu.dma_semaphore, #tpu.memory_space<semaphore_mem>>, %arg21: memref<!tpu.dma_semaphore, #tpu.memory_space<semaphore_mem>>) attributes {dimension_semantics = [#tpu.dimension_semantics<core_parallel>, #tpu.dimension_semantics<subcore_parallel>], iteration_bounds = array<i64: 2, 16>, scalar_prefetch = 0 : i64, scratch_operands = 16 : i64, tpu.core_type = #tpu.core_type<sc_vector_subcore>, window_params = [{transform_indices = #map}, {transform_indices = #map1}, {transform_indices = #map1}, {transform_indices = #map2}]} {
    %scan3A = arith.constant 0 : i32
    %scan3A_0 = arith.constant 0 : i32
    %scan3A_1 = arith.constant 1024 : i32
    %scan3A_2 = arith.addi %scan3A_0, %scan3A_1 : i32
    %scan3A_3 = arith.constant 1 : i32
    %scan3A_4 = scf.for %scan3A_68 = %scan3A_0 to %scan3A_2 step %scan3A_3 iter_args(%scan3A_69 = %scan3A) -> (i32)  : i32 {
      %jit3A = arith.constant 8 : i32
      %div3A = arith.divsi %scan3A_68, %jit3A : i32
      %sign3A = arith.constant 0 : i32
      %sign3A_70 = arith.cmpi sgt, %scan3A_68, %sign3A : i32
      %sign3A_71 = arith.extui %sign3A_70 : i1 to i32
      %sign3A_72 = arith.constant 0 : i32
      %sign3A_73 = arith.cmpi slt, %scan3A_68, %sign3A_72 : i32
      %sign3A_74 = arith.extui %sign3A_73 : i1 to i32
      %sign3A_75 = arith.subi %sign3A_71, %sign3A_74 : i32
      %sign3A_76 = arith.constant 0 : i32
      %sign3A_77 = arith.cmpi sgt, %jit3A, %sign3A_76 : i32
      %sign3A_78 = arith.extui %sign3A_77 : i1 to i32
      %sign3A_79 = arith.constant 0 : i32
      %sign3A_80 = arith.cmpi slt, %jit3A, %sign3A_79 : i32
      %sign3A_81 = arith.extui %sign3A_80 : i1 to i32
      %sign3A_82 = arith.subi %sign3A_78, %sign3A_81 : i32
      %ne3A = arith.cmpi ne, %sign3A_75, %sign3A_82 : i32
      %rem3A = arith.remsi %scan3A_68, %jit3A : i32
      %ne3A_83 = arith.constant 0 : i32
      %ne3A_84 = arith.cmpi ne, %rem3A, %ne3A_83 : i32
      %and3A = arith.andi %ne3A, %ne3A_84 : i1
      %sub3A = arith.constant 1 : i32
      %sub3A_85 = arith.subi %div3A, %sub3A : i32
      %select_n3A = arith.select %and3A, %sub3A_85, %div3A : i32
      %jit3A_86 = arith.constant 8 : i32
      %eq3A_87 = arith.constant 0 : i32
      %eq3A_88 = arith.cmpi eq, %jit3A_86, %eq3A_87 : i32
      %jit3A_89 = arith.constant 1 : i32
      %select_n3A_90 = arith.select %eq3A_88, %jit3A_89, %jit3A_86 : i32
      %rem3A_91 = arith.remsi %scan3A_68, %select_n3A_90 : i32
      %ne3A_92 = arith.constant 0 : i32
      %ne3A_93 = arith.cmpi ne, %rem3A_91, %ne3A_92 : i32
      %lt3A = arith.constant 0 : i32
      %lt3A_94 = arith.cmpi slt, %rem3A_91, %lt3A : i32
      %lt3A_95 = arith.constant 0 : i32
      %lt3A_96 = arith.cmpi slt, %select_n3A_90, %lt3A_95 : i32
      %ne3A_97 = arith.xori %lt3A_94, %lt3A_96 : i1
      %and3A_98 = arith.andi %ne3A_97, %ne3A_93 : i1
      %add3A_99 = arith.addi %rem3A_91, %select_n3A_90 : i32
      %select_n3A_100 = arith.select %and3A_98, %add3A_99, %rem3A_91 : i32
      %mul3A_101 = arith.constant 16 : i32
      %mul3A_102 = arith.muli %select_n3A_100, %mul3A_101 : i32
      %broadcast_in_dim3A = arith.constant 0.000000e+00 : f32
      %broadcast_in_dim3A_103 = vector.broadcast %broadcast_in_dim3A : f32 to vector<16xf32>
      %swap3A = arith.index_cast %select_n3A : i32 to index
      %swap3A_104 = arith.index_cast %mul3A_102 : i32 to index
      %swap3A_105 = tpu.vector_load %arg12[%swap3A, %swap3A_104] {strides = array<i32>} : memref<128x128xf32, #tpu.memory_space<vmem>>, vector<1x16xf32>,
      %swap3A_106 = vector.shape_cast %swap3A_105 : vector<1x16xf32> to vector<16xf32>
      %swap3A_107 = vector.shape_cast %broadcast_in_dim3A_103 : vector<16xf32> to vector<1x16xf32>
      tpu.vector_store %arg12[%swap3A, %swap3A_104], %swap3A_107 {strides = array<i32>} : memref<128x128xf32, #tpu.memory_space<vmem>>, vector<1x16xf32>,
      %scan3A_108 = arith.constant 0 : i32
      scf.yield %scan3A_108 : i32
    }
    %scan3A_5 = arith.constant 1024 : i32
    %mul3A = arith.constant 624 : i32
    %mul3A_6 = arith.muli %arg1, %mul3A : i32
    %add3A = arith.constant 0 : i32
    %add3A_7 = arith.addi %mul3A_6, %add3A : i32
    "tpu.region"() ({
      %run_scoped3A = tpu.sem_alloc : memref<!tpu.dma_semaphore, #tpu.memory_space<semaphore_mem>>
      %dma_start3A_68 = arith.constant 0 : i32
      %dma_start3A_69 = tpu.memref_slice %arg15[%add3A_7, %dma_start3A_68] : memref<10128x128xf32, #tpu.memory_space<vmem_shared>> -> memref<128x128xf32, #tpu.memory_space<vmem_shared>>
      %dma_start3A_70 = arith.constant 0 : i32
      %dma_start3A_71 = tpu.memref_slice %arg15[%add3A_7, %dma_start3A_70] : memref<10128x128xf32, #tpu.memory_space<vmem_shared>> -> memref<128x128xf32, #tpu.memory_space<vmem_shared>>
      tpu.enqueue_dma source(%arg12 : memref<128x128xf32, #tpu.memory_space<vmem>>) target(%dma_start3A_71 : memref<128x128xf32, #tpu.memory_space<vmem_shared>>) target_semaphore(%run_scoped3A : memref<!tpu.dma_semaphore, #tpu.memory_space<semaphore_mem>>)
      %dma_wait3A_72 = arith.constant 0 : i32
      %dma_wait3A_73 = tpu.memref_slice %arg15[%add3A_7, %dma_wait3A_72] : memref<10128x128xf32, #tpu.memory_space<vmem_shared>> -> memref<128x128xf32, #tpu.memory_space<vmem_shared>>
      %dma_wait3A_74 = arith.constant 0 : i32
      %dma_wait3A_75 = tpu.memref_slice %arg15[%add3A_7, %dma_wait3A_74] : memref<10128x128xf32, #tpu.memory_space<vmem_shared>> -> memref<128x128xf32, #tpu.memory_space<vmem_shared>>
      tpu.wait_dma2 semaphore(%run_scoped3A : memref<!tpu.dma_semaphore, #tpu.memory_space<semaphore_mem>>) src(%arg12 : memref<128x128xf32, #tpu.memory_space<vmem>>) dst(%dma_wait3A_75 : memref<128x128xf32, #tpu.memory_space<vmem_shared>>)
      tpu.yield
    }) : () -> ()
    %add3A_8 = arith.constant 128 : i32
    %add3A_9 = arith.addi %mul3A_6, %add3A_8 : i32
    "tpu.region"() ({
      %run_scoped3A = tpu.sem_alloc : memref<!tpu.dma_semaphore, #tpu.memory_space<semaphore_mem>>
      %dma_start3A_68 = arith.constant 0 : i32
      %dma_start3A_69 = tpu.memref_slice %arg15[%add3A_9, %dma_start3A_68] : memref<10128x128xf32, #tpu.memory_space<vmem_shared>> -> memref<128x128xf32, #tpu.memory_space<vmem_shared>>
      %dma_start3A_70 = arith.constant 0 : i32
      %dma_start3A_71 = tpu.memref_slice %arg15[%add3A_9, %dma_start3A_70] : memref<10128x128xf32, #tpu.memory_space<vmem_shared>> -> memref<128x128xf32, #tpu.memory_space<vmem_shared>>
      tpu.enqueue_dma source(%arg12 : memref<128x128xf32, #tpu.memory_space<vmem>>) target(%dma_start3A_71 : memref<128x128xf32, #tpu.memory_space<vmem_shared>>) target_semaphore(%run_scoped3A : memref<!tpu.dma_semaphore, #tpu.memory_space<semaphore_mem>>)
      %dma_wait3A_72 = arith.constant 0 : i32
      %dma_wait3A_73 = tpu.memref_slice %arg15[%add3A_9, %dma_wait3A_72] : memref<10128x128xf32, #tpu.memory_space<vmem_shared>> -> memref<128x128xf32, #tpu.memory_space<vmem_shared>>
      %dma_wait3A_74 = arith.constant 0 : i32
      %dma_wait3A_75 = tpu.memref_slice %arg15[%add3A_9, %dma_wait3A_74] : memref<10128x128xf32, #tpu.memory_space<vmem_shared>> -> memref<128x128xf32, #tpu.memory_space<vmem_shared>>
      tpu.wait_dma2 semaphore(%run_scoped3A : memref<!tpu.dma_semaphore, #tpu.memory_space<semaphore_mem>>) src(%arg12 : memref<128x128xf32, #tpu.memory_space<vmem>>) dst(%dma_wait3A_75 : memref<128x128xf32, #tpu.memory_space<vmem_shared>>)
      tpu.yield
    }) : () -> ()
    %add3A_10 = arith.constant 256 : i32
    %add3A_11 = arith.addi %mul3A_6, %add3A_10 : i32
    "tpu.region"() ({
      %run_scoped3A = tpu.sem_alloc : memref<!tpu.dma_semaphore, #tpu.memory_space<semaphore_mem>>
      %dma_start3A_68 = arith.constant 0 : i32
      %dma_start3A_69 = tpu.memref_slice %arg15[%add3A_11, %dma_start3A_68] : memref<10128x128xf32, #tpu.memory_space<vmem_shared>> -> memref<128x128xf32, #tpu.memory_space<vmem_shared>>
      %dma_start3A_70 = arith.constant 0 : i32
      %dma_start3A_71 = tpu.memref_slice %arg15[%add3A_11, %dma_start3A_70] : memref<10128x128xf32, #tpu.memory_space<vmem_shared>> -> memref<128x128xf32, #tpu.memory_space<vmem_shared>>
      tpu.enqueue_dma source(%arg12 : memref<128x128xf32, #tpu.memory_space<vmem>>) target(%dma_start3A_71 : memref<128x128xf32, #tpu.memory_space<vmem_shared>>) target_semaphore(%run_scoped3A : memref<!tpu.dma_semaphore, #tpu.memory_space<semaphore_mem>>)
      %dma_wait3A_72 = arith.constant 0 : i32
      %dma_wait3A_73 = tpu.memref_slice %arg15[%add3A_11, %dma_wait3A_72] : memref<10128x128xf32, #tpu.memory_space<vmem_shared>> -> memref<128x128xf32, #tpu.memory_space<vmem_shared>>
      %dma_wait3A_74 = arith.constant 0 : i32
      %dma_wait3A_75 = tpu.memref_slice %arg15[%add3A_11, %dma_wait3A_74] : memref<10128x128xf32, #tpu.memory_space<vmem_shared>> -> memref<128x128xf32, #tpu.memory_space<vmem_shared>>
      tpu.wait_dma2 semaphore(%run_scoped3A : memref<!tpu.dma_semaphore, #tpu.memory_space<semaphore_mem>>) src(%arg12 : memref<128x128xf32, #tpu.memory_space<vmem>>) dst(%dma_wait3A_75 : memref<128x128xf32, #tpu.memory_space<vmem_shared>>)
      tpu.yield
    }) : () -> ()
    %add3A_12 = arith.constant 384 : i32
    %add3A_13 = arith.addi %mul3A_6, %add3A_12 : i32
    "tpu.region"() ({
      %run_scoped3A = tpu.sem_alloc : memref<!tpu.dma_semaphore, #tpu.memory_space<semaphore_mem>>
      %dma_start3A_68 = arith.constant 0 : i32
      %dma_start3A_69 = tpu.memref_slice %arg15[%add3A_13, %dma_start3A_68] : memref<10128x128xf32, #tpu.memory_space<vmem_shared>> -> memref<128x128xf32, #tpu.memory_space<vmem_shared>>
      %dma_start3A_70 = arith.constant 0 : i32
      %dma_start3A_71 = tpu.memref_slice %arg15[%add3A_13, %dma_start3A_70] : memref<10128x128xf32, #tpu.memory_space<vmem_shared>> -> memref<128x128xf32, #tpu.memory_space<vmem_shared>>
      tpu.enqueue_dma source(%arg12 : memref<128x128xf32, #tpu.memory_space<vmem>>) target(%dma_start3A_71 : memref<128x128xf32, #tpu.memory_space<vmem_shared>>) target_semaphore(%run_scoped3A : memref<!tpu.dma_semaphore, #tpu.memory_space<semaphore_mem>>)
      %dma_wait3A_72 = arith.constant 0 : i32
      %dma_wait3A_73 = tpu.memref_slice %arg15[%add3A_13, %dma_wait3A_72] : memref<10128x128xf32, #tpu.memory_space<vmem_shared>> -> memref<128x128xf32, #tpu.memory_space<vmem_shared>>
      %dma_wait3A_74 = arith.constant 0 : i32
      %dma_wait3A_75 = tpu.memref_slice %arg15[%add3A_13, %dma_wait3A_74] : memref<10128x128xf32, #tpu.memory_space<vmem_shared>> -> memref<128x128xf32, #tpu.memory_space<vmem_shared>>
      tpu.wait_dma2 semaphore(%run_scoped3A : memref<!tpu.dma_semaphore, #tpu.memory_space<semaphore_mem>>) src(%arg12 : memref<128x128xf32, #tpu.memory_space<vmem>>) dst(%dma_wait3A_75 : memref<128x128xf32, #tpu.memory_space<vmem_shared>>)
      tpu.yield
    }) : () -> ()
    %add3A_14 = arith.constant 512 : i32
    %add3A_15 = arith.addi %mul3A_6, %add3A_14 : i32
    "tpu.region"() ({
      %run_scoped3A = tpu.sem_alloc : memref<!tpu.dma_semaphore, #tpu.memory_space<semaphore_mem>>
      %dma_start3A_68 = arith.constant 0 : i32
      %dma_start3A_69 = arith.constant 0 : i32
      %dma_start3A_70 = tpu.memref_slice %arg12[%dma_start3A_68, %dma_start3A_69] : memref<128x128xf32, #tpu.memory_space<vmem>> -> memref<112x128xf32, #tpu.memory_space<vmem>>
      %dma_start3A_71 = arith.constant 0 : i32
      %dma_start3A_72 = tpu.memref_slice %arg15[%add3A_15, %dma_start3A_71] : memref<10128x128xf32, #tpu.memory_space<vmem_shared>> -> memref<112x128xf32, #tpu.memory_space<vmem_shared>>
      %dma_start3A_73 = arith.constant 0 : i32
      %dma_start3A_74 = tpu.memref_slice %arg15[%add3A_15, %dma_start3A_73] : memref<10128x128xf32, #tpu.memory_space<vmem_shared>> -> memref<112x128xf32, #tpu.memory_space<vmem_shared>>
      %dma_start3A_75 = arith.constant 0 : i32
      %dma_start3A_76 = arith.constant 0 : i32
      %dma_start3A_77 = tpu.memref_slice %arg12[%dma_start3A_75, %dma_start3A_76] : memref<128x128xf32, #tpu.memory_space<vmem>> -> memref<112x128xf32, #tpu.memory_space<vmem>>
      tpu.enqueue_dma source(%dma_start3A_77 : memref<112x128xf32, #tpu.memory_space<vmem>>) target(%dma_start3A_74 : memref<112x128xf32, #tpu.memory_space<vmem_shared>>) target_semaphore(%run_scoped3A : memref<!tpu.dma_semaphore, #tpu.memory_space<semaphore_mem>>)
      %dma_wait3A_78 = arith.constant 0 : i32
      %dma_wait3A_79 = arith.constant 0 : i32
      %dma_wait3A_80 = tpu.memref_slice %arg12[%dma_wait3A_78, %dma_wait3A_79] : memref<128x128xf32, #tpu.memory_space<vmem>> -> memref<112x128xf32, #tpu.memory_space<vmem>>
      %dma_wait3A_81 = arith.constant 0 : i32
      %dma_wait3A_82 = tpu.memref_slice %arg15[%add3A_15, %dma_wait3A_81] : memref<10128x128xf32, #tpu.memory_space<vmem_shared>> -> memref<112x128xf32, #tpu.memory_space<vmem_shared>>
      %dma_wait3A_83 = arith.constant 0 : i32
      %dma_wait3A_84 = tpu.memref_slice %arg15[%add3A_15, %dma_wait3A_83] : memref<10128x128xf32, #tpu.memory_space<vmem_shared>> -> memref<112x128xf32, #tpu.memory_space<vmem_shared>>
      %dma_wait3A_85 = arith.constant 0 : i32
      %dma_wait3A_86 = arith.constant 0 : i32
      %dma_wait3A_87 = tpu.memref_slice %arg12[%dma_wait3A_85, %dma_wait3A_86] : memref<128x128xf32, #tpu.memory_space<vmem>> -> memref<112x128xf32, #tpu.memory_space<vmem>>
      tpu.wait_dma2 semaphore(%run_scoped3A : memref<!tpu.dma_semaphore, #tpu.memory_space<semaphore_mem>>) src(%dma_wait3A_87 : memref<112x128xf32, #tpu.memory_space<vmem>>) dst(%dma_wait3A_84 : memref<112x128xf32, #tpu.memory_space<vmem_shared>>)
      tpu.yield
    }) : () -> ()
    %eq3A = arith.constant 15 : i32
    %eq3A_16 = arith.cmpi eq, %arg1, %eq3A : i32
    %convert_element_type3A = arith.extui %eq3A_16 : i1 to i32
    %cond3A = arith.constant 0 : i32
    %cond3A_17 = arith.cmpi ne, %convert_element_type3A, %cond3A : i32
    scf.if %cond3A_17 {
      "tpu.region"() ({
        %run_scoped3A = tpu.sem_alloc : memref<!tpu.dma_semaphore, #tpu.memory_space<semaphore_mem>>
        %dma_start3A_68 = arith.constant 0 : i32
        %dma_start3A_69 = arith.constant 0 : i32
        %dma_start3A_70 = tpu.memref_slice %arg12[%dma_start3A_68, %dma_start3A_69] : memref<128x128xf32, #tpu.memory_space<vmem>> -> memref<128x128xf32, #tpu.memory_space<vmem>>
        %dma_start3A_71 = arith.constant 9984 : i32
        %dma_start3A_72 = arith.constant 0 : i32
        %dma_start3A_73 = tpu.memref_slice %arg15[%dma_start3A_71, %dma_start3A_72] : memref<10128x128xf32, #tpu.memory_space<vmem_shared>> -> memref<128x128xf32, #tpu.memory_space<vmem_shared>>
        %dma_start3A_74 = arith.constant 9984 : i32
        %dma_start3A_75 = arith.constant 0 : i32
        %dma_start3A_76 = tpu.memref_slice %arg15[%dma_start3A_74, %dma_start3A_75] : memref<10128x128xf32, #tpu.memory_space<vmem_shared>> -> memref<128x128xf32, #tpu.memory_space<vmem_shared>>
        %dma_start3A_77 = arith.constant 0 : i32
        %dma_start3A_78 = arith.constant 0 : i32
        %dma_start3A_79 = tpu.memref_slice %arg12[%dma_start3A_77, %dma_start3A_78] : memref<128x128xf32, #tpu.memory_space<vmem>> -> memref<128x128xf32, #tpu.memory_space<vmem>>
        tpu.enqueue_dma source(%dma_start3A_79 : memref<128x128xf32, #tpu.memory_space<vmem>>) target(%dma_start3A_76 : memref<128x128xf32, #tpu.memory_space<vmem_shared>>) target_semaphore(%run_scoped3A : memref<!tpu.dma_semaphore, #tpu.memory_space<semaphore_mem>>)
        %dma_wait3A_80 = arith.constant 0 : i32
        %dma_wait3A_81 = arith.constant 0 : i32
        %dma_wait3A_82 = tpu.memref_slice %arg12[%dma_wait3A_80, %dma_wait3A_81] : memref<128x128xf32, #tpu.memory_space<vmem>> -> memref<128x128xf32, #tpu.memory_space<vmem>>
        %dma_wait3A_83 = arith.constant 9984 : i32
        %dma_wait3A_84 = arith.constant 0 : i32
        %dma_wait3A_85 = tpu.memref_slice %arg15[%dma_wait3A_83, %dma_wait3A_84] : memref<10128x128xf32, #tpu.memory_space<vmem_shared>> -> memref<128x128xf32, #tpu.memory_space<vmem_shared>>
        %dma_wait3A_86 = arith.constant 9984 : i32
        %dma_wait3A_87 = arith.constant 0 : i32
        %dma_wait3A_88 = tpu.memref_slice %arg15[%dma_wait3A_86, %dma_wait3A_87] : memref<10128x128xf32, #tpu.memory_space<vmem_shared>> -> memref<128x128xf32, #tpu.memory_space<vmem_shared>>
        %dma_wait3A_89 = arith.constant 0 : i32
        %dma_wait3A_90 = arith.constant 0 : i32
        %dma_wait3A_91 = tpu.memref_slice %arg12[%dma_wait3A_89, %dma_wait3A_90] : memref<128x128xf32, #tpu.memory_space<vmem>> -> memref<128x128xf32, #tpu.memory_space<vmem>>
        tpu.wait_dma2 semaphore(%run_scoped3A : memref<!tpu.dma_semaphore, #tpu.memory_space<semaphore_mem>>) src(%dma_wait3A_91 : memref<128x128xf32, #tpu.memory_space<vmem>>) dst(%dma_wait3A_88 : memref<128x128xf32, #tpu.memory_space<vmem_shared>>)
        tpu.yield
      }) : () -> ()
      "tpu.region"() ({
        %run_scoped3A = tpu.sem_alloc : memref<!tpu.dma_semaphore, #tpu.memory_space<semaphore_mem>>
        %dma_start3A_68 = arith.constant 0 : i32
        %dma_start3A_69 = arith.constant 0 : i32
        %dma_start3A_70 = tpu.memref_slice %arg12[%dma_start3A_68, %dma_start3A_69] : memref<128x128xf32, #tpu.memory_space<vmem>> -> memref<16x128xf32, #tpu.memory_space<vmem>>
        %dma_start3A_71 = arith.constant 10112 : i32
        %dma_start3A_72 = arith.constant 0 : i32
        %dma_start3A_73 = tpu.memref_slice %arg15[%dma_start3A_71, %dma_start3A_72] : memref<10128x128xf32, #tpu.memory_space<vmem_shared>> -> memref<16x128xf32, #tpu.memory_space<vmem_shared>>
        %dma_start3A_74 = arith.constant 10112 : i32
        %dma_start3A_75 = arith.constant 0 : i32
        %dma_start3A_76 = tpu.memref_slice %arg15[%dma_start3A_74, %dma_start3A_75] : memref<10128x128xf32, #tpu.memory_space<vmem_shared>> -> memref<16x128xf32, #tpu.memory_space<vmem_shared>>
        %dma_start3A_77 = arith.constant 0 : i32
        %dma_start3A_78 = arith.constant 0 : i32
        %dma_start3A_79 = tpu.memref_slice %arg12[%dma_start3A_77, %dma_start3A_78] : memref<128x128xf32, #tpu.memory_space<vmem>> -> memref<16x128xf32, #tpu.memory_space<vmem>>
        tpu.enqueue_dma source(%dma_start3A_79 : memref<16x128xf32, #tpu.memory_space<vmem>>) target(%dma_start3A_76 : memref<16x128xf32, #tpu.memory_space<vmem_shared>>) target_semaphore(%run_scoped3A : memref<!tpu.dma_semaphore, #tpu.memory_space<semaphore_mem>>)
        %dma_wait3A_80 = arith.constant 0 : i32
        %dma_wait3A_81 = arith.constant 0 : i32
        %dma_wait3A_82 = tpu.memref_slice %arg12[%dma_wait3A_80, %dma_wait3A_81] : memref<128x128xf32, #tpu.memory_space<vmem>> -> memref<16x128xf32, #tpu.memory_space<vmem>>
        %dma_wait3A_83 = arith.constant 10112 : i32
        %dma_wait3A_84 = arith.constant 0 : i32
        %dma_wait3A_85 = tpu.memref_slice %arg15[%dma_wait3A_83, %dma_wait3A_84] : memref<10128x128xf32, #tpu.memory_space<vmem_shared>> -> memref<16x128xf32, #tpu.memory_space<vmem_shared>>
        %dma_wait3A_86 = arith.constant 10112 : i32
        %dma_wait3A_87 = arith.constant 0 : i32
        %dma_wait3A_88 = tpu.memref_slice %arg15[%dma_wait3A_86, %dma_wait3A_87] : memref<10128x128xf32, #tpu.memory_space<vmem_shared>> -> memref<16x128xf32, #tpu.memory_space<vmem_shared>>
        %dma_wait3A_89 = arith.constant 0 : i32
        %dma_wait3A_90 = arith.constant 0 : i32
        %dma_wait3A_91 = tpu.memref_slice %arg12[%dma_wait3A_89, %dma_wait3A_90] : memref<128x128xf32, #tpu.memory_space<vmem>> -> memref<16x128xf32, #tpu.memory_space<vmem>>
        tpu.wait_dma2 semaphore(%run_scoped3A : memref<!tpu.dma_semaphore, #tpu.memory_space<semaphore_mem>>) src(%dma_wait3A_91 : memref<16x128xf32, #tpu.memory_space<vmem>>) dst(%dma_wait3A_88 : memref<16x128xf32, #tpu.memory_space<vmem_shared>>)
        tpu.yield
      }) : () -> ()
    } else {
    }
    %mul3A_18 = arith.constant 16 : i32
    %mul3A_19 = arith.muli %arg0, %mul3A_18 : i32
    %add3A_20 = arith.addi %mul3A_19, %arg1 : i32
    %mul3A_21 = arith.constant 10752 : i32
    %mul3A_22 = arith.muli %add3A_20, %mul3A_21 : i32
    %add3A_23 = arith.constant 0 : i32
    %add3A_24 = arith.addi %mul3A_22, %add3A_23 : i32
    %dma_start3A = tpu.memref_slice %arg3[%add3A_24] : memref<344064xi32, #tpu.memory_space<hbm>> -> memref<128xi32, #tpu.memory_space<hbm>>
    %dma_start3A_25 = tpu.memref_slice %arg3[%add3A_24] : memref<344064xi32, #tpu.memory_space<hbm>> -> memref<128xi32, #tpu.memory_space<hbm>>
    tpu.enqueue_dma source(%dma_start3A_25 : memref<128xi32, #tpu.memory_space<hbm>>) target(%arg6 : memref<128xi32, #tpu.memory_space<vmem>>) target_semaphore(%arg16 : memref<!tpu.dma_semaphore, #tpu.memory_space<semaphore_mem>>)
    %dma_start3A_26 = tpu.memref_slice %arg4[%add3A_24] : memref<344064xi32, #tpu.memory_space<hbm>> -> memref<128xi32, #tpu.memory_space<hbm>>
    %dma_start3A_27 = tpu.memref_slice %arg4[%add3A_24] : memref<344064xi32, #tpu.memory_space<hbm>> -> memref<128xi32, #tpu.memory_space<hbm>>
    tpu.enqueue_dma source(%dma_start3A_27 : memref<128xi32, #tpu.memory_space<hbm>>) target(%arg9 : memref<128xi32, #tpu.memory_space<vmem>>) target_semaphore(%arg16 : memref<!tpu.dma_semaphore, #tpu.memory_space<semaphore_mem>>)
    %add3A_28 = arith.constant 128 : i32
    %add3A_29 = arith.addi %mul3A_22, %add3A_28 : i32
    %dma_start3A_30 = tpu.memref_slice %arg3[%add3A_29] : memref<344064xi32, #tpu.memory_space<hbm>> -> memref<128xi32, #tpu.memory_space<hbm>>
    %dma_start3A_31 = tpu.memref_slice %arg3[%add3A_29] : memref<344064xi32, #tpu.memory_space<hbm>> -> memref<128xi32, #tpu.memory_space<hbm>>
    tpu.enqueue_dma source(%dma_start3A_31 : memref<128xi32, #tpu.memory_space<hbm>>) target(%arg7 : memref<128xi32, #tpu.memory_space<vmem>>) target_semaphore(%arg17 : memref<!tpu.dma_semaphore, #tpu.memory_space<semaphore_mem>>)
    %dma_start3A_32 = tpu.memref_slice %arg4[%add3A_29] : memref<344064xi32, #tpu.memory_space<hbm>> -> memref<128xi32, #tpu.memory_space<hbm>>
    %dma_start3A_33 = tpu.memref_slice %arg4[%add3A_29] : memref<344064xi32, #tpu.memory_space<hbm>> -> memref<128xi32, #tpu.memory_space<hbm>>
    tpu.enqueue_dma source(%dma_start3A_33 : memref<128xi32, #tpu.memory_space<hbm>>) target(%arg10 : memref<128xi32, #tpu.memory_space<vmem>>) target_semaphore(%arg17 : memref<!tpu.dma_semaphore, #tpu.memory_space<semaphore_mem>>)
    %add3A_34 = arith.constant 256 : i32
    %add3A_35 = arith.addi %mul3A_22, %add3A_34 : i32
    %dma_start3A_36 = tpu.memref_slice %arg3[%add3A_35] : memref<344064xi32, #tpu.memory_space<hbm>> -> memref<128xi32, #tpu.memory_space<hbm>>
    %dma_start3A_37 = tpu.memref_slice %arg3[%add3A_35] : memref<344064xi32, #tpu.memory_space<hbm>> -> memref<128xi32, #tpu.memory_space<hbm>>
    tpu.enqueue_dma source(%dma_start3A_37 : memref<128xi32, #tpu.memory_space<hbm>>) target(%arg8 : memref<128xi32, #tpu.memory_space<vmem>>) target_semaphore(%arg18 : memref<!tpu.dma_semaphore, #tpu.memory_space<semaphore_mem>>)
    %dma_start3A_38 = tpu.memref_slice %arg4[%add3A_35] : memref<344064xi32, #tpu.memory_space<hbm>> -> memref<128xi32, #tpu.memory_space<hbm>>
    %dma_start3A_39 = tpu.memref_slice %arg4[%add3A_35] : memref<344064xi32, #tpu.memory_space<hbm>> -> memref<128xi32, #tpu.memory_space<hbm>>
    tpu.enqueue_dma source(%dma_start3A_39 : memref<128xi32, #tpu.memory_space<hbm>>) target(%arg11 : memref<128xi32, #tpu.memory_space<vmem>>) target_semaphore(%arg18 : memref<!tpu.dma_semaphore, #tpu.memory_space<semaphore_mem>>)
    %dma_wait3A = tpu.memref_slice %arg3[%mul3A_22] : memref<344064xi32, #tpu.memory_space<hbm>> -> memref<128xi32, #tpu.memory_space<hbm>>
    %dma_wait3A_40 = tpu.memref_slice %arg3[%mul3A_22] : memref<344064xi32, #tpu.memory_space<hbm>> -> memref<128xi32, #tpu.memory_space<hbm>>
    tpu.wait_dma2 semaphore(%arg16 : memref<!tpu.dma_semaphore, #tpu.memory_space<semaphore_mem>>) src(%dma_wait3A_40 : memref<128xi32, #tpu.memory_space<hbm>>) dst(%arg6 : memref<128xi32, #tpu.memory_space<vmem>>)
    %dma_wait3A_41 = tpu.memref_slice %arg4[%mul3A_22] : memref<344064xi32, #tpu.memory_space<hbm>> -> memref<128xi32, #tpu.memory_space<hbm>>
    %dma_wait3A_42 = tpu.memref_slice %arg4[%mul3A_22] : memref<344064xi32, #tpu.memory_space<hbm>> -> memref<128xi32, #tpu.memory_space<hbm>>
    tpu.wait_dma2 semaphore(%arg16 : memref<!tpu.dma_semaphore, #tpu.memory_space<semaphore_mem>>) src(%dma_wait3A_42 : memref<128xi32, #tpu.memory_space<hbm>>) dst(%arg9 : memref<128xi32, #tpu.memory_space<vmem>>)
    %dma_start3A_43 = arith.constant 0 : i32
    %dma_start3A_44 = arith.constant 0 : i32
    %dma_start3A_45 = tpu.memref_slice %arg2[%dma_start3A_43, %dma_start3A_44] : memref<10000x128xf32, #tpu.memory_space<hbm>> -> memref<10000x128xf32, #tpu.memory_space<hbm>>
    tpu.enqueue_indirect_dma source(%dma_start3A_45 : memref<10000x128xf32, #tpu.memory_space<hbm>>) target(%arg12 : memref<128x128xf32, #tpu.memory_space<vmem>>) offsets(%arg6 : memref<128xi32, #tpu.memory_space<vmem>>) semaphore(%arg19 : memref<!tpu.dma_semaphore, #tpu.memory_space<semaphore_mem>>)
    %dma_wait3A_46 = tpu.memref_slice %arg3[%mul3A_22] : memref<344064xi32, #tpu.memory_space<hbm>> -> memref<128xi32, #tpu.memory_space<hbm>>
    %dma_wait3A_47 = tpu.memref_slice %arg3[%mul3A_22] : memref<344064xi32, #tpu.memory_space<hbm>> -> memref<128xi32, #tpu.memory_space<hbm>>
    tpu.wait_dma2 semaphore(%arg17 : memref<!tpu.dma_semaphore, #tpu.memory_space<semaphore_mem>>) src(%dma_wait3A_47 : memref<128xi32, #tpu.memory_space<hbm>>) dst(%arg7 : memref<128xi32, #tpu.memory_space<vmem>>)
    %dma_wait3A_48 = tpu.memref_slice %arg4[%mul3A_22] : memref<344064xi32, #tpu.memory_space<hbm>> -> memref<128xi32, #tpu.memory_space<hbm>>
    %dma_wait3A_49 = tpu.memref_slice %arg4[%mul3A_22] : memref<344064xi32, #tpu.memory_space<hbm>> -> memref<128xi32, #tpu.memory_space<hbm>>
    tpu.wait_dma2 semaphore(%arg17 : memref<!tpu.dma_semaphore, #tpu.memory_space<semaphore_mem>>) src(%dma_wait3A_49 : memref<128xi32, #tpu.memory_space<hbm>>) dst(%arg10 : memref<128xi32, #tpu.memory_space<vmem>>)
    %dma_start3A_50 = arith.constant 0 : i32
    %dma_start3A_51 = arith.constant 0 : i32
    %dma_start3A_52 = tpu.memref_slice %arg2[%dma_start3A_50, %dma_start3A_51] : memref<10000x128xf32, #tpu.memory_space<hbm>> -> memref<10000x128xf32, #tpu.memory_space<hbm>>
    tpu.enqueue_indirect_dma source(%dma_start3A_52 : memref<10000x128xf32, #tpu.memory_space<hbm>>) target(%arg13 : memref<128x128xf32, #tpu.memory_space<vmem>>) offsets(%arg7 : memref<128xi32, #tpu.memory_space<vmem>>) semaphore(%arg20 : memref<!tpu.dma_semaphore, #tpu.memory_space<semaphore_mem>>)
    %barrier3A = arith.constant 0 : index
    tpu.barrier barrier_id(%barrier3A)
    %scan3A_53 = arith.constant 0 : i32
    %scan3A_54 = arith.constant 0 : i32
    %scan3A_55 = arith.constant 28 : i32
    %scan3A_56 = arith.addi %scan3A_54, %scan3A_55 : i32
    %scan3A_57 = arith.constant 1 : i32
    %scan3A_58 = scf.for %scan3A_68 = %scan3A_54 to %scan3A_56 step %scan3A_57 iter_args(%scan3A_69 = %scan3A_53) -> (i32)  : i32 {
      %mul3A_70 = arith.constant 3 : i32
      %mul3A_71 = arith.muli %mul3A_70, %scan3A_68 : i32
      %add3A_72 = arith.constant 0 : i32
      %add3A_73 = arith.addi %mul3A_71, %add3A_72 : i32
      %add3A_74 = arith.constant 2 : i32
      %add3A_75 = arith.addi %add3A_73, %add3A_74 : i32
      %lt3A = arith.constant 84 : i32
      %lt3A_76 = arith.cmpi slt, %add3A_75, %lt3A : i32
      %convert_element_type3A_77 = arith.extui %lt3A_76 : i1 to i32
      %cond3A_78 = arith.constant 0 : i32
      %cond3A_79 = arith.cmpi ne, %convert_element_type3A_77, %cond3A_78 : i32
      scf.if %cond3A_79 {
        %dma_wait3A_133 = tpu.memref_slice %arg3[%mul3A_22] : memref<344064xi32, #tpu.memory_space<hbm>> -> memref<128xi32, #tpu.memory_space<hbm>>
        %dma_wait3A_134 = tpu.memref_slice %arg3[%mul3A_22] : memref<344064xi32, #tpu.memory_space<hbm>> -> memref<128xi32, #tpu.memory_space<hbm>>
        tpu.wait_dma2 semaphore(%arg18 : memref<!tpu.dma_semaphore, #tpu.memory_space<semaphore_mem>>) src(%dma_wait3A_134 : memref<128xi32, #tpu.memory_space<hbm>>) dst(%arg8 : memref<128xi32, #tpu.memory_space<vmem>>)
        %dma_wait3A_135 = tpu.memref_slice %arg4[%mul3A_22] : memref<344064xi32, #tpu.memory_space<hbm>> -> memref<128xi32, #tpu.memory_space<hbm>>
        %dma_wait3A_136 = tpu.memref_slice %arg4[%mul3A_22] : memref<344064xi32, #tpu.memory_space<hbm>> -> memref<128xi32, #tpu.memory_space<hbm>>
        tpu.wait_dma2 semaphore(%arg18 : memref<!tpu.dma_semaphore, #tpu.memory_space<semaphore_mem>>) src(%dma_wait3A_136 : memref<128xi32, #tpu.memory_space<hbm>>) dst(%arg11 : memref<128xi32, #tpu.memory_space<vmem>>)
        %dma_start3A_137 = arith.constant 0 : i32
        %dma_start3A_138 = arith.constant 0 : i32
        %dma_start3A_139 = tpu.memref_slice %arg2[%dma_start3A_137, %dma_start3A_138] : memref<10000x128xf32, #tpu.memory_space<hbm>> -> memref<10000x128xf32, #tpu.memory_space<hbm>>
        tpu.enqueue_indirect_dma source(%dma_start3A_139 : memref<10000x128xf32, #tpu.memory_space<hbm>>) target(%arg14 : memref<128x128xf32, #tpu.memory_space<vmem>>) offsets(%arg8 : memref<128xi32, #tpu.memory_space<vmem>>) semaphore(%arg21 : memref<!tpu.dma_semaphore, #tpu.memory_space<semaphore_mem>>)
      } else {
      }
      %dma_wait3A_80 = arith.constant 0 : i32
      %dma_wait3A_81 = arith.constant 0 : i32
      %dma_wait3A_82 = tpu.memref_slice %arg2[%dma_wait3A_80, %dma_wait3A_81] : memref<10000x128xf32, #tpu.memory_space<hbm>> -> memref<10000x128xf32, #tpu.memory_space<hbm>>
      tpu.wait_indirect_dma semaphore(%arg19 : memref<!tpu.dma_semaphore, #tpu.memory_space<semaphore_mem>>) src(%dma_wait3A_82 : memref<10000x128xf32, #tpu.memory_space<hbm>>) dst(%arg12 : memref<128x128xf32, #tpu.memory_space<vmem>>)
      "tpu.region"() ({
        %run_scoped3A = tpu.sem_alloc : memref<!tpu.dma_semaphore, #tpu.memory_space<semaphore_mem>>
        %dma_start3A_133 = arith.constant 0 : i32
        %dma_start3A_134 = arith.constant 0 : i32
        %dma_start3A_135 = tpu.memref_slice %arg15[%dma_start3A_133, %dma_start3A_134] : memref<10128x128xf32, #tpu.memory_space<vmem_shared>> -> memref<10128x128xf32, #tpu.memory_space<vmem_shared>>
        tpu.enqueue_indirect_dma source(%arg12 : memref<128x128xf32, #tpu.memory_space<vmem>>) target(%dma_start3A_135 : memref<10128x128xf32, #tpu.memory_space<vmem_shared>>) offsets(%arg9 : memref<128xi32, #tpu.memory_space<vmem>>) semaphore(%run_scoped3A : memref<!tpu.dma_semaphore, #tpu.memory_space<semaphore_mem>>) {add = true}
        %dma_wait3A_136 = arith.constant 0 : i32
        %dma_wait3A_137 = arith.constant 0 : i32
        %dma_wait3A_138 = tpu.memref_slice %arg15[%dma_wait3A_136, %dma_wait3A_137] : memref<10128x128xf32, #tpu.memory_space<vmem_shared>> -> memref<10128x128xf32, #tpu.memory_space<vmem_shared>>
        tpu.wait_indirect_dma semaphore(%run_scoped3A : memref<!tpu.dma_semaphore, #tpu.memory_space<semaphore_mem>>) src(%arg12 : memref<128x128xf32, #tpu.memory_space<vmem>>) dst(%dma_wait3A_138 : memref<10128x128xf32, #tpu.memory_space<vmem_shared>>)
        tpu.yield
      }) : () -> ()
      %add3A_83 = arith.constant 3 : i32
      %add3A_84 = arith.addi %add3A_73, %add3A_83 : i32
      %lt3A_85 = arith.constant 84 : i32
      %lt3A_86 = arith.cmpi slt, %add3A_84, %lt3A_85 : i32
      %convert_element_type3A_87 = arith.extui %lt3A_86 : i1 to i32
      %cond3A_88 = arith.constant 0 : i32
      %cond3A_89 = arith.cmpi ne, %convert_element_type3A_87, %cond3A_88 : i32
      scf.if %cond3A_89 {
        %add3A_133 = arith.constant 3 : i32
        %add3A_134 = arith.addi %add3A_73, %add3A_133 : i32
        %mul3A_135 = arith.constant 128 : i32
        %mul3A_136 = arith.muli %add3A_134, %mul3A_135 : i32
        %add3A_137 = arith.addi %mul3A_22, %mul3A_136 : i32
        %dma_start3A_138 = tpu.memref_slice %arg3[%add3A_137] : memref<344064xi32, #tpu.memory_space<hbm>> -> memref<128xi32, #tpu.memory_space<hbm>>
        %dma_start3A_139 = tpu.memref_slice %arg3[%add3A_137] : memref<344064xi32, #tpu.memory_space<hbm>> -> memref<128xi32, #tpu.memory_space<hbm>>
        tpu.enqueue_dma source(%dma_start3A_139 : memref<128xi32, #tpu.memory_space<hbm>>) target(%arg6 : memref<128xi32, #tpu.memory_space<vmem>>) target_semaphore(%arg16 : memref<!tpu.dma_semaphore, #tpu.memory_space<semaphore_mem>>)
        %dma_start3A_140 = tpu.memref_slice %arg4[%add3A_137] : memref<344064xi32, #tpu.memory_space<hbm>> -> memref<128xi32, #tpu.memory_space<hbm>>
        %dma_start3A_141 = tpu.memref_slice %arg4[%add3A_137] : memref<344064xi32, #tpu.memory_space<hbm>> -> memref<128xi32, #tpu.memory_space<hbm>>
        tpu.enqueue_dma source(%dma_start3A_141 : memref<128xi32, #tpu.memory_space<hbm>>) target(%arg9 : memref<128xi32, #tpu.memory_space<vmem>>) target_semaphore(%arg16 : memref<!tpu.dma_semaphore, #tpu.memory_space<semaphore_mem>>)
      } else {
      }
      %mul3A_90 = arith.constant 3 : i32
      %mul3A_91 = arith.muli %mul3A_90, %scan3A_68 : i32
      %add3A_92 = arith.constant 1 : i32
      %add3A_93 = arith.addi %mul3A_91, %add3A_92 : i32
      %add3A_94 = arith.constant 2 : i32
      %add3A_95 = arith.addi %add3A_93, %add3A_94 : i32
      %lt3A_96 = arith.constant 84 : i32
      %lt3A_97 = arith.cmpi slt, %add3A_95, %lt3A_96 : i32
      %convert_element_type3A_98 = arith.extui %lt3A_97 : i1 to i32
      %cond3A_99 = arith.constant 0 : i32
      %cond3A_100 = arith.cmpi ne, %convert_element_type3A_98, %cond3A_99 : i32
      scf.if %cond3A_100 {
        %dma_wait3A_133 = tpu.memref_slice %arg3[%mul3A_22] : memref<344064xi32, #tpu.memory_space<hbm>> -> memref<128xi32, #tpu.memory_space<hbm>>
        %dma_wait3A_134 = tpu.memref_slice %arg3[%mul3A_22] : memref<344064xi32, #tpu.memory_space<hbm>> -> memref<128xi32, #tpu.memory_space<hbm>>
        tpu.wait_dma2 semaphore(%arg16 : memref<!tpu.dma_semaphore, #tpu.memory_space<semaphore_mem>>) src(%dma_wait3A_134 : memref<128xi32, #tpu.memory_space<hbm>>) dst(%arg6 : memref<128xi32, #tpu.memory_space<vmem>>)
        %dma_wait3A_135 = tpu.memref_slice %arg4[%mul3A_22] : memref<344064xi32, #tpu.memory_space<hbm>> -> memref<128xi32, #tpu.memory_space<hbm>>
        %dma_wait3A_136 = tpu.memref_slice %arg4[%mul3A_22] : memref<344064xi32, #tpu.memory_space<hbm>> -> memref<128xi32, #tpu.memory_space<hbm>>
        tpu.wait_dma2 semaphore(%arg16 : memref<!tpu.dma_semaphore, #tpu.memory_space<semaphore_mem>>) src(%dma_wait3A_136 : memref<128xi32, #tpu.memory_space<hbm>>) dst(%arg9 : memref<128xi32, #tpu.memory_space<vmem>>)
        %dma_start3A_137 = arith.constant 0 : i32
        %dma_start3A_138 = arith.constant 0 : i32
        %dma_start3A_139 = tpu.memref_slice %arg2[%dma_start3A_137, %dma_start3A_138] : memref<10000x128xf32, #tpu.memory_space<hbm>> -> memref<10000x128xf32, #tpu.memory_space<hbm>>
        tpu.enqueue_indirect_dma source(%dma_start3A_139 : memref<10000x128xf32, #tpu.memory_space<hbm>>) target(%arg12 : memref<128x128xf32, #tpu.memory_space<vmem>>) offsets(%arg6 : memref<128xi32, #tpu.memory_space<vmem>>) semaphore(%arg19 : memref<!tpu.dma_semaphore, #tpu.memory_space<semaphore_mem>>)
      } else {
      }
      %dma_wait3A_101 = arith.constant 0 : i32
      %dma_wait3A_102 = arith.constant 0 : i32
      %dma_wait3A_103 = tpu.memref_slice %arg2[%dma_wait3A_101, %dma_wait3A_102] : memref<10000x128xf32, #tpu.memory_space<hbm>> -> memref<10000x128xf32, #tpu.memory_space<hbm>>
      tpu.wait_indirect_dma semaphore(%arg20 : memref<!tpu.dma_semaphore, #tpu.memory_space<semaphore_mem>>) src(%dma_wait3A_103 : memref<10000x128xf32, #tpu.memory_space<hbm>>) dst(%arg13 : memref<128x128xf32, #tpu.memory_space<vmem>>)
      "tpu.region"() ({
        %run_scoped3A = tpu.sem_alloc : memref<!tpu.dma_semaphore, #tpu.memory_space<semaphore_mem>>
        %dma_start3A_133 = arith.constant 0 : i32
        %dma_start3A_134 = arith.constant 0 : i32
        %dma_start3A_135 = tpu.memref_slice %arg15[%dma_start3A_133, %dma_start3A_134] : memref<10128x128xf32, #tpu.memory_space<vmem_shared>> -> memref<10128x128xf32, #tpu.memory_space<vmem_shared>>
        tpu.enqueue_indirect_dma source(%arg13 : memref<128x128xf32, #tpu.memory_space<vmem>>) target(%dma_start3A_135 : memref<10128x128xf32, #tpu.memory_space<vmem_shared>>) offsets(%arg10 : memref<128xi32, #tpu.memory_space<vmem>>) semaphore(%run_scoped3A : memref<!tpu.dma_semaphore, #tpu.memory_space<semaphore_mem>>) {add = true}
        %dma_wait3A_136 = arith.constant 0 : i32
        %dma_wait3A_137 = arith.constant 0 : i32
        %dma_wait3A_138 = tpu.memref_slice %arg15[%dma_wait3A_136, %dma_wait3A_137] : memref<10128x128xf32, #tpu.memory_space<vmem_shared>> -> memref<10128x128xf32, #tpu.memory_space<vmem_shared>>
        tpu.wait_indirect_dma semaphore(%run_scoped3A : memref<!tpu.dma_semaphore, #tpu.memory_space<semaphore_mem>>) src(%arg13 : memref<128x128xf32, #tpu.memory_space<vmem>>) dst(%dma_wait3A_138 : memref<10128x128xf32, #tpu.memory_space<vmem_shared>>)
        tpu.yield
      }) : () -> ()
      %add3A_104 = arith.constant 3 : i32
      %add3A_105 = arith.addi %add3A_93, %add3A_104 : i32
      %lt3A_106 = arith.constant 84 : i32
      %lt3A_107 = arith.cmpi slt, %add3A_105, %lt3A_106 : i32
      %convert_element_type3A_108 = arith.extui %lt3A_107 : i1 to i32
      %cond3A_109 = arith.constant 0 : i32
      %cond3A_110 = arith.cmpi ne, %convert_element_type3A_108, %cond3A_109 : i32
      scf.if %cond3A_110 {
        %add3A_133 = arith.constant 3 : i32
        %add3A_134 = arith.addi %add3A_93, %add3A_133 : i32
        %mul3A_135 = arith.constant 128 : i32
        %mul3A_136 = arith.muli %add3A_134, %mul3A_135 : i32
        %add3A_137 = arith.addi %mul3A_22, %mul3A_136 : i32
        %dma_start3A_138 = tpu.memref_slice %arg3[%add3A_137] : memref<344064xi32, #tpu.memory_space<hbm>> -> memref<128xi32, #tpu.memory_space<hbm>>
        %dma_start3A_139 = tpu.memref_slice %arg3[%add3A_137] : memref<344064xi32, #tpu.memory_space<hbm>> -> memref<128xi32, #tpu.memory_space<hbm>>
        tpu.enqueue_dma source(%dma_start3A_139 : memref<128xi32, #tpu.memory_space<hbm>>) target(%arg7 : memref<128xi32, #tpu.memory_space<vmem>>) target_semaphore(%arg17 : memref<!tpu.dma_semaphore, #tpu.memory_space<semaphore_mem>>)
        %dma_start3A_140 = tpu.memref_slice %arg4[%add3A_137] : memref<344064xi32, #tpu.memory_space<hbm>> -> memref<128xi32, #tpu.memory_space<hbm>>
        %dma_start3A_141 = tpu.memref_slice %arg4[%add3A_137] : memref<344064xi32, #tpu.memory_space<hbm>> -> memref<128xi32, #tpu.memory_space<hbm>>
        tpu.enqueue_dma source(%dma_start3A_141 : memref<128xi32, #tpu.memory_space<hbm>>) target(%arg10 : memref<128xi32, #tpu.memory_space<vmem>>) target_semaphore(%arg17 : memref<!tpu.dma_semaphore, #tpu.memory_space<semaphore_mem>>)
      } else {
      }
      %mul3A_111 = arith.constant 3 : i32
      %mul3A_112 = arith.muli %mul3A_111, %scan3A_68 : i32
      %add3A_113 = arith.constant 2 : i32
      %add3A_114 = arith.addi %mul3A_112, %add3A_113 : i32
      %add3A_115 = arith.constant 2 : i32
      %add3A_116 = arith.addi %add3A_114, %add3A_115 : i32
      %lt3A_117 = arith.constant 84 : i32
      %lt3A_118 = arith.cmpi slt, %add3A_116, %lt3A_117 : i32
      %convert_element_type3A_119 = arith.extui %lt3A_118 : i1 to i32
      %cond3A_120 = arith.constant 0 : i32
      %cond3A_121 = arith.cmpi ne, %convert_element_type3A_119, %cond3A_120 : i32
      scf.if %cond3A_121 {
        %dma_wait3A_133 = tpu.memref_slice %arg3[%mul3A_22] : memref<344064xi32, #tpu.memory_space<hbm>> -> memref<128xi32, #tpu.memory_space<hbm>>
        %dma_wait3A_134 = tpu.memref_slice %arg3[%mul3A_22] : memref<344064xi32, #tpu.memory_space<hbm>> -> memref<128xi32, #tpu.memory_space<hbm>>
        tpu.wait_dma2 semaphore(%arg17 : memref<!tpu.dma_semaphore, #tpu.memory_space<semaphore_mem>>) src(%dma_wait3A_134 : memref<128xi32, #tpu.memory_space<hbm>>) dst(%arg7 : memref<128xi32, #tpu.memory_space<vmem>>)
        %dma_wait3A_135 = tpu.memref_slice %arg4[%mul3A_22] : memref<344064xi32, #tpu.memory_space<hbm>> -> memref<128xi32, #tpu.memory_space<hbm>>
        %dma_wait3A_136 = tpu.memref_slice %arg4[%mul3A_22] : memref<344064xi32, #tpu.memory_space<hbm>> -> memref<128xi32, #tpu.memory_space<hbm>>
        tpu.wait_dma2 semaphore(%arg17 : memref<!tpu.dma_semaphore, #tpu.memory_space<semaphore_mem>>) src(%dma_wait3A_136 : memref<128xi32, #tpu.memory_space<hbm>>) dst(%arg10 : memref<128xi32, #tpu.memory_space<vmem>>)
        %dma_start3A_137 = arith.constant 0 : i32
        %dma_start3A_138 = arith.constant 0 : i32
        %dma_start3A_139 = tpu.memref_slice %arg2[%dma_start3A_137, %dma_start3A_138] : memref<10000x128xf32, #tpu.memory_space<hbm>> -> memref<10000x128xf32, #tpu.memory_space<hbm>>
        tpu.enqueue_indirect_dma source(%dma_start3A_139 : memref<10000x128xf32, #tpu.memory_space<hbm>>) target(%arg13 : memref<128x128xf32, #tpu.memory_space<vmem>>) offsets(%arg7 : memref<128xi32, #tpu.memory_space<vmem>>) semaphore(%arg20 : memref<!tpu.dma_semaphore, #tpu.memory_space<semaphore_mem>>)
      } else {
      }
      %dma_wait3A_122 = arith.constant 0 : i32
      %dma_wait3A_123 = arith.constant 0 : i32
      %dma_wait3A_124 = tpu.memref_slice %arg2[%dma_wait3A_122, %dma_wait3A_123] : memref<10000x128xf32, #tpu.memory_space<hbm>> -> memref<10000x128xf32, #tpu.memory_space<hbm>>
      tpu.wait_indirect_dma semaphore(%arg21 : memref<!tpu.dma_semaphore, #tpu.memory_space<semaphore_mem>>) src(%dma_wait3A_124 : memref<10000x128xf32, #tpu.memory_space<hbm>>) dst(%arg14 : memref<128x128xf32, #tpu.memory_space<vmem>>)
      "tpu.region"() ({
        %run_scoped3A = tpu.sem_alloc : memref<!tpu.dma_semaphore, #tpu.memory_space<semaphore_mem>>
        %dma_start3A_133 = arith.constant 0 : i32
        %dma_start3A_134 = arith.constant 0 : i32
        %dma_start3A_135 = tpu.memref_slice %arg15[%dma_start3A_133, %dma_start3A_134] : memref<10128x128xf32, #tpu.memory_space<vmem_shared>> -> memref<10128x128xf32, #tpu.memory_space<vmem_shared>>
        tpu.enqueue_indirect_dma source(%arg14 : memref<128x128xf32, #tpu.memory_space<vmem>>) target(%dma_start3A_135 : memref<10128x128xf32, #tpu.memory_space<vmem_shared>>) offsets(%arg11 : memref<128xi32, #tpu.memory_space<vmem>>) semaphore(%run_scoped3A : memref<!tpu.dma_semaphore, #tpu.memory_space<semaphore_mem>>) {add = true}
        %dma_wait3A_136 = arith.constant 0 : i32
        %dma_wait3A_137 = arith.constant 0 : i32
        %dma_wait3A_138 = tpu.memref_slice %arg15[%dma_wait3A_136, %dma_wait3A_137] : memref<10128x128xf32, #tpu.memory_space<vmem_shared>> -> memref<10128x128xf32, #tpu.memory_space<vmem_shared>>
        tpu.wait_indirect_dma semaphore(%run_scoped3A : memref<!tpu.dma_semaphore, #tpu.memory_space<semaphore_mem>>) src(%arg14 : memref<128x128xf32, #tpu.memory_space<vmem>>) dst(%dma_wait3A_138 : memref<10128x128xf32, #tpu.memory_space<vmem_shared>>)
        tpu.yield
      }) : () -> ()
      %add3A_125 = arith.constant 3 : i32
      %add3A_126 = arith.addi %add3A_114, %add3A_125 : i32
      %lt3A_127 = arith.constant 84 : i32
      %lt3A_128 = arith.cmpi slt, %add3A_126, %lt3A_127 : i32
      %convert_element_type3A_129 = arith.extui %lt3A_128 : i1 to i32
      %cond3A_130 = arith.constant 0 : i32
      %cond3A_131 = arith.cmpi ne, %convert_element_type3A_129, %cond3A_130 : i32
      scf.if %cond3A_131 {
        %add3A_133 = arith.constant 3 : i32
        %add3A_134 = arith.addi %add3A_114, %add3A_133 : i32
        %mul3A_135 = arith.constant 128 : i32
        %mul3A_136 = arith.muli %add3A_134, %mul3A_135 : i32
        %add3A_137 = arith.addi %mul3A_22, %mul3A_136 : i32
        %dma_start3A_138 = tpu.memref_slice %arg3[%add3A_137] : memref<344064xi32, #tpu.memory_space<hbm>> -> memref<128xi32, #tpu.memory_space<hbm>>
        %dma_start3A_139 = tpu.memref_slice %arg3[%add3A_137] : memref<344064xi32, #tpu.memory_space<hbm>> -> memref<128xi32, #tpu.memory_space<hbm>>
        tpu.enqueue_dma source(%dma_start3A_139 : memref<128xi32, #tpu.memory_space<hbm>>) target(%arg8 : memref<128xi32, #tpu.memory_space<vmem>>) target_semaphore(%arg18 : memref<!tpu.dma_semaphore, #tpu.memory_space<semaphore_mem>>)
        %dma_start3A_140 = tpu.memref_slice %arg4[%add3A_137] : memref<344064xi32, #tpu.memory_space<hbm>> -> memref<128xi32, #tpu.memory_space<hbm>>
        %dma_start3A_141 = tpu.memref_slice %arg4[%add3A_137] : memref<344064xi32, #tpu.memory_space<hbm>> -> memref<128xi32, #tpu.memory_space<hbm>>
        tpu.enqueue_dma source(%dma_start3A_141 : memref<128xi32, #tpu.memory_space<hbm>>) target(%arg11 : memref<128xi32, #tpu.memory_space<vmem>>) target_semaphore(%arg18 : memref<!tpu.dma_semaphore, #tpu.memory_space<semaphore_mem>>)
      } else {
      }
      %scan3A_132 = arith.constant 0 : i32
      scf.yield %scan3A_132 : i32
    }
    %scan3A_59 = arith.constant 28 : i32
    %barrier3A_60 = arith.constant 0 : index
    tpu.barrier barrier_id(%barrier3A_60)
    %mul3A_61 = arith.constant 624 : i32
    %mul3A_62 = arith.muli %arg1, %mul3A_61 : i32
    "tpu.region"() ({
      %run_scoped3A = tpu.sem_alloc : memref<!tpu.dma_semaphore, #tpu.memory_space<semaphore_mem>>
      %dma_start3A_68 = arith.constant 0 : i32
      %dma_start3A_69 = tpu.memref_slice %arg5[%arg0, %mul3A_62, %dma_start3A_68] : memref<2x10000x128xf32, #tpu.memory_space<hbm>> -> memref<1x624x128xf32, #tpu.memory_space<hbm>>
      %dma_start3A_70 = tpu.memref_squeeze %dma_start3A_69 : memref<1x624x128xf32, #tpu.memory_space<hbm>> -> memref<624x128xf32, #tpu.memory_space<hbm>>
      %dma_start3A_71 = arith.constant 0 : i32
      %dma_start3A_72 = tpu.memref_slice %arg15[%mul3A_62, %dma_start3A_71] : memref<10128x128xf32, #tpu.memory_space<vmem_shared>> -> memref<624x128xf32, #tpu.memory_space<vmem_shared>>
      tpu.enqueue_dma source(%dma_start3A_72 : memref<624x128xf32, #tpu.memory_space<vmem_shared>>) target(%dma_start3A_70 : memref<624x128xf32, #tpu.memory_space<hbm>>) target_semaphore(%run_scoped3A : memref<!tpu.dma_semaphore, #tpu.memory_space<semaphore_mem>>)
      %dma_wait3A_73 = arith.constant 0 : i32
      %dma_wait3A_74 = tpu.memref_slice %arg5[%arg0, %mul3A_62, %dma_wait3A_73] : memref<2x10000x128xf32, #tpu.memory_space<hbm>> -> memref<1x624x128xf32, #tpu.memory_space<hbm>>
      %dma_wait3A_75 = tpu.memref_squeeze %dma_wait3A_74 : memref<1x624x128xf32, #tpu.memory_space<hbm>> -> memref<624x128xf32, #tpu.memory_space<hbm>>
      %dma_wait3A_76 = arith.constant 0 : i32
      %dma_wait3A_77 = tpu.memref_slice %arg15[%mul3A_62, %dma_wait3A_76] : memref<10128x128xf32, #tpu.memory_space<vmem_shared>> -> memref<624x128xf32, #tpu.memory_space<vmem_shared>>
      tpu.wait_dma2 semaphore(%run_scoped3A : memref<!tpu.dma_semaphore, #tpu.memory_space<semaphore_mem>>) src(%dma_wait3A_77 : memref<624x128xf32, #tpu.memory_space<vmem_shared>>) dst(%dma_wait3A_75 : memref<624x128xf32, #tpu.memory_space<hbm>>)
      tpu.yield
    }) : () -> ()
    %eq3A_63 = arith.constant 15 : i32
    %eq3A_64 = arith.cmpi eq, %arg1, %eq3A_63 : i32
    %convert_element_type3A_65 = arith.extui %eq3A_64 : i1 to i32
    %cond3A_66 = arith.constant 0 : i32
    %cond3A_67 = arith.cmpi ne, %convert_element_type3A_65, %cond3A_66 : i32
    scf.if %cond3A_67 {
      "tpu.region"() ({
        %run_scoped3A = tpu.sem_alloc : memref<!tpu.dma_semaphore, #tpu.memory_space<semaphore_mem>>
        %dma_start3A_68 = arith.constant 9984 : i32
        %dma_start3A_69 = arith.constant 0 : i32
        %dma_start3A_70 = tpu.memref_slice %arg5[%arg0, %dma_start3A_68, %dma_start3A_69] : memref<2x10000x128xf32, #tpu.memory_space<hbm>> -> memref<1x16x128xf32, #tpu.memory_space<hbm>>
        %dma_start3A_71 = tpu.memref_squeeze %dma_start3A_70 : memref<1x16x128xf32, #tpu.memory_space<hbm>> -> memref<16x128xf32, #tpu.memory_space<hbm>>
        %dma_start3A_72 = arith.constant 9984 : i32
        %dma_start3A_73 = arith.constant 0 : i32
        %dma_start3A_74 = tpu.memref_slice %arg15[%dma_start3A_72, %dma_start3A_73] : memref<10128x128xf32, #tpu.memory_space<vmem_shared>> -> memref<16x128xf32, #tpu.memory_space<vmem_shared>>
        tpu.enqueue_dma source(%dma_start3A_74 : memref<16x128xf32, #tpu.memory_space<vmem_shared>>) target(%dma_start3A_71 : memref<16x128xf32, #tpu.memory_space<hbm>>) target_semaphore(%run_scoped3A : memref<!tpu.dma_semaphore, #tpu.memory_space<semaphore_mem>>)
        %dma_wait3A_75 = arith.constant 9984 : i32
        %dma_wait3A_76 = arith.constant 0 : i32
        %dma_wait3A_77 = tpu.memref_slice %arg5[%arg0, %dma_wait3A_75, %dma_wait3A_76] : memref<2x10000x128xf32, #tpu.memory_space<hbm>> -> memref<1x16x128xf32, #tpu.memory_space<hbm>>
        %dma_wait3A_78 = tpu.memref_squeeze %dma_wait3A_77 : memref<1x16x128xf32, #tpu.memory_space<hbm>> -> memref<16x128xf32, #tpu.memory_space<hbm>>
        %dma_wait3A_79 = arith.constant 9984 : i32
        %dma_wait3A_80 = arith.constant 0 : i32
        %dma_wait3A_81 = tpu.memref_slice %arg15[%dma_wait3A_79, %dma_wait3A_80] : memref<10128x128xf32, #tpu.memory_space<vmem_shared>> -> memref<16x128xf32, #tpu.memory_space<vmem_shared>>
        tpu.wait_dma2 semaphore(%run_scoped3A : memref<!tpu.dma_semaphore, #tpu.memory_space<semaphore_mem>>) src(%dma_wait3A_81 : memref<16x128xf32, #tpu.memory_space<vmem_shared>>) dst(%dma_wait3A_78 : memref<16x128xf32, #tpu.memory_space<hbm>>)
        tpu.yield
      }) : () -> ()
    } else {
    }
    return
  }
}

module attributes {stable_mosaic.version = 14 : i64} {
  func.func @_featurize_body(%arg0: i32, %arg1: memref<1000x128xf32, #tpu.memory_space<vmem>>, %arg2: memref<1000x4xi32, #tpu.memory_space<vmem>>, %arg3: memref<50x10xf32, #tpu.memory_space<vmem>>, %arg4: memref<50x24xf32, #tpu.memory_space<vmem>>, %arg5: memref<50x5xf32, #tpu.memory_space<vmem>>, %arg6: memref<50x18xf32, #tpu.memory_space<vmem>>, %arg7: memref<185x128xf32, #tpu.memory_space<vmem>>, %arg8: memref<1x128xf32, #tpu.memory_space<vmem>>, %arg9: memref<1000x128xf32, #tpu.memory_space<vmem>>) attributes {dimension_semantics = [#tpu.dimension_semantics<arbitrary>], iteration_bounds = array<i64: 10>, scalar_prefetch = 0 : i64, scratch_operands = 0 : i64, tpu.core_type = #tpu.core_type<tc>, window_params = [{transform_indices = @transform_0, window_bounds = array<i64: 1000, 128>}, {transform_indices = @transform_1, window_bounds = array<i64: 1000, 4>}, {pipeline_mode = #tpu.pipeline_mode<synchronous>, transform_indices = @transform_2, window_bounds = array<i64: 50, 10>}, {pipeline_mode = #tpu.pipeline_mode<synchronous>, transform_indices = @transform_3, window_bounds = array<i64: 50, 24>}, {pipeline_mode = #tpu.pipeline_mode<synchronous>, transform_indices = @transform_4, window_bounds = array<i64: 50, 5>}, {pipeline_mode = #tpu.pipeline_mode<synchronous>, transform_indices = @transform_5, window_bounds = array<i64: 50, 18>}, {pipeline_mode = #tpu.pipeline_mode<synchronous>, transform_indices = @transform_6, window_bounds = array<i64: 185, 128>}, {pipeline_mode = #tpu.pipeline_mode<synchronous>, transform_indices = @transform_7, window_bounds = array<i64: 1, 128>}, {transform_indices = @transform_8, window_bounds = array<i64: 1000, 128>}]} {
    %get3A = arith.constant 0 : index
    %get3A_0 = arith.constant 0 : index
    %get3A_1 = vector.load %arg7[%get3A, %get3A_0] : memref<185x128xf32, #tpu.memory_space<vmem>>, vector<185x128xf32>
    %get3A_2 = arith.constant 0 : index
    %get3A_3 = arith.constant 0 : index
    %get3A_4 = vector.load %arg1[%get3A_2, %get3A_3] : memref<1000x128xf32, #tpu.memory_space<vmem>>, vector<1000x128xf32>
    %slice3A = vector.extract_strided_slice %get3A_1 {offsets = [0, 0], sizes = [128, 128], strides = [1, 1]} : vector<185x128xf32> to vector<128x128xf32>
    %dot_general3A = arith.constant dense<0.000000e+00> : vector<1000x128xf32>
    %dot_general3A_5 = tpu.matmul %get3A_4, %slice3A, %dot_general3A {dimension_numbers = #tpu.dot_dimension_numbers<[1], [0], [0], [1], [0, 0, 1, 1], [], []>, transpose_lhs_hint = false} : vector<1000x128xf32>, vector<128x128xf32>, vector<1000x128xf32> -> vector<1000x128xf32>
    %get3A_6 = arith.constant 0 : index
    %get3A_7 = arith.constant 0 : index
    %get3A_8 = vector.load %arg2[%get3A_6, %get3A_7] : memref<1000x4xi32, #tpu.memory_space<vmem>>, vector<1000x4xi32>
    %get3A_9 = arith.constant 0 : index
    %get3A_10 = arith.constant 0 : index
    %get3A_11 = vector.load %arg3[%get3A_9, %get3A_10] : memref<50x10xf32, #tpu.memory_space<vmem>>, vector<50x10xf32>
    %get3A_12 = arith.constant 0 : index
    %get3A_13 = arith.constant 0 : index
    %get3A_14 = vector.load %arg4[%get3A_12, %get3A_13] : memref<50x24xf32, #tpu.memory_space<vmem>>, vector<50x24xf32>
    %get3A_15 = arith.constant 0 : index
    %get3A_16 = arith.constant 0 : index
    %get3A_17 = vector.load %arg5[%get3A_15, %get3A_16] : memref<50x5xf32, #tpu.memory_space<vmem>>, vector<50x5xf32>
    %get3A_18 = arith.constant 0 : index
    %get3A_19 = arith.constant 0 : index
    %get3A_20 = vector.load %arg6[%get3A_18, %get3A_19] : memref<50x18xf32, #tpu.memory_space<vmem>>, vector<50x18xf32>
    %slice3A_21 = vector.extract_strided_slice %get3A_1 {offsets = [128, 0], sizes = [10, 128], strides = [1, 1]} : vector<185x128xf32> to vector<10x128xf32>
    %dot_general3A_22 = arith.constant dense<0.000000e+00> : vector<50x128xf32>
    %dot_general3A_23 = tpu.matmul %get3A_11, %slice3A_21, %dot_general3A_22 {dimension_numbers = #tpu.dot_dimension_numbers<[1], [0], [0], [1], [0, 0, 1, 1], [], []>, transpose_lhs_hint = false} : vector<50x10xf32>, vector<10x128xf32>, vector<50x128xf32> -> vector<50x128xf32>
    %iota3A = tpu.iota {dimensions = array<i32: 1>} : vector<1000x50xi32>
    %slice3A_24 = vector.extract_strided_slice %get3A_8 {offsets = [0, 0], sizes = [1000, 1], strides = [1, 1]} : vector<1000x4xi32> to vector<1000x1xi32>
    %eq3A = vector.broadcast %slice3A_24 : vector<1000x1xi32> to vector<1000x50xi32>
    %eq3A_25 = arith.cmpi eq, %eq3A, %iota3A : vector<1000x50xi32>
    %convert_element_type3A = arith.extui %eq3A_25 : vector<1000x50xi1> to vector<1000x50xi32>
    %convert_element_type3A_26 = arith.sitofp %convert_element_type3A : vector<1000x50xi32> to vector<1000x50xf32>
    %dot_general3A_27 = arith.constant dense<0.000000e+00> : vector<1000x128xf32>
    %dot_general3A_28 = tpu.matmul %convert_element_type3A_26, %dot_general3A_23, %dot_general3A_27 {dimension_numbers = #tpu.dot_dimension_numbers<[1], [0], [0], [1], [0, 0, 1, 1], [], []>, transpose_lhs_hint = false} : vector<1000x50xf32>, vector<50x128xf32>, vector<1000x128xf32> -> vector<1000x128xf32>
    %add3A = arith.addf %dot_general3A_5, %dot_general3A_28 : vector<1000x128xf32>
    %slice3A_29 = vector.extract_strided_slice %get3A_1 {offsets = [138, 0], sizes = [24, 128], strides = [1, 1]} : vector<185x128xf32> to vector<24x128xf32>
    %dot_general3A_30 = arith.constant dense<0.000000e+00> : vector<50x128xf32>
    %dot_general3A_31 = tpu.matmul %get3A_14, %slice3A_29, %dot_general3A_30 {dimension_numbers = #tpu.dot_dimension_numbers<[1], [0], [0], [1], [0, 0, 1, 1], [], []>, transpose_lhs_hint = false} : vector<50x24xf32>, vector<24x128xf32>, vector<50x128xf32> -> vector<50x128xf32>
    %iota3A_32 = tpu.iota {dimensions = array<i32: 1>} : vector<1000x50xi32>
    %slice3A_33 = vector.extract_strided_slice %get3A_8 {offsets = [0, 1], sizes = [1000, 1], strides = [1, 1]} : vector<1000x4xi32> to vector<1000x1xi32>
    %eq3A_34 = vector.broadcast %slice3A_33 : vector<1000x1xi32> to vector<1000x50xi32>
    %eq3A_35 = arith.cmpi eq, %eq3A_34, %iota3A_32 : vector<1000x50xi32>
    %convert_element_type3A_36 = arith.extui %eq3A_35 : vector<1000x50xi1> to vector<1000x50xi32>
    %convert_element_type3A_37 = arith.sitofp %convert_element_type3A_36 : vector<1000x50xi32> to vector<1000x50xf32>
    %dot_general3A_38 = arith.constant dense<0.000000e+00> : vector<1000x128xf32>
    %dot_general3A_39 = tpu.matmul %convert_element_type3A_37, %dot_general3A_31, %dot_general3A_38 {dimension_numbers = #tpu.dot_dimension_numbers<[1], [0], [0], [1], [0, 0, 1, 1], [], []>, transpose_lhs_hint = false} : vector<1000x50xf32>, vector<50x128xf32>, vector<1000x128xf32> -> vector<1000x128xf32>
    %add3A_40 = arith.addf %add3A, %dot_general3A_39 : vector<1000x128xf32>
    %slice3A_41 = vector.extract_strided_slice %get3A_1 {offsets = [162, 0], sizes = [5, 128], strides = [1, 1]} : vector<185x128xf32> to vector<5x128xf32>
    %dot_general3A_42 = arith.constant dense<0.000000e+00> : vector<50x128xf32>
    %dot_general3A_43 = tpu.matmul %get3A_17, %slice3A_41, %dot_general3A_42 {dimension_numbers = #tpu.dot_dimension_numbers<[1], [0], [0], [1], [0, 0, 1, 1], [], []>, transpose_lhs_hint = false} : vector<50x5xf32>, vector<5x128xf32>, vector<50x128xf32> -> vector<50x128xf32>
    %iota3A_44 = tpu.iota {dimensions = array<i32: 1>} : vector<1000x50xi32>
    %slice3A_45 = vector.extract_strided_slice %get3A_8 {offsets = [0, 2], sizes = [1000, 1], strides = [1, 1]} : vector<1000x4xi32> to vector<1000x1xi32>
    %eq3A_46 = vector.broadcast %slice3A_45 : vector<1000x1xi32> to vector<1000x50xi32>
    %eq3A_47 = arith.cmpi eq, %eq3A_46, %iota3A_44 : vector<1000x50xi32>
    %convert_element_type3A_48 = arith.extui %eq3A_47 : vector<1000x50xi1> to vector<1000x50xi32>
    %convert_element_type3A_49 = arith.sitofp %convert_element_type3A_48 : vector<1000x50xi32> to vector<1000x50xf32>
    %dot_general3A_50 = arith.constant dense<0.000000e+00> : vector<1000x128xf32>
    %dot_general3A_51 = tpu.matmul %convert_element_type3A_49, %dot_general3A_43, %dot_general3A_50 {dimension_numbers = #tpu.dot_dimension_numbers<[1], [0], [0], [1], [0, 0, 1, 1], [], []>, transpose_lhs_hint = false} : vector<1000x50xf32>, vector<50x128xf32>, vector<1000x128xf32> -> vector<1000x128xf32>
    %add3A_52 = arith.addf %add3A_40, %dot_general3A_51 : vector<1000x128xf32>
    %slice3A_53 = vector.extract_strided_slice %get3A_1 {offsets = [167, 0], sizes = [18, 128], strides = [1, 1]} : vector<185x128xf32> to vector<18x128xf32>
    %dot_general3A_54 = arith.constant dense<0.000000e+00> : vector<50x128xf32>
    %dot_general3A_55 = tpu.matmul %get3A_20, %slice3A_53, %dot_general3A_54 {dimension_numbers = #tpu.dot_dimension_numbers<[1], [0], [0], [1], [0, 0, 1, 1], [], []>, transpose_lhs_hint = false} : vector<50x18xf32>, vector<18x128xf32>, vector<50x128xf32> -> vector<50x128xf32>
    %iota3A_56 = tpu.iota {dimensions = array<i32: 1>} : vector<1000x50xi32>
    %slice3A_57 = vector.extract_strided_slice %get3A_8 {offsets = [0, 3], sizes = [1000, 1], strides = [1, 1]} : vector<1000x4xi32> to vector<1000x1xi32>
    %eq3A_58 = vector.broadcast %slice3A_57 : vector<1000x1xi32> to vector<1000x50xi32>
    %eq3A_59 = arith.cmpi eq, %eq3A_58, %iota3A_56 : vector<1000x50xi32>
    %convert_element_type3A_60 = arith.extui %eq3A_59 : vector<1000x50xi1> to vector<1000x50xi32>
    %convert_element_type3A_61 = arith.sitofp %convert_element_type3A_60 : vector<1000x50xi32> to vector<1000x50xf32>
    %dot_general3A_62 = arith.constant dense<0.000000e+00> : vector<1000x128xf32>
    %dot_general3A_63 = tpu.matmul %convert_element_type3A_61, %dot_general3A_55, %dot_general3A_62 {dimension_numbers = #tpu.dot_dimension_numbers<[1], [0], [0], [1], [0, 0, 1, 1], [], []>, transpose_lhs_hint = false} : vector<1000x50xf32>, vector<50x128xf32>, vector<1000x128xf32> -> vector<1000x128xf32>
    %add3A_64 = arith.addf %add3A_52, %dot_general3A_63 : vector<1000x128xf32>
    %get3A_65 = arith.constant 0 : index
    %get3A_66 = arith.constant 0 : index
    %get3A_67 = vector.load %arg8[%get3A_65, %get3A_66] : memref<1x128xf32, #tpu.memory_space<vmem>>, vector<1x128xf32>
    %add3A_68 = vector.broadcast %get3A_67 : vector<1x128xf32> to vector<1000x128xf32>
    %add3A_69 = arith.addf %add3A_64, %add3A_68 : vector<1000x128xf32>
    %max3A = arith.constant 0.000000e+00 : f32
    %max3A_70 = vector.broadcast %max3A : f32 to vector<1000x128xf32>
    %max3A_71 = arith.maximumf %add3A_69, %max3A_70 : vector<1000x128xf32>
    %swap3A = arith.constant 0 : index
    %swap3A_72 = arith.constant 0 : index
    %swap3A_73 = vector.load %arg9[%swap3A, %swap3A_72] : memref<1000x128xf32, #tpu.memory_space<vmem>>, vector<1000x128xf32>
    tpu.vector_store %arg9[%swap3A, %swap3A_72], %max3A_71 {strides = array<i32>} : memref<1000x128xf32, #tpu.memory_space<vmem>>, vector<1000x128xf32>,
    return
  }
  func.func @transform_0(%arg0: i32) -> (i32, i32) {
    %c0_i32 = arith.constant 0 : i32
    %c0_i32_0 = arith.constant 0 : i32
    return %arg0, %c0_i32 : i32, i32
  }
  func.func @transform_1(%arg0: i32) -> (i32, i32) {
    %c0_i32 = arith.constant 0 : i32
    %c0_i32_0 = arith.constant 0 : i32
    return %arg0, %c0_i32 : i32, i32
  }
  func.func @transform_2(%arg0: i32) -> (i32, i32) {
    %c0_i32 = arith.constant 0 : i32
    %c0_i32_0 = arith.constant 0 : i32
    %c0_i32_1 = arith.constant 0 : i32
    return %c0_i32, %c0_i32_0 : i32, i32
  }
  func.func @transform_3(%arg0: i32) -> (i32, i32) {
    %c0_i32 = arith.constant 0 : i32
    %c0_i32_0 = arith.constant 0 : i32
    %c0_i32_1 = arith.constant 0 : i32
    return %c0_i32, %c0_i32_0 : i32, i32
  }
  func.func @transform_4(%arg0: i32) -> (i32, i32) {
    %c0_i32 = arith.constant 0 : i32
    %c0_i32_0 = arith.constant 0 : i32
    %c0_i32_1 = arith.constant 0 : i32
    return %c0_i32, %c0_i32_0 : i32, i32
  }
  func.func @transform_5(%arg0: i32) -> (i32, i32) {
    %c0_i32 = arith.constant 0 : i32
    %c0_i32_0 = arith.constant 0 : i32
    %c0_i32_1 = arith.constant 0 : i32
    return %c0_i32, %c0_i32_0 : i32, i32
  }
  func.func @transform_6(%arg0: i32) -> (i32, i32) {
    %c0_i32 = arith.constant 0 : i32
    %c0_i32_0 = arith.constant 0 : i32
    %c0_i32_1 = arith.constant 0 : i32
    return %c0_i32, %c0_i32_0 : i32, i32
  }
  func.func @transform_7(%arg0: i32) -> (i32, i32) {
    %c0_i32 = arith.constant 0 : i32
    %c0_i32_0 = arith.constant 0 : i32
    %c0_i32_1 = arith.constant 0 : i32
    return %c0_i32, %c0_i32_0 : i32, i32
  }
  func.func @transform_8(%arg0: i32) -> (i32, i32) {
    %c0_i32 = arith.constant 0 : i32
    %c0_i32_0 = arith.constant 0 : i32
    return %arg0, %c0_i32 : i32, i32
  }
}

module attributes {stable_mosaic.version = 14 : i64} {
  func.func @_sage_dense_body(%arg0: i32, %arg1: memref<1000x128xf32, #tpu.memory_space<vmem>>, %arg2: memref<1000x128xf32, #tpu.memory_space<vmem>>, %arg3: memref<1000x128xf32, #tpu.memory_space<vmem>>, %arg4: memref<1000x128xf32, #tpu.memory_space<vmem>>, %arg5: memref<1000x128xf32, #tpu.memory_space<vmem>>, %arg6: memref<128x128xf32, #tpu.memory_space<vmem>>, %arg7: memref<1x128xf32, #tpu.memory_space<vmem>>, %arg8: memref<128x128xf32, #tpu.memory_space<vmem>>, %arg9: memref<1x128xf32, #tpu.memory_space<vmem>>, %arg10: memref<1x128xf32, #tpu.memory_space<vmem>>, %arg11: memref<1000x128xf32, #tpu.memory_space<vmem>>) attributes {dimension_semantics = [#tpu.dimension_semantics<arbitrary>], iteration_bounds = array<i64: 10>, scalar_prefetch = 0 : i64, scratch_operands = 0 : i64, tpu.core_type = #tpu.core_type<tc>, window_params = [{transform_indices = @transform_0, window_bounds = array<i64: 1000, 128>}, {transform_indices = @transform_1, window_bounds = array<i64: 1000, 128>}, {transform_indices = @transform_2, window_bounds = array<i64: 1000, 128>}, {transform_indices = @transform_3, window_bounds = array<i64: 1000, 128>}, {transform_indices = @transform_4, window_bounds = array<i64: 1000, 128>}, {pipeline_mode = #tpu.pipeline_mode<synchronous>, transform_indices = @transform_5, window_bounds = array<i64: 128, 128>}, {pipeline_mode = #tpu.pipeline_mode<synchronous>, transform_indices = @transform_6, window_bounds = array<i64: 1, 128>}, {pipeline_mode = #tpu.pipeline_mode<synchronous>, transform_indices = @transform_7, window_bounds = array<i64: 128, 128>}, {pipeline_mode = #tpu.pipeline_mode<synchronous>, transform_indices = @transform_8, window_bounds = array<i64: 1, 128>}, {pipeline_mode = #tpu.pipeline_mode<synchronous>, transform_indices = @transform_9, window_bounds = array<i64: 1, 128>}, {transform_indices = @transform_10, window_bounds = array<i64: 1000, 128>}]} {
    %get3A = arith.constant 0 : index
    %get3A_0 = arith.constant 0 : index
    %get3A_1 = vector.load %arg3[%get3A, %get3A_0] : memref<1000x128xf32, #tpu.memory_space<vmem>>, vector<1000x1xf32>
    %get3A_2 = arith.constant 0 : index
    %get3A_3 = arith.constant 0 : index
    %get3A_4 = vector.load %arg4[%get3A_2, %get3A_3] : memref<1000x128xf32, #tpu.memory_space<vmem>>, vector<1000x1xf32>
    %add3A = arith.addf %get3A_1, %get3A_4 : vector<1000x1xf32>
    %get3A_5 = arith.constant 0 : index
    %get3A_6 = arith.constant 0 : index
    %get3A_7 = vector.load %arg1[%get3A_5, %get3A_6] : memref<1000x128xf32, #tpu.memory_space<vmem>>, vector<1000x128xf32>
    %get3A_8 = arith.constant 0 : index
    %get3A_9 = arith.constant 0 : index
    %get3A_10 = vector.load %arg2[%get3A_8, %get3A_9] : memref<1000x128xf32, #tpu.memory_space<vmem>>, vector<1000x128xf32>
    %add3A_11 = arith.addf %get3A_7, %get3A_10 : vector<1000x128xf32>
    %max3A = arith.constant 1.000000e+00 : f32
    %max3A_12 = vector.broadcast %max3A : f32 to vector<1000x1xf32>
    %max3A_13 = arith.maximumf %add3A, %max3A_12 : vector<1000x1xf32>
    %div3A = vector.broadcast %max3A_13 : vector<1000x1xf32> to vector<1000x128xf32>
    %div3A_14 = arith.divf %add3A_11, %div3A : vector<1000x128xf32>
    %get3A_15 = arith.constant 0 : index
    %get3A_16 = arith.constant 0 : index
    %get3A_17 = vector.load %arg5[%get3A_15, %get3A_16] : memref<1000x128xf32, #tpu.memory_space<vmem>>, vector<1000x128xf32>
    %get3A_18 = arith.constant 0 : index
    %get3A_19 = arith.constant 0 : index
    %get3A_20 = vector.load %arg6[%get3A_18, %get3A_19] : memref<128x128xf32, #tpu.memory_space<vmem>>, vector<128x128xf32>
    %dot_general3A = arith.constant dense<0.000000e+00> : vector<1000x128xf32>
    %dot_general3A_21 = tpu.matmul %div3A_14, %get3A_20, %dot_general3A {dimension_numbers = #tpu.dot_dimension_numbers<[1], [0], [0], [1], [0, 0, 1, 1], [], []>, transpose_lhs_hint = false} : vector<1000x128xf32>, vector<128x128xf32>, vector<1000x128xf32> -> vector<1000x128xf32>
    %get3A_22 = arith.constant 0 : index
    %get3A_23 = arith.constant 0 : index
    %get3A_24 = vector.load %arg7[%get3A_22, %get3A_23] : memref<1x128xf32, #tpu.memory_space<vmem>>, vector<1x128xf32>
    %add3A_25 = vector.broadcast %get3A_24 : vector<1x128xf32> to vector<1000x128xf32>
    %add3A_26 = arith.addf %dot_general3A_21, %add3A_25 : vector<1000x128xf32>
    %get3A_27 = arith.constant 0 : index
    %get3A_28 = arith.constant 0 : index
    %get3A_29 = vector.load %arg8[%get3A_27, %get3A_28] : memref<128x128xf32, #tpu.memory_space<vmem>>, vector<128x128xf32>
    %dot_general3A_30 = arith.constant dense<0.000000e+00> : vector<1000x128xf32>
    %dot_general3A_31 = tpu.matmul %get3A_17, %get3A_29, %dot_general3A_30 {dimension_numbers = #tpu.dot_dimension_numbers<[1], [0], [0], [1], [0, 0, 1, 1], [], []>, transpose_lhs_hint = false} : vector<1000x128xf32>, vector<128x128xf32>, vector<1000x128xf32> -> vector<1000x128xf32>
    %add3A_32 = arith.addf %add3A_26, %dot_general3A_31 : vector<1000x128xf32>
    %reduce_sum3A = arith.constant dense<0.000000e+00> : vector<1000xf32>
    %reduce_sum3A_33 = vector.multi_reduction <add>, %add3A_32, %reduce_sum3A [1] : vector<1000x128xf32> to vector<1000xf32>
    %broadcast_in_dim3A = vector.shape_cast %reduce_sum3A_33 : vector<1000xf32> to vector<1000x1xf32>
    %div3A_34 = arith.constant 1.280000e+02 : f32
    %div3A_35 = vector.broadcast %div3A_34 : f32 to vector<1000x1xf32>
    %div3A_36 = arith.divf %broadcast_in_dim3A, %div3A_35 : vector<1000x1xf32>
    %sub3A = vector.broadcast %div3A_36 : vector<1000x1xf32> to vector<1000x128xf32>
    %sub3A_37 = arith.subf %add3A_32, %sub3A : vector<1000x128xf32>
    %integer_pow3A = arith.mulf %sub3A_37, %sub3A_37 : vector<1000x128xf32>
    %reduce_sum3A_38 = arith.constant dense<0.000000e+00> : vector<1000xf32>
    %reduce_sum3A_39 = vector.multi_reduction <add>, %integer_pow3A, %reduce_sum3A_38 [1] : vector<1000x128xf32> to vector<1000xf32>
    %broadcast_in_dim3A_40 = vector.shape_cast %reduce_sum3A_39 : vector<1000xf32> to vector<1000x1xf32>
    %div3A_41 = arith.constant 1.280000e+02 : f32
    %div3A_42 = vector.broadcast %div3A_41 : f32 to vector<1000x1xf32>
    %div3A_43 = arith.divf %broadcast_in_dim3A_40, %div3A_42 : vector<1000x1xf32>
    %sub3A_44 = vector.broadcast %div3A_36 : vector<1000x1xf32> to vector<1000x128xf32>
    %sub3A_45 = arith.subf %add3A_32, %sub3A_44 : vector<1000x128xf32>
    %add3A_46 = arith.constant 9.99999974E-6 : f32
    %add3A_47 = vector.broadcast %add3A_46 : f32 to vector<1000x1xf32>
    %add3A_48 = arith.addf %div3A_43, %add3A_47 : vector<1000x1xf32>
    %sqrt3A = math.sqrt %add3A_48 : vector<1000x1xf32>
    %div3A_49 = vector.broadcast %sqrt3A : vector<1000x1xf32> to vector<1000x128xf32>
    %div3A_50 = arith.divf %sub3A_45, %div3A_49 : vector<1000x128xf32>
    %get3A_51 = arith.constant 0 : index
    %get3A_52 = arith.constant 0 : index
    %get3A_53 = vector.load %arg9[%get3A_51, %get3A_52] : memref<1x128xf32, #tpu.memory_space<vmem>>, vector<1x128xf32>
    %mul3A = vector.broadcast %get3A_53 : vector<1x128xf32> to vector<1000x128xf32>
    %mul3A_54 = arith.mulf %div3A_50, %mul3A : vector<1000x128xf32>
    %get3A_55 = arith.constant 0 : index
    %get3A_56 = arith.constant 0 : index
    %get3A_57 = vector.load %arg10[%get3A_55, %get3A_56] : memref<1x128xf32, #tpu.memory_space<vmem>>, vector<1x128xf32>
    %add3A_58 = vector.broadcast %get3A_57 : vector<1x128xf32> to vector<1000x128xf32>
    %add3A_59 = arith.addf %mul3A_54, %add3A_58 : vector<1000x128xf32>
    %max3A_60 = arith.constant 0.000000e+00 : f32
    %max3A_61 = vector.broadcast %max3A_60 : f32 to vector<1000x128xf32>
    %max3A_62 = arith.maximumf %add3A_59, %max3A_61 : vector<1000x128xf32>
    %mul3A_63 = arith.constant 5.000000e-01 : f32
    %mul3A_64 = vector.broadcast %mul3A_63 : f32 to vector<1000x128xf32>
    %mul3A_65 = arith.mulf %mul3A_64, %max3A_62 : vector<1000x128xf32>
    %add3A_66 = arith.addf %get3A_17, %mul3A_65 : vector<1000x128xf32>
    %swap3A = arith.constant 0 : index
    %swap3A_67 = arith.constant 0 : index
    %swap3A_68 = vector.load %arg11[%swap3A, %swap3A_67] : memref<1000x128xf32, #tpu.memory_space<vmem>>, vector<1000x128xf32>
    tpu.vector_store %arg11[%swap3A, %swap3A_67], %add3A_66 {strides = array<i32>} : memref<1000x128xf32, #tpu.memory_space<vmem>>, vector<1000x128xf32>,
    return
  }
  func.func @transform_0(%arg0: i32) -> (i32, i32) {
    %c0_i32 = arith.constant 0 : i32
    %c0_i32_0 = arith.constant 0 : i32
    return %arg0, %c0_i32 : i32, i32
  }
  func.func @transform_1(%arg0: i32) -> (i32, i32) {
    %c0_i32 = arith.constant 0 : i32
    %c0_i32_0 = arith.constant 0 : i32
    return %arg0, %c0_i32 : i32, i32
  }
  func.func @transform_2(%arg0: i32) -> (i32, i32) {
    %c0_i32 = arith.constant 0 : i32
    %c0_i32_0 = arith.constant 0 : i32
    return %arg0, %c0_i32 : i32, i32
  }
  func.func @transform_3(%arg0: i32) -> (i32, i32) {
    %c0_i32 = arith.constant 0 : i32
    %c0_i32_0 = arith.constant 0 : i32
    return %arg0, %c0_i32 : i32, i32
  }
  func.func @transform_4(%arg0: i32) -> (i32, i32) {
    %c0_i32 = arith.constant 0 : i32
    %c0_i32_0 = arith.constant 0 : i32
    return %arg0, %c0_i32 : i32, i32
  }
  func.func @transform_5(%arg0: i32) -> (i32, i32) {
    %c0_i32 = arith.constant 0 : i32
    %c0_i32_0 = arith.constant 0 : i32
    %c0_i32_1 = arith.constant 0 : i32
    return %c0_i32, %c0_i32_0 : i32, i32
  }
  func.func @transform_6(%arg0: i32) -> (i32, i32) {
    %c0_i32 = arith.constant 0 : i32
    %c0_i32_0 = arith.constant 0 : i32
    %c0_i32_1 = arith.constant 0 : i32
    return %c0_i32, %c0_i32_0 : i32, i32
  }
  func.func @transform_7(%arg0: i32) -> (i32, i32) {
    %c0_i32 = arith.constant 0 : i32
    %c0_i32_0 = arith.constant 0 : i32
    %c0_i32_1 = arith.constant 0 : i32
    return %c0_i32, %c0_i32_0 : i32, i32
  }
  func.func @transform_8(%arg0: i32) -> (i32, i32) {
    %c0_i32 = arith.constant 0 : i32
    %c0_i32_0 = arith.constant 0 : i32
    %c0_i32_1 = arith.constant 0 : i32
    return %c0_i32, %c0_i32_0 : i32, i32
  }
  func.func @transform_9(%arg0: i32) -> (i32, i32) {
    %c0_i32 = arith.constant 0 : i32
    %c0_i32_0 = arith.constant 0 : i32
    %c0_i32_1 = arith.constant 0 : i32
    return %c0_i32, %c0_i32_0 : i32, i32
  }
  func.func @transform_10(%arg0: i32) -> (i32, i32) {
    %c0_i32 = arith.constant 0 : i32
    %c0_i32_0 = arith.constant 0 : i32
    return %arg0, %c0_i32 : i32, i32
  }
}

module attributes {stable_mosaic.version = 14 : i64} {
  func.func @_sage_dense_body(%arg0: i32, %arg1: memref<1000x128xf32, #tpu.memory_space<vmem>>, %arg2: memref<1000x128xf32, #tpu.memory_space<vmem>>, %arg3: memref<1000x128xf32, #tpu.memory_space<vmem>>, %arg4: memref<1000x128xf32, #tpu.memory_space<vmem>>, %arg5: memref<1000x128xf32, #tpu.memory_space<vmem>>, %arg6: memref<128x128xf32, #tpu.memory_space<vmem>>, %arg7: memref<1x128xf32, #tpu.memory_space<vmem>>, %arg8: memref<128x128xf32, #tpu.memory_space<vmem>>, %arg9: memref<1x128xf32, #tpu.memory_space<vmem>>, %arg10: memref<1x128xf32, #tpu.memory_space<vmem>>, %arg11: memref<128x64xf32, #tpu.memory_space<vmem>>, %arg12: memref<1x64xf32, #tpu.memory_space<vmem>>, %arg13: memref<64x1xf32, #tpu.memory_space<vmem>>, %arg14: memref<1x1xf32, #tpu.memory_space<vmem>>, %arg15: memref<1000x1xf32, #tpu.memory_space<vmem>>) attributes {dimension_semantics = [#tpu.dimension_semantics<arbitrary>], iteration_bounds = array<i64: 10>, scalar_prefetch = 0 : i64, scratch_operands = 0 : i64, tpu.core_type = #tpu.core_type<tc>, window_params = [{transform_indices = @transform_0, window_bounds = array<i64: 1000, 128>}, {transform_indices = @transform_1, window_bounds = array<i64: 1000, 128>}, {transform_indices = @transform_2, window_bounds = array<i64: 1000, 128>}, {transform_indices = @transform_3, window_bounds = array<i64: 1000, 128>}, {transform_indices = @transform_4, window_bounds = array<i64: 1000, 128>}, {pipeline_mode = #tpu.pipeline_mode<synchronous>, transform_indices = @transform_5, window_bounds = array<i64: 128, 128>}, {pipeline_mode = #tpu.pipeline_mode<synchronous>, transform_indices = @transform_6, window_bounds = array<i64: 1, 128>}, {pipeline_mode = #tpu.pipeline_mode<synchronous>, transform_indices = @transform_7, window_bounds = array<i64: 128, 128>}, {pipeline_mode = #tpu.pipeline_mode<synchronous>, transform_indices = @transform_8, window_bounds = array<i64: 1, 128>}, {pipeline_mode = #tpu.pipeline_mode<synchronous>, transform_indices = @transform_9, window_bounds = array<i64: 1, 128>}, {pipeline_mode = #tpu.pipeline_mode<synchronous>, transform_indices = @transform_10, window_bounds = array<i64: 128, 64>}, {pipeline_mode = #tpu.pipeline_mode<synchronous>, transform_indices = @transform_11, window_bounds = array<i64: 1, 64>}, {pipeline_mode = #tpu.pipeline_mode<synchronous>, transform_indices = @transform_12, window_bounds = array<i64: 64, 1>}, {pipeline_mode = #tpu.pipeline_mode<synchronous>, transform_indices = @transform_13, window_bounds = array<i64: 1, 1>}, {transform_indices = @transform_14, window_bounds = array<i64: 1000, 1>}]} {
    %get3A = arith.constant 0 : index
    %get3A_0 = arith.constant 0 : index
    %get3A_1 = vector.load %arg3[%get3A, %get3A_0] : memref<1000x128xf32, #tpu.memory_space<vmem>>, vector<1000x1xf32>
    %get3A_2 = arith.constant 0 : index
    %get3A_3 = arith.constant 0 : index
    %get3A_4 = vector.load %arg4[%get3A_2, %get3A_3] : memref<1000x128xf32, #tpu.memory_space<vmem>>, vector<1000x1xf32>
    %add3A = arith.addf %get3A_1, %get3A_4 : vector<1000x1xf32>
    %get3A_5 = arith.constant 0 : index
    %get3A_6 = arith.constant 0 : index
    %get3A_7 = vector.load %arg1[%get3A_5, %get3A_6] : memref<1000x128xf32, #tpu.memory_space<vmem>>, vector<1000x128xf32>
    %get3A_8 = arith.constant 0 : index
    %get3A_9 = arith.constant 0 : index
    %get3A_10 = vector.load %arg2[%get3A_8, %get3A_9] : memref<1000x128xf32, #tpu.memory_space<vmem>>, vector<1000x128xf32>
    %add3A_11 = arith.addf %get3A_7, %get3A_10 : vector<1000x128xf32>
    %max3A = arith.constant 1.000000e+00 : f32
    %max3A_12 = vector.broadcast %max3A : f32 to vector<1000x1xf32>
    %max3A_13 = arith.maximumf %add3A, %max3A_12 : vector<1000x1xf32>
    %div3A = vector.broadcast %max3A_13 : vector<1000x1xf32> to vector<1000x128xf32>
    %div3A_14 = arith.divf %add3A_11, %div3A : vector<1000x128xf32>
    %get3A_15 = arith.constant 0 : index
    %get3A_16 = arith.constant 0 : index
    %get3A_17 = vector.load %arg5[%get3A_15, %get3A_16] : memref<1000x128xf32, #tpu.memory_space<vmem>>, vector<1000x128xf32>
    %get3A_18 = arith.constant 0 : index
    %get3A_19 = arith.constant 0 : index
    %get3A_20 = vector.load %arg6[%get3A_18, %get3A_19] : memref<128x128xf32, #tpu.memory_space<vmem>>, vector<128x128xf32>
    %dot_general3A = arith.constant dense<0.000000e+00> : vector<1000x128xf32>
    %dot_general3A_21 = tpu.matmul %div3A_14, %get3A_20, %dot_general3A {dimension_numbers = #tpu.dot_dimension_numbers<[1], [0], [0], [1], [0, 0, 1, 1], [], []>, transpose_lhs_hint = false} : vector<1000x128xf32>, vector<128x128xf32>, vector<1000x128xf32> -> vector<1000x128xf32>
    %get3A_22 = arith.constant 0 : index
    %get3A_23 = arith.constant 0 : index
    %get3A_24 = vector.load %arg7[%get3A_22, %get3A_23] : memref<1x128xf32, #tpu.memory_space<vmem>>, vector<1x128xf32>
    %add3A_25 = vector.broadcast %get3A_24 : vector<1x128xf32> to vector<1000x128xf32>
    %add3A_26 = arith.addf %dot_general3A_21, %add3A_25 : vector<1000x128xf32>
    %get3A_27 = arith.constant 0 : index
    %get3A_28 = arith.constant 0 : index
    %get3A_29 = vector.load %arg8[%get3A_27, %get3A_28] : memref<128x128xf32, #tpu.memory_space<vmem>>, vector<128x128xf32>
    %dot_general3A_30 = arith.constant dense<0.000000e+00> : vector<1000x128xf32>
    %dot_general3A_31 = tpu.matmul %get3A_17, %get3A_29, %dot_general3A_30 {dimension_numbers = #tpu.dot_dimension_numbers<[1], [0], [0], [1], [0, 0, 1, 1], [], []>, transpose_lhs_hint = false} : vector<1000x128xf32>, vector<128x128xf32>, vector<1000x128xf32> -> vector<1000x128xf32>
    %add3A_32 = arith.addf %add3A_26, %dot_general3A_31 : vector<1000x128xf32>
    %reduce_sum3A = arith.constant dense<0.000000e+00> : vector<1000xf32>
    %reduce_sum3A_33 = vector.multi_reduction <add>, %add3A_32, %reduce_sum3A [1] : vector<1000x128xf32> to vector<1000xf32>
    %broadcast_in_dim3A = vector.shape_cast %reduce_sum3A_33 : vector<1000xf32> to vector<1000x1xf32>
    %div3A_34 = arith.constant 1.280000e+02 : f32
    %div3A_35 = vector.broadcast %div3A_34 : f32 to vector<1000x1xf32>
    %div3A_36 = arith.divf %broadcast_in_dim3A, %div3A_35 : vector<1000x1xf32>
    %sub3A = vector.broadcast %div3A_36 : vector<1000x1xf32> to vector<1000x128xf32>
    %sub3A_37 = arith.subf %add3A_32, %sub3A : vector<1000x128xf32>
    %integer_pow3A = arith.mulf %sub3A_37, %sub3A_37 : vector<1000x128xf32>
    %reduce_sum3A_38 = arith.constant dense<0.000000e+00> : vector<1000xf32>
    %reduce_sum3A_39 = vector.multi_reduction <add>, %integer_pow3A, %reduce_sum3A_38 [1] : vector<1000x128xf32> to vector<1000xf32>
    %broadcast_in_dim3A_40 = vector.shape_cast %reduce_sum3A_39 : vector<1000xf32> to vector<1000x1xf32>
    %div3A_41 = arith.constant 1.280000e+02 : f32
    %div3A_42 = vector.broadcast %div3A_41 : f32 to vector<1000x1xf32>
    %div3A_43 = arith.divf %broadcast_in_dim3A_40, %div3A_42 : vector<1000x1xf32>
    %sub3A_44 = vector.broadcast %div3A_36 : vector<1000x1xf32> to vector<1000x128xf32>
    %sub3A_45 = arith.subf %add3A_32, %sub3A_44 : vector<1000x128xf32>
    %add3A_46 = arith.constant 9.99999974E-6 : f32
    %add3A_47 = vector.broadcast %add3A_46 : f32 to vector<1000x1xf32>
    %add3A_48 = arith.addf %div3A_43, %add3A_47 : vector<1000x1xf32>
    %sqrt3A = math.sqrt %add3A_48 : vector<1000x1xf32>
    %div3A_49 = vector.broadcast %sqrt3A : vector<1000x1xf32> to vector<1000x128xf32>
    %div3A_50 = arith.divf %sub3A_45, %div3A_49 : vector<1000x128xf32>
    %get3A_51 = arith.constant 0 : index
    %get3A_52 = arith.constant 0 : index
    %get3A_53 = vector.load %arg9[%get3A_51, %get3A_52] : memref<1x128xf32, #tpu.memory_space<vmem>>, vector<1x128xf32>
    %mul3A = vector.broadcast %get3A_53 : vector<1x128xf32> to vector<1000x128xf32>
    %mul3A_54 = arith.mulf %div3A_50, %mul3A : vector<1000x128xf32>
    %get3A_55 = arith.constant 0 : index
    %get3A_56 = arith.constant 0 : index
    %get3A_57 = vector.load %arg10[%get3A_55, %get3A_56] : memref<1x128xf32, #tpu.memory_space<vmem>>, vector<1x128xf32>
    %add3A_58 = vector.broadcast %get3A_57 : vector<1x128xf32> to vector<1000x128xf32>
    %add3A_59 = arith.addf %mul3A_54, %add3A_58 : vector<1000x128xf32>
    %max3A_60 = arith.constant 0.000000e+00 : f32
    %max3A_61 = vector.broadcast %max3A_60 : f32 to vector<1000x128xf32>
    %max3A_62 = arith.maximumf %add3A_59, %max3A_61 : vector<1000x128xf32>
    %mul3A_63 = arith.constant 5.000000e-01 : f32
    %mul3A_64 = vector.broadcast %mul3A_63 : f32 to vector<1000x128xf32>
    %mul3A_65 = arith.mulf %mul3A_64, %max3A_62 : vector<1000x128xf32>
    %add3A_66 = arith.addf %get3A_17, %mul3A_65 : vector<1000x128xf32>
    %get3A_67 = arith.constant 0 : index
    %get3A_68 = arith.constant 0 : index
    %get3A_69 = vector.load %arg11[%get3A_67, %get3A_68] : memref<128x64xf32, #tpu.memory_space<vmem>>, vector<128x64xf32>
    %dot_general3A_70 = arith.constant dense<0.000000e+00> : vector<1000x64xf32>
    %dot_general3A_71 = tpu.matmul %add3A_66, %get3A_69, %dot_general3A_70 {dimension_numbers = #tpu.dot_dimension_numbers<[1], [0], [0], [1], [0, 0, 1, 1], [], []>, transpose_lhs_hint = false} : vector<1000x128xf32>, vector<128x64xf32>, vector<1000x64xf32> -> vector<1000x64xf32>
    %get3A_72 = arith.constant 0 : index
    %get3A_73 = arith.constant 0 : index
    %get3A_74 = vector.load %arg12[%get3A_72, %get3A_73] : memref<1x64xf32, #tpu.memory_space<vmem>>, vector<1x64xf32>
    %add3A_75 = vector.broadcast %get3A_74 : vector<1x64xf32> to vector<1000x64xf32>
    %add3A_76 = arith.addf %dot_general3A_71, %add3A_75 : vector<1000x64xf32>
    %max3A_77 = arith.constant 0.000000e+00 : f32
    %max3A_78 = vector.broadcast %max3A_77 : f32 to vector<1000x64xf32>
    %max3A_79 = arith.maximumf %add3A_76, %max3A_78 : vector<1000x64xf32>
    %get3A_80 = arith.constant 0 : index
    %get3A_81 = arith.constant 0 : index
    %get3A_82 = vector.load %arg13[%get3A_80, %get3A_81] : memref<64x1xf32, #tpu.memory_space<vmem>>, vector<64x1xf32>
    %dot_general3A_83 = arith.constant dense<0.000000e+00> : vector<1000x1xf32>
    %dot_general3A_84 = tpu.matmul %max3A_79, %get3A_82, %dot_general3A_83 {dimension_numbers = #tpu.dot_dimension_numbers<[1], [0], [0], [1], [0, 0, 1, 1], [], []>, transpose_lhs_hint = false} : vector<1000x64xf32>, vector<64x1xf32>, vector<1000x1xf32> -> vector<1000x1xf32>
    %get3A_85 = arith.constant 0 : index
    %get3A_86 = arith.constant 0 : index
    %get3A_87 = vector.load %arg14[%get3A_85, %get3A_86] : memref<1x1xf32, #tpu.memory_space<vmem>>, vector<1x1xf32>
    %add3A_88 = vector.broadcast %get3A_87 : vector<1x1xf32> to vector<1000x1xf32>
    %add3A_89 = arith.addf %dot_general3A_84, %add3A_88 : vector<1000x1xf32>
    %swap3A = arith.constant 0 : index
    %swap3A_90 = arith.constant 0 : index
    %swap3A_91 = vector.load %arg15[%swap3A, %swap3A_90] : memref<1000x1xf32, #tpu.memory_space<vmem>>, vector<1000x1xf32>
    tpu.vector_store %arg15[%swap3A, %swap3A_90], %add3A_89 {strides = array<i32>} : memref<1000x1xf32, #tpu.memory_space<vmem>>, vector<1000x1xf32>,
    return
  }
  func.func @transform_0(%arg0: i32) -> (i32, i32) {
    %c0_i32 = arith.constant 0 : i32
    %c0_i32_0 = arith.constant 0 : i32
    return %arg0, %c0_i32 : i32, i32
  }
  func.func @transform_1(%arg0: i32) -> (i32, i32) {
    %c0_i32 = arith.constant 0 : i32
    %c0_i32_0 = arith.constant 0 : i32
    return %arg0, %c0_i32 : i32, i32
  }
  func.func @transform_2(%arg0: i32) -> (i32, i32) {
    %c0_i32 = arith.constant 0 : i32
    %c0_i32_0 = arith.constant 0 : i32
    return %arg0, %c0_i32 : i32, i32
  }
  func.func @transform_3(%arg0: i32) -> (i32, i32) {
    %c0_i32 = arith.constant 0 : i32
    %c0_i32_0 = arith.constant 0 : i32
    return %arg0, %c0_i32 : i32, i32
  }
  func.func @transform_4(%arg0: i32) -> (i32, i32) {
    %c0_i32 = arith.constant 0 : i32
    %c0_i32_0 = arith.constant 0 : i32
    return %arg0, %c0_i32 : i32, i32
  }
  func.func @transform_5(%arg0: i32) -> (i32, i32) {
    %c0_i32 = arith.constant 0 : i32
    %c0_i32_0 = arith.constant 0 : i32
    %c0_i32_1 = arith.constant 0 : i32
    return %c0_i32, %c0_i32_0 : i32, i32
  }
  func.func @transform_6(%arg0: i32) -> (i32, i32) {
    %c0_i32 = arith.constant 0 : i32
    %c0_i32_0 = arith.constant 0 : i32
    %c0_i32_1 = arith.constant 0 : i32
    return %c0_i32, %c0_i32_0 : i32, i32
  }
  func.func @transform_7(%arg0: i32) -> (i32, i32) {
    %c0_i32 = arith.constant 0 : i32
    %c0_i32_0 = arith.constant 0 : i32
    %c0_i32_1 = arith.constant 0 : i32
    return %c0_i32, %c0_i32_0 : i32, i32
  }
  func.func @transform_8(%arg0: i32) -> (i32, i32) {
    %c0_i32 = arith.constant 0 : i32
    %c0_i32_0 = arith.constant 0 : i32
    %c0_i32_1 = arith.constant 0 : i32
    return %c0_i32, %c0_i32_0 : i32, i32
  }
  func.func @transform_9(%arg0: i32) -> (i32, i32) {
    %c0_i32 = arith.constant 0 : i32
    %c0_i32_0 = arith.constant 0 : i32
    %c0_i32_1 = arith.constant 0 : i32
    return %c0_i32, %c0_i32_0 : i32, i32
  }
  func.func @transform_10(%arg0: i32) -> (i32, i32) {
    %c0_i32 = arith.constant 0 : i32
    %c0_i32_0 = arith.constant 0 : i32
    %c0_i32_1 = arith.constant 0 : i32
    return %c0_i32, %c0_i32_0 : i32, i32
  }
  func.func @transform_11(%arg0: i32) -> (i32, i32) {
    %c0_i32 = arith.constant 0 : i32
    %c0_i32_0 = arith.constant 0 : i32
    %c0_i32_1 = arith.constant 0 : i32
    return %c0_i32, %c0_i32_0 : i32, i32
  }
  func.func @transform_12(%arg0: i32) -> (i32, i32) {
    %c0_i32 = arith.constant 0 : i32
    %c0_i32_0 = arith.constant 0 : i32
    %c0_i32_1 = arith.constant 0 : i32
    return %c0_i32, %c0_i32_0 : i32, i32
  }
  func.func @transform_13(%arg0: i32) -> (i32, i32) {
    %c0_i32 = arith.constant 0 : i32
    %c0_i32_0 = arith.constant 0 : i32
    %c0_i32_1 = arith.constant 0 : i32
    return %c0_i32, %c0_i32_0 : i32, i32
  }
  func.func @transform_14(%arg0: i32) -> (i32, i32) {
    %c0_i32 = arith.constant 0 : i32
    %c0_i32_0 = arith.constant 0 : i32
    return %arg0, %c0_i32 : i32, i32
  }
}

</mosaic_0001>

<sc_bundles>
// kernel: kernel.11.cloned.1.call-start
scs
__scs_entry_jumppad:
0x0: {  	(pc) =	sbr.rel $0x88, $3  }
0x1: {  	(tag) =	ssettag $0x0;
	lr =	simm.s32 $0x1  }
0x2: {  	[smem:$0x3F8A] =	sst lr;
	_ =	strace $0xD0000000  }
0x3: {  	_ = 	snop  }
0x4: {  	_ = 	snop  }
0x5: {  	_ = 	snop  }
0x6: {  	_ = 	snop  }
0x7: {  	_ = 	snop  }
__scs_overlays_trampoline_lowered:
0x8: {  	[smem:$0x3F99] =	sst s0  }
0x9: {  	[smem:$0x3F9A] =	sst s1  }
0xa: {  	[smem:$0x3F9B] =	sst s2  }
0xb: {  	[smem:$0x3F9C] =	sst s3  }
0xc: {  	[smem:$0x3F9D] =	sst s4  }
0xd: {  	[smem:$0x3F9E] =	sst s5  }
0xe: {  	[smem:$0x3F9F] =	sst s6  }
0xf: {  	[smem:$0x3FA0] =	sst s7  }
0x10: {  	[smem:$0x3FA1] =	sst s8  }
0x11: {  	[smem:$0x3FA2] =	sst s9;
	s0 =	simm.s32 @!p0 $0x0  }
0x12: {  	s1 =	sld [smem:$0x3F88];
	s0 =	simm.s32 @p0 $0x1  }
0x13: {  	[smem:$0x3FA3] =	sst s0;
	s0 =	simm.s32 @!p1 $0x0  }
0x14: {  	s2 =	sld [smem:$0x3F87];
	s0 =	simm.s32 @p1 $0x1  }
0x15: {  	[smem:$0x3FA4] =	sst s0;
	s0 =	simm.s32 @!p2 $0x0  }
0x16: {  	s3 =	sld [smem:$0x3FDB];
	s0 =	simm.s32 @p2 $0x1  }
0x17: {  	s4 =	simm.s32 $0x1BF5;
	[smem:$0x3FA6] =	sst s0  }
0x18: {  	s0 =	sld [smem:$0x3F89];
	_ =	swait.ge [sflag:s4], $0x0  }
0x19: {  	s7 =	sld [smem:$0x3F8A]  }
0x1a: {  	s8 =	sadd.s32 $0xFFFFE003, lr  }
0x1b: {  	s9 =	sadd.s32 $0xFFFFFEF7, lr;
	s5 =	simm.s32 $0xFFFFFFFF;
	p2 =	slt.u32 s8, $0xFFFFF086  }
0x1c: {  	p1 =	slt.u32 s9, $0xF7A;
	s5 =	simm.s32 @!p2 $0x0  }
0x1d: {  	s5 =	simm.s32 @p1 $0x1;
	p0 =	seq.s32 s7, s2  }
0x1e: {  	s7 =	smul.u32 @!p0 $0xF7A, s2;
	p2 =	seq.s32 @!p0 s5, $0x0  }
0x1f: {  	s9 =	smul.u32 $0xF7A, s1;
	s8 =	simm.s32 @!p0 $0x1BF5;
	p2 =	por !p2, p0  }
0x20: {  	[sflag:s8] =	ssyncset.s32 @!p0 $0xFFFFF086;
	s6 =	sadd.s32 @!p0 s3, s7;
	s7 =	simm.s32 @!p0 $0x108  }
0x21: {  	s3 =	sadd.s32 s3, s9;
	s6 =	sadd.s32 @!p0 $0x88, s6;
	s7 =	simm.s32 @p2 $0x1082  }
0x22: {  	[simem:s7], [sflag:s8] =	dma.local @!p0 [hbm:s6], $0xF7A  }
0x23: {  	s9 =	sor.u32 $0xD0000000, s2;
	s6 =	simm.s32 $0x108;
	_ =	swait.ge @!p0 [sflag:s8], $0x0  }
0x24: {  	s3 =	sadd.s32 $0x88, s3;
	s6 =	simm.s32 @!p1 $0x1082;
	[sflag:s4] =	ssyncset.s32 $0xFFFFF086  }
0x25: {  	[simem:s6], [sflag:s4] =	dma.local [hbm:s3], $0xF7A  }
0x26: {  	[smem:$0x3F8A] =	sst s1;
	(tag) =	ssettag s2;
	_ =	strace s9  }
0x27: {  	s1 =	sld [smem:$0x3F9A]  }
0x28: {  	s2 =	sld [smem:$0x3F9B]  }
0x29: {  	s4 =	sld [smem:$0x3F9D]  }
0x2a: {  	p0 =	seq.s32 s5, $0x0;
	s5 =	sld [smem:$0x3F9E]  }
0x2b: {  	s6 =	sld [smem:$0x3F9F]  }
0x2c: {  	s7 =	sld [smem:$0x3FA0]  }
0x2d: {  	s3 =	simm.s32 $0x108;
	s8 =	sld [smem:$0x3FA1]  }
0x2e: {  	s3 =	simm.s32 @!p0 $0x1082;
	s9 =	sld [smem:$0x3FA2]  }
0x2f: {  	lr =	sadd.s32 s0, s3;
	s0 =	sld [smem:$0x3F99]  }
0x30: {  	s3 =	sld [smem:$0x3F9C]  }
0x31: {  	[smem:$0x3FA5] =	sst s10  }
0x32: {  	s10 =	sld [smem:$0x3FA3];
	_ =	sdelay $0x3  }
0x33: {  	p0 =	seq.s32 s10, $0x1;
	s10 =	sld [smem:$0x3FA5];
	_ =	sdelay $0x3  }
0x34: {  	[smem:$0x3FA5] =	sst s10  }
0x35: {  	s10 =	sld [smem:$0x3FA4];
	_ =	sdelay $0x3  }
0x36: {  	p1 =	seq.s32 s10, $0x1;
	s10 =	sld [smem:$0x3FA5];
	_ =	sdelay $0x3  }
0x37: {  	[smem:$0x3FA5] =	sst s10  }
0x38: {  	s10 =	sld [smem:$0x3FA6]  }
0x39: {  	_ = 	snop;
	(pc) =	sbr.ind lr, $3  }
0x3a: {  	_ = 	snop  }
0x3b: {  	_ = 	snop  }
0x3c: {  	p2 =	seq.s32 s10, $0x1;
	s10 =	sld [smem:$0x3FA5]  }
0x3d: {  	_ =	shalt  }
0x3e: {  	_ =	shalt  }
0x3f: {  	_ =	shalt  }
0x40: {  	_ =	shalt  }
0x41: {  	_ =	shalt  }
0x42: {  	_ =	shalt  }
0x43: {  	_ =	shalt  }
0x44: {  	_ =	shalt  }
0x45: {  	_ =	shalt  }
0x46: {  	_ =	shalt  }
0x47: {  	_ =	shalt  }
0x48: {  	_ =	shalt  }
0x49: {  	_ =	shalt  }
0x4a: {  	_ =	shalt  }
0x4b: {  	_ =	shalt  }
0x4c: {  	_ =	shalt  }
0x4d: {  	_ =	shalt  }
0x4e: {  	_ =	shalt  }
0x4f: {  	_ =	shalt  }
0x50: {  	_ =	shalt  }
0x51: {  	_ =	shalt  }
0x52: {  	_ =	shalt  }
0x53: {  	_ =	shalt  }
0x54: {  	_ =	shalt  }
0x55: {  	_ =	shalt  }
0x56: {  	_ =	shalt  }
0x57: {  	_ =	shalt  }
0x58: {  	_ =	shalt  }
0x59: {  	_ =	shalt  }
0x5a: {  	_ =	shalt  }
0x5b: {  	_ =	shalt  }
0x5c: {  	_ =	shalt  }
0x5d: {  	_ =	shalt  }
0x5e: {  	_ =	shalt  }
0x5f: {  	_ =	shalt  }
0x60: {  	_ =	shalt  }
0x61: {  	_ =	shalt  }
0x62: {  	_ =	shalt  }
0x63: {  	_ =	shalt  }
0x64: {  	_ =	shalt  }
0x65: {  	_ =	shalt  }
0x66: {  	_ =	shalt  }
0x67: {  	_ =	shalt  }
0x68: {  	_ =	shalt  }
0x69: {  	_ =	shalt  }
0x6a: {  	_ =	shalt  }
0x6b: {  	_ =	shalt  }
0x6c: {  	_ =	shalt  }
0x6d: {  	_ =	shalt  }
0x6e: {  	_ =	shalt  }
0x6f: {  	_ =	shalt  }
0x70: {  	_ =	shalt  }
0x71: {  	_ =	shalt  }
0x72: {  	_ =	shalt  }
0x73: {  	_ =	shalt  }
0x74: {  	_ =	shalt  }
0x75: {  	_ =	shalt  }
0x76: {  	_ =	shalt  }
0x77: {  	_ =	shalt  }
0x78: {  	_ =	shalt  }
0x79: {  	_ =	shalt  }
0x7a: {  	_ =	shalt  }
0x7b: {  	_ =	shalt  }
0x7c: {  	_ =	shalt  }
0x7d: {  	_ =	shalt  }
0x7e: {  	_ =	shalt  }
0x7f: {  	_ =	shalt  }
0x80: {  	_ =	shalt  }
0x81: {  	_ =	shalt  }
0x82: {  	_ =	shalt  }
0x83: {  	_ =	shalt  }
0x84: {  	_ =	shalt  }
0x85: {  	_ =	shalt  }
0x86: {  	_ =	shalt  }
0x87: {  	_ =	shalt  }
.Lfunc_end0:
.L_simem_size_0:
called_computation.1_lowered:
.L_overlay_start_0:
0x88: {  	s2 =	sld [smem:$0x3FD9]  }
0x89: {  	s3 =	sld [smem:$0x3FFE];
	_ =	sdelay $0x1  }
0x8a: {  	s1 =	srdreg.scid  }
0x8b: {  	s0 =	sand.u32 $0x1, s1  }
0x8c: {  	s16 =	sshll.u32 s0, $0xA;
	s2 =	sadd.s32 s3, s2  }
0x8d: {  	s2 =	sadd.s32 s2, s16  }
0x8e: {  	[smem:$0x3FB1] =	sst s2  }
0x8f: {  	_ = 	snop  }
0x90: {  	(tm) =	ssettm $0x1  }
0x91: {  	s17 =	sld [smem:$0x3FFB];
	_ =	sdelay $0x3  }
0x92: {  	_ =	strace s17  }
0x93: {  	s2 =	sld [smem:$0x3FFC];
	_ =	sdelay $0x3  }
0x94: {  	_ =	strace s2  }
0x95: {  	s2 =	sld [smem:$0x3FFD];
	_ =	sdelay $0x3  }
0x96: {  	_ =	strace s2  }
0x97: {  	_ =	strace $0x8FFFFFFF  }
0x98: {  	s18 =	sld [smem:$0x3FDB];
	_ =	sdelay $0x1  }
0x99: {  	s19 =	simm.s32 $_scs_section_size  }
0x9a: {  	s4 =	simm.s32 $_size__tile_overlayer_lowered;
	s5 =	simm.s32 $_tile_overlayer_lowered  }
0x9b: {  	s22 =	simm.s32 $0x1BFF;
	s21 =	sshll.u32 s5, $0x1;
	s2 =	sadd.s32 s19, s18  }
0x9c: {  	s6 =	simm.s32 $0x0;
	s20 =	sshll.u32 s4, $0x1;
	s4 =	sadd.s32 s21, s2  }
0x9d: {  	[timem:s6], [sflag:s22] =	dma.local [hbm:s4], s20  }
0x9e: {  	_ =	swait.ge [sflag:s22], s20  }
0x9f: {  	s3 =	ssub.s32 $0x0, s20;
	[sflag:s22] =	ssyncset.done $0x0  }
0xa0: {  	[sflag:s22] =	ssyncadd.s32 s3;
	_ =	sdelay $0x1  }
0xa1: {  	s23 =	simm.s32 $0x1B8B  }
0xa2: {  	_ =	swait.ge [sflag:s23], $0x1  }
0xa3: {  	[sflag:s23] =	ssyncset.done $0x0  }
0xa4: {  	s25 =	simm.s32 $0x1B8E;
	s24 =	sld [smem:$0x3FFE];
	[sflag:s23] =	ssyncadd.s32 $0xFFFFFFFF  }
0xa5: {  	s26 =	simm.s32 $execute0_lowered;
	[smem:$0x3FD2] =	sst s25  }
0xa6: {  	s4 =	sshll.u32 s26, $0x1;
	_ =	strace $0x80000046;
	[dreg:$0x1] =	wrdreg $0xFFFFFFFF  }
0xa7: {  	s28 =	simm.s32 $_size_execute0_lowered;
	s2 =	sadd.s32 s2, s4;
	[dreg:$0x0] =	wrdreg $0x0  }
0xa8: {  	s4 =	sshll.u32 s28, $0x1;
	[dreg:$0x2] =	wrdreg s2  }
0xa9: {  	[dreg:$0x3] =	wrdreg s4  }
0xaa: {  	[dreg:$0x4] =	wrdreg $0xC0  }
0xab: {  	_ =	task [dreg:s6], $0x5FFFF  }
0xac: {  	[dreg:$0x1] =	wrdreg $0xFFFFFFFF  }
0xad: {  	[dreg:$0x0] =	wrdreg $0x60  }
0xae: {  	[dreg:$0x2] =	wrdreg s24  }
0xaf: {  	[dreg:$0x3] =	wrdreg $0xC3000  }
0xb0: {  	[dreg:$0x4] =	wrdreg $0xA  }
0xb1: {  	_ =	task.clear_ibuf [dreg:s6], $0x5FFFF;
	_ =	strace $0x90000046  }
0xb2: {  	s29 =	simm.s32 $0xA;
	_ =	strace $0x80000048  }
0xb3: {  	_ =	swait.ge [sflag:s29], $0x1  }
0xb4: {  	[sflag:s29] =	ssyncadd.s32 $0xFFFFFFFF  }
0xb5: {  	_ =	strace $0x90000048  }
0xb6: {  	_ =	sfence  }
0xb7: {  	s30 =	sld [smem:$0x0];
	_ =	sdelay $0x2  }
0xb8: {  	s31 =	sshll.u32 s1, $0xD;
	s1 =	sshrl.u32 s1, $0x2  }
0xb9: {  	s3 =	sand.u32 $0x4000, s31;
	s1 =	sadd.s32 s1, s30  }
0xba: {  	s0 =	sor.u32 s3, s0;
	s1 =	sshll.u32 s1, $0x11  }
0xbb: {  	s0 =	sor.u32 s1, s0  }
0xbc: {  	s0 =	sadd.s32 $0x8F2B, s0  }
0xbd: {  	[sflag:s0] =	ssyncadd.remote.s32 $0x1  }
0xbe: {  	_ =	sfence.sel $0xFFFF  }
0xbf: {  	[dreg:$0x0] =	wrdreg $0xFFFFFFFF;
	(pc) =	sbr.abs _section_cstart, $3  }
0xc0: {  	[dreg:$0x1] =	wrdreg $0xFFFFFFFF  }
0xc1: {  	_ =	task.clear_ibuf [dreg:s6], $0x2FFFF;
	_ =	strace $0x9FFFFFFF  }
0xc2: {  	(tm) =	ssettm $0x7FFFFFFF  }
0xc3: {  	_ =	shalt  }
tec
execute0_lowered:
.L_overlay_start_1:
0x0: {  	(tag) =	ssettag $0x1  }
0x1: {  	s0 =	rddreg [dreg:$0x0]  }
0x2: {  	s1 =	rddreg [dreg:$0x1]  }
0x3: {  	s3 =	simm.s32 $0x0;
	s11 =	stileid.u32;
	s2 =	srdreg.scid  }
0x4: {  	s28 =	simm.s32 $0x7;
	s29 =	simm.s32 $0x180;
	s30 =	simm.s32 $0x80  }
0x5: {  	s31 =	simm.s32 $0x1;
	[smem:$0x7FF] =	sst s3;
	s4 =	sadd.s32 $0x19000, s0  }
0x6: {  	s13 =	sadd.s32 $0x4000, s0;
	s5 =	smul.u32 $0x4E000, s11;
	s14 =	sadd.s32 $0xE800, s0  }
0x7: {  	s0 =	sadd.s32 $0x40200, s0;
	s2 =	sand.u32 $0x1, s2;
	s19 =	smul.u32 $0x13800, s11  }
0x8: {  	s12 =	sadd.s32 $0x138000, s1;
	s10 =	sadd.s32 $0x13C000, s1;
	s22 =	smul.u32 $0x2A00, s11  }
0x9: {  	p0 =	sne.s32 s11, $0xF;
	_ =	strace $0x80000047;
	[dreg:$0x9] =	wrdreg s10  }
0xa: {  	s6 =	ssub.s32 $0x2, s2;
	s17 =	smul.u32 $0x138800, s2;
	[dreg:$0x3] =	wrdreg s13  }
0xb: {  	s8 =	sshll.u32 s2, $0x4;
	s2 =	smul.u32 $0x2A000, s2;
	[dreg:$0x4] =	wrdreg s14  }
0xc: {  	s5 =	sshrl.u32 s5, $0x2;
	s9 =	sshrl.u32 s6, $0x1;
	s23 =	sor.u32 s11, s8  }
0xd: {  	s11 =	simm.s32 $0x4;
	s7 =	sadd.s32 s5, s1;
	s6 =	ssub.s32 s6, s9  }
0xe: {  	s5 =	smul.u32 $0x2A00, s23;
	s21 =	sadd.s32 s19, s17;
	s24 =	sadd.s32 $0x4000, s7  }
0xf: {  	s2 =	sadd.s32 s22, s2;
	s25 =	sadd.s32 $0x8000, s7;
	[dreg:$0x5] =	wrdreg s24  }
0x10: {  	s26 =	sadd.s32 $0xC000, s7;
	s9 =	sadd.s32 $0x10000, s7;
	[dreg:$0x6] =	wrdreg s25  }
0x11: {  	s23 =	sshrl.u32 s21, $0x3;
	s22 =	smax.u32 s6, $0x1;
	[dreg:$0x7] =	wrdreg s26  }
0x12: {  	[dreg:$0x8] =	wrdreg s9;
	s5 =	sshrl.u32 s5, $0x3;
	s24 =	sshrl.u32 s17, $0x3  }
0x13: {  	s25 =	sadd.s32 $0x280, s2;
	s26 =	sadd.s32 $0x200, s2;
	s2 =	sor.u32 $0x180, s2  }
0x14: {  	s9 =	simm.s32 $0x3;
	s15 =	sadd.s32 s13, s5;
	s16 =	sor.u32 $0x10, s5  }
0x15: {  	s10 =	sadd.s32 s14, s5;
	s5 =	sor.u32 $0x20, s5;
	[dreg:$0xa] =	wrdreg s15  }
0x16: {  	[dreg:$0xb] =	wrdreg s10;
	s18 =	sadd.s32 s13, s16;
	s8 =	sadd.s32 s14, s16  }
0x17: {  	s20 =	sadd.s32 s13, s5;
	s5 =	sadd.s32 s14, s5;
	[dreg:$0xc] =	wrdreg s18  }
0x18: {  	s10 =	simm.s32 $0x8300;
	s13 =	simm.s32 $0x6;
	[dreg:$0xd] =	wrdreg s8  }
.Ltmp0:
0x19: {  	s14 =	simm.s32 $0x0;
	[dreg:$0xe] =	wrdreg s20;
	(pc) =	sbr.rel .LBB2_1-.Ltmp0, $4  }
0x1a: {  	[dreg:$0xf] =	wrdreg s5;
	s5 =	sadd.s32 s0, s23;
	s0 =	sadd.s32 s0, s24  }
0x1b: {  	s23 =	sshrl.u32 s25, $0x3;
	s24 =	sshrl.u32 s26, $0x3;
	s25 =	sshrl.u32 s2, $0x3  }
0x1c: {  	s26 =	simm.s32 $0x300;
	s2 =	simm.s32 $0x280;
	s8 =	simm.s32 $0x2  }
0x1d: {  	v0 =	vimm.f32 $0.0e+00;
	[dreg:$0x10] =	wrdreg s5;
	s21 =	sadd.s32 $0x27000, s0;
	s0 =	simm.s32 $0x100  }
.LBB2_6:
0x1e: {  	s5 =	stileid.u32  }
0x1f: {  	[bflag:$0x0] =	sbarrier.arrive $0xFFFF;
	s5 =	sshll.u32 s5, $0x6  }
0x20: {  	s6 =	sshrl.u32 s7, $0x3;
	s15 =	rddreg [dreg:$0x10];
	s5 =	sor.u32 $0x1C07, s5  }
0x21: {  	[hbm:s15], [sflag:s5] =	dma.local [spmem:s6], $0x2700  }
0x22: {  	_ =	swait.ge [sflag:s28], $0x2700  }
0x23: {  	s14 =	sadd.s32 $0x1, s14;
	[sflag:s28] =	ssyncset.done $0x0  }
0x24: {  	p1 =	sne.s32 s14, s22;
	s6 =	sshrl.u32 @!p0 s12, $0x3;
	[sflag:s28] =	ssyncadd.s32 $0xFFFFD900  }
0x25: {  	[hbm:s21], [sflag:s5] =	dma.local @!p0 [spmem:s6], $0x100  }
.Ltmp1:
0x26: {  	_ = 	snop;
	(pc) =	sbr.rel @!p1 .LBB2_7-.Ltmp1, $4  }
0x27: {  	s5 =	simm.s32 @!p0 $0x7  }
0x28: {  	_ =	swait.ge @!p0 [sflag:s5], $0x100  }
0x29: {  	[sflag:s5] =	ssyncset.done @!p0 $0x0  }
0x2a: {  	[sflag:s5] =	ssyncadd.s32 @!p0 $0xFFFFFF00  }
.LBB2_1:
0x2b: {  	s5 =	sand.u32 $0xFE00, s3  }
0x2c: {  	s6 =	sand.u32 $0x70, s3;
	s15 =	sshrl.u32 s5, $0x2  }
0x2d: {  	s5 =	simm.s32 $0x40;
	s15 =	sor.u32 s6, s15;
	s6 =	simm.s32 $0x0  }
.LBB2_2:
0x2e: {  	p1 =	sne.s32 s5, $0xFFC0  }
0x2f: {  	[tilespmem:s15+$0x300] =	vst v0;
	s6 =	sadd.s32 $0x10, s6;
	s15 =	smov.u32 s5;
	s5 =	sadd.s32 $0x40, s5  }
.Ltmp2:
0x30: {  	(pc) =	sbr.rel @p1 .LBB2_2-.Ltmp2, $4  }
0x31: {  	_ = 	snop  }
0x32: {  	s15 =	sand.u32 $0xFE00, s15  }
0x33: {  	s17 =	sand.u32 $0x70, s6;
	s15 =	sshrl.u32 s15, $0x2  }
0x34: {  	s15 =	sor.u32 s17, s15  }
0x35: {  	[tilespmem:s15+$0x300] =	vst v0  }
0x36: {  	[spmem:s7] =	stream.linear.scatter [tilespmem:s26], [sflag:$0x7], $0x4000, $0x38;
	[tilespmem:$0x1FF80] =	vst v63  }
0x37: {  	_ =	swait.ge [sflag:s28], $0x4000  }
0x38: {  	[sflag:s28] =	ssyncset.done $0x0  }
0x39: {  	s5 =	rddreg [dreg:$0x5];
	[sflag:s28] =	ssyncadd.s32 $0xFFFFC000  }
0x3a: {  	[spmem:s5] =	stream.linear.scatter [tilespmem:s26], [sflag:$0x7], $0x4000, $0x38;
	[tilespmem:$0x1FF80] =	vst v63  }
0x3b: {  	_ =	swait.ge [sflag:s28], $0x4000  }
0x3c: {  	[sflag:s28] =	ssyncset.done $0x0  }
0x3d: {  	s17 =	rddreg [dreg:$0x6];
	[sflag:s28] =	ssyncadd.s32 $0xFFFFC000  }
0x3e: {  	[spmem:s17] =	stream.linear.scatter [tilespmem:s26], [sflag:$0x7], $0x4000, $0x38;
	[tilespmem:$0x1FF80] =	vst v63  }
0x3f: {  	_ =	swait.ge [sflag:s28], $0x4000  }
0x40: {  	[sflag:s28] =	ssyncset.done $0x0  }
0x41: {  	s18 =	rddreg [dreg:$0x7];
	[sflag:s28] =	ssyncadd.s32 $0xFFFFC000  }
0x42: {  	[spmem:s18] =	stream.linear.scatter [tilespmem:s26], [sflag:$0x7], $0x4000, $0x38;
	[tilespmem:$0x1FF80] =	vst v63  }
0x43: {  	_ =	swait.ge [sflag:s28], $0x4000  }
0x44: {  	[sflag:s28] =	ssyncset.done $0x0  }
0x45: {  	s19 =	rddreg [dreg:$0x8];
	[sflag:s28] =	ssyncadd.s32 $0xFFFFC000  }
0x46: {  	[spmem:s19] =	stream.linear.scatter [tilespmem:s26], [sflag:$0x7], $0x3800, $0x38;
	[tilespmem:$0x1FF80] =	vst v63  }
0x47: {  	_ =	swait.ge [sflag:s28], $0x3800  }
0x48: {  	[sflag:s28] =	ssyncset.done $0x0  }
0x49: {  	s6 =	simm.s32 @!p0 $0x7;
	s5 =	simm.s32 @!p0 $0x300;
	[sflag:s28] =	ssyncadd.s32 $0xFFFFC800  }
0x4a: {  	[spmem:s12] =	stream.linear.scatter @!p0 [tilespmem:s5], [sflag:$0x7], $0x4000, $0x38;
	[tilespmem:$0x1FF80] =	vst v63  }
0x4b: {  	_ =	swait.ge @!p0 [sflag:s6], $0x4000  }
0x4c: {  	[sflag:s6] =	ssyncset.done @!p0 $0x0  }
0x4d: {  	s15 =	rddreg [dreg:$0x9];
	[sflag:s6] =	ssyncadd.s32 @!p0 $0xFFFFC000  }
0x4e: {  	[spmem:s15] =	stream.linear.scatter @!p0 [tilespmem:s5], [sflag:$0x7], $0x800, $0x38;
	[tilespmem:$0x1FF80] =	vst v63  }
0x4f: {  	_ =	swait.ge @!p0 [sflag:s6], $0x800  }
0x50: {  	[sflag:s6] =	ssyncset.done @!p0 $0x0  }
0x51: {  	s20 =	rddreg [dreg:$0xa];
	[sflag:s6] =	ssyncadd.s32 @!p0 $0xFFFFF800  }
0x52: {  	[tilespmem:s3], [sflag:$0x1] =	stream.linear.gather [hbm4b:s20+s3], $0x80, $0x38;
	[tilespmem:$0x1FF80] =	vst v63  }
0x53: {  	s6 =	rddreg [dreg:$0xb]  }
0x54: {  	[tilespmem:s29], [sflag:$0x1] =	stream.linear.gather [hbm4b:s6+s3], $0x80, $0x38;
	[tilespmem:$0x1FF80] =	vst v63  }
0x55: {  	s15 =	rddreg [dreg:$0xc]  }
0x56: {  	[tilespmem:s30], [sflag:$0x2] =	stream.linear.gather [hbm4b:s15+s3], $0x80, $0x38;
	[tilespmem:$0x1FF80] =	vst v63  }
0x57: {  	s17 =	simm.s32 $0x200;
	s16 =	rddreg [dreg:$0xd]  }
0x58: {  	[tilespmem:s17], [sflag:$0x2] =	stream.linear.gather [hbm4b:s16+s3], $0x80, $0x38;
	[tilespmem:$0x1FF80] =	vst v63  }
0x59: {  	s18 =	rddreg [dreg:$0xe]  }
0x5a: {  	[tilespmem:s0], [sflag:$0x3] =	stream.linear.gather [hbm4b:s18+s3], $0x80, $0x38;
	[tilespmem:$0x1FF80] =	vst v63  }
0x5b: {  	s19 =	rddreg [dreg:$0xf]  }
0x5c: {  	[tilespmem:s2], [sflag:$0x3] =	stream.linear.gather [hbm4b:s19+s3], $0x80, $0x38;
	[tilespmem:$0x1FF80] =	vst v63  }
0x5d: {  	_ =	swait.ge [sflag:s31], $0x80  }
0x5e: {  	[sflag:s31] =	ssyncset.done $0x0  }
0x5f: {  	[sflag:s31] =	ssyncadd.s32 $0xFFFFFF80  }
0x60: {  	_ =	swait.ge [sflag:s31], $0x80  }
0x61: {  	[sflag:s31] =	ssyncset.done $0x0  }
0x62: {  	[sflag:s31] =	ssyncadd.s32 $0xFFFFFF80  }
0x63: {  	[tilespmem:s26], [sflag:$0x4] =	stream.indirect.gather [hbm4b:s4+s30], $0x80, s3, s30, $0xb8;
	[tilespmem:$0x1FF80] =	vst v63  }
0x64: {  	_ =	swait.ge [sflag:s8], $0x80  }
0x65: {  	[sflag:s8] =	ssyncset.done $0x0  }
0x66: {  	[sflag:s8] =	ssyncadd.s32 $0xFFFFFF80  }
0x67: {  	_ =	swait.ge [sflag:s8], $0x80  }
0x68: {  	[sflag:s8] =	ssyncset.done $0x0  }
0x69: {  	s20 =	simm.s32 $0x4300;
	[sflag:s8] =	ssyncadd.s32 $0xFFFFFF80  }
0x6a: {  	[tilespmem:s20], [sflag:$0x5] =	stream.indirect.gather [hbm4b:s4+s30], $0x80, s30, s30, $0xb8;
	[tilespmem:$0x1FF80] =	vst v63  }
0x6b: {  	[bflag:$0x0] =	sbarrier.arrive $0xFFFF  }
0x6c: {  	s5 =	rddreg [dreg:$0x3]  }
0x6d: {  	s15 =	simm.s32 $0x1B;
	s6 =	rddreg [dreg:$0x4]  }
.LBB2_4:
0x6e: {  	_ =	swait.ge [sflag:s9], $0x80  }
0x6f: {  	[sflag:s9] =	ssyncset.done $0x0  }
0x70: {  	[sflag:s9] =	ssyncadd.s32 $0xFFFFFF80  }
0x71: {  	_ =	swait.ge [sflag:s9], $0x80  }
0x72: {  	[sflag:s9] =	ssyncset.done $0x0  }
0x73: {  	[sflag:s9] =	ssyncadd.s32 $0xFFFFFF80  }
0x74: {  	[tilespmem:s10], [sflag:$0x6] =	stream.indirect.gather [hbm4b:s4+s30], $0x80, s0, s30, $0xb8;
	[tilespmem:$0x1FF80] =	vst v63  }
0x75: {  	_ =	swait.ge [sflag:s11], $0x4000  }
0x76: {  	[sflag:s11] =	ssyncset.done $0x0  }
0x77: {  	[sflag:s11] =	ssyncadd.s32 $0xFFFFC000  }
0x78: {  	[spmem:s1] =	stream.indirect.scatter.add.f32 [tilespmem:s26], [sflag:$0x7], $0x80, s29, s30, $0xb8;
	[tilespmem:$0x1FF80] =	vst v63  }
0x79: {  	_ =	swait.ge [sflag:s28], $0x4000  }
0x7a: {  	p1 =	seq.s32 s15, $0x0;
	[sflag:s28] =	ssyncset.done $0x0  }
0x7b: {  	s17 =	simm.s32 @p1 $0x5;
	[sflag:s28] =	ssyncadd.s32 $0xFFFFC000  }
0x7c: {  	_ =	swait.ge @p1 [sflag:s17], $0x4000  }
0x7d: {  	s16 =	simm.s32 @p1 $0x200;
	[sflag:s17] =	ssyncset.done @p1 $0x0  }
0x7e: {  	s18 =	simm.s32 @p1 $0x4300;
	[sflag:s17] =	ssyncadd.s32 @p1 $0xFFFFC000;
	s17 =	simm.s32 @p1 $0x80  }
0x7f: {  	[spmem:s1] =	stream.indirect.scatter.add.f32 @p1 [tilespmem:s18], [sflag:$0x7], $0x80, s16, s17, $0xb8;
	[tilespmem:$0x1FF80] =	vst v63  }
0x80: {  	s16 =	simm.s32 @p1 $0x7  }
0x81: {  	_ =	swait.ge @p1 [sflag:s16], $0x4000  }
0x82: {  	[sflag:s16] =	ssyncset.done @p1 $0x0  }
0x83: {  	s17 =	simm.s32 @!p1 $0x0;
	[sflag:s16] =	ssyncadd.s32 @p1 $0xFFFFC000;
	s16 =	sadd.s32 @!p1 s5, s25  }
0x84: {  	[tilespmem:s17], [sflag:$0x1] =	stream.linear.gather @!p1 [hbm4b:s16+s17], $0x80, $0x38;
	[tilespmem:$0x1FF80] =	vst v63  }
0x85: {  	s18 =	simm.s32 @!p1 $0x180;
	s16 =	sadd.s32 @!p1 s6, s25  }
0x86: {  	[tilespmem:s18], [sflag:$0x1] =	stream.linear.gather @!p1 [hbm4b:s16+s17], $0x80, $0x38;
	[tilespmem:$0x1FF80] =	vst v63  }
0x87: {  	s16 =	simm.s32 @!p1 $0x1  }
0x88: {  	_ =	swait.ge @!p1 [sflag:s16], $0x80  }
0x89: {  	[sflag:s16] =	ssyncset.done @!p1 $0x0  }
0x8a: {  	[sflag:s16] =	ssyncadd.s32 @!p1 $0xFFFFFF80  }
0x8b: {  	_ =	swait.ge @!p1 [sflag:s16], $0x80  }
0x8c: {  	[sflag:s16] =	ssyncset.done @!p1 $0x0  }
0x8d: {  	s18 =	simm.s32 @!p1 $0x300;
	[sflag:s16] =	ssyncadd.s32 @!p1 $0xFFFFFF80;
	s16 =	simm.s32 @!p1 $0x80  }
0x8e: {  	[tilespmem:s18], [sflag:$0x4] =	stream.indirect.gather @!p1 [hbm4b:s4+s16], $0x80, s17, s16, $0xb8;
	[tilespmem:$0x1FF80] =	vst v63  }
0x8f: {  	s18 =	simm.s32 @!p1 $0x5  }
0x90: {  	_ =	swait.ge @!p1 [sflag:s18], $0x4000  }
0x91: {  	s19 =	simm.s32 @!p1 $0x4300;
	[sflag:s18] =	ssyncset.done @!p1 $0x0  }
0x92: {  	s20 =	simm.s32 @!p1 $0x7;
	[sflag:s18] =	ssyncadd.s32 @!p1 $0xFFFFC000;
	s18 =	simm.s32 @!p1 $0x200  }
0x93: {  	[spmem:s1] =	stream.indirect.scatter.add.f32 @!p1 [tilespmem:s19], [sflag:$0x7], $0x80, s18, s16, $0xb8;
	[tilespmem:$0x1FF80] =	vst v63  }
0x94: {  	_ =	swait.ge @!p1 [sflag:s20], $0x4000  }
0x95: {  	[sflag:s20] =	ssyncset.done @!p1 $0x0  }
0x96: {  	[sflag:s20] =	ssyncadd.s32 @!p1 $0xFFFFC000;
	s20 =	sadd.s32 @!p1 s5, s24  }
0x97: {  	[tilespmem:s16], [sflag:$0x2] =	stream.linear.gather @!p1 [hbm4b:s20+s17], $0x80, $0x38;
	[tilespmem:$0x1FF80] =	vst v63  }
0x98: {  	s20 =	sadd.s32 @!p1 s6, s24  }
0x99: {  	[tilespmem:s18], [sflag:$0x2] =	stream.linear.gather @!p1 [hbm4b:s20+s17], $0x80, $0x38;
	[tilespmem:$0x1FF80] =	vst v63  }
0x9a: {  	s17 =	simm.s32 @!p1 $0x2  }
0x9b: {  	_ =	swait.ge @!p1 [sflag:s17], $0x80  }
0x9c: {  	[sflag:s17] =	ssyncset.done @!p1 $0x0  }
0x9d: {  	[sflag:s17] =	ssyncadd.s32 @!p1 $0xFFFFFF80  }
0x9e: {  	_ =	swait.ge @!p1 [sflag:s17], $0x80  }
0x9f: {  	[sflag:s17] =	ssyncset.done @!p1 $0x0  }
0xa0: {  	[sflag:s17] =	ssyncadd.s32 @!p1 $0xFFFFFF80  }
0xa1: {  	[tilespmem:s19], [sflag:$0x5] =	stream.indirect.gather @!p1 [hbm4b:s4+s16], $0x80, s16, s16, $0xb8;
	[tilespmem:$0x1FF80] =	vst v63  }
0xa2: {  	_ =	swait.ge [sflag:s13], $0x4000  }
0xa3: {  	[sflag:s13] =	ssyncset.done $0x0  }
.Ltmp3:
0xa4: {  	[sflag:s13] =	ssyncadd.s32 $0xFFFFC000;
	(pc) =	sbr.rel @p1 .LBB2_6-.Ltmp3, $4  }
0xa5: {  	[spmem:s1] =	stream.indirect.scatter.add.f32 [tilespmem:s10], [sflag:$0x7], $0x80, s2, s30, $0xb8;
	[tilespmem:$0x1FF80] =	vst v63  }
0xa6: {  	_ =	swait.ge [sflag:s28], $0x4000  }
0xa7: {  	[sflag:s28] =	ssyncset.done $0x0  }
0xa8: {  	[sflag:s28] =	ssyncadd.s32 $0xFFFFC000  }
.Ltmp4:
0xa9: {  	(pc) =	sbr.rel .LBB2_4-.Ltmp4, $4  }
0xaa: {  	s16 =	sadd.s32 s5, s23;
	s20 =	sadd.s32 s6, s23  }
0xab: {  	[tilespmem:s0], [sflag:$0x3] =	stream.linear.gather [hbm4b:s16+s3], $0x80, $0x38;
	[tilespmem:$0x1FF80] =	vst v63  }
0xac: {  	s6 =	sadd.s32 $0x30, s6;
	s5 =	sadd.s32 $0x30, s5;
	s15 =	sadd.s32 $0xFFFFFFFF, s15  }
0xad: {  	[tilespmem:s2], [sflag:$0x3] =	stream.linear.gather [hbm4b:s20+s3], $0x80, $0x38;
	[tilespmem:$0x1FF80] =	vst v63  }
.LBB2_7:
0xae: {  	_ =	sfence.sel $0x180000  }
0xaf: {  	[bflag:$0x0] =	sbarrier.arrive $0xFFFF  }
0xb0: {  	_ =	strace $0x90000047  }
0xb1: {  	s0 =	stileid.u32;
	[bflag:$0x2] =	sbarrier.arrive $0xFFFF  }
0xb2: {  	p0 =	sne.s32 s0, $0x0;
	s0 =	rddreg [dreg:$0x2]  }
0xb3: {  	s0 =	sadd.s32 @!p0 $0x100000, s0  }
0xb4: {  	[sflag:s0] =	ssyncadd.tile.s32 @!p0 $0x1;
	_ =	shalt  }
.Lfunc_end2:
_tile_overlayer_lowered:
.L_overlay_start_2:
0xb5: {  	(tag) =	ssettag $0x2  }
0xb6: {  	s0 =	rddreg [dreg:$0x0];
	s2 =	stileid.u32  }
0xb7: {  	s1 =	rddreg [dreg:$0x1];
	p0 =	sne.s32 s2, $0x0  }
0xb8: {  	s3 =	rddreg [dreg:$0x2];
	[bflag:$0x3] =	sbarrier.arrive $0xFFFF;
	s2 =	simm.s32 @!p0 $0x1C07  }
0xb9: {  	[timem:s3], [sflag:s2] =	dma.local @!p0 [hbm:s0], s1  }
0xba: {  	s0 =	simm.s32 @!p0 $0x7  }
0xbb: {  	_ =	swait.ge @!p0 [sflag:s0], s1  }
0xbc: {  	s1 =	ssub.s32 @!p0 $0x0, s1;
	[sflag:s0] =	ssyncset.done @!p0 $0x0  }
0xbd: {  	[sflag:s0] =	ssyncadd.s32 @!p0 s1  }
0xbe: {  	[bflag:$0x3] =	sbarrier.arrive $0xFFFF  }
0xbf: {  	_ =	shalt  }

// kernel: kernel.14.cloned.1.call-start
scs
__scs_entry_jumppad:
0x0: {  	(pc) =	sbr.rel $0x88, $3  }
0x1: {  	(tag) =	ssettag $0x0;
	lr =	simm.s32 $0x1  }
0x2: {  	[smem:$0x3F8A] =	sst lr;
	_ =	strace $0xD0000000  }
0x3: {  	_ = 	snop  }
0x4: {  	_ = 	snop  }
0x5: {  	_ = 	snop  }
0x6: {  	_ = 	snop  }
0x7: {  	_ = 	snop  }
__scs_overlays_trampoline_lowered:
0x8: {  	[smem:$0x3F99] =	sst s0  }
0x9: {  	[smem:$0x3F9A] =	sst s1  }
0xa: {  	[smem:$0x3F9B] =	sst s2  }
0xb: {  	[smem:$0x3F9C] =	sst s3  }
0xc: {  	[smem:$0x3F9D] =	sst s4  }
0xd: {  	[smem:$0x3F9E] =	sst s5  }
0xe: {  	[smem:$0x3F9F] =	sst s6  }
0xf: {  	[smem:$0x3FA0] =	sst s7  }
0x10: {  	[smem:$0x3FA1] =	sst s8  }
0x11: {  	[smem:$0x3FA2] =	sst s9;
	s0 =	simm.s32 @!p0 $0x0  }
0x12: {  	s1 =	sld [smem:$0x3F88];
	s0 =	simm.s32 @p0 $0x1  }
0x13: {  	[smem:$0x3FA3] =	sst s0;
	s0 =	simm.s32 @!p1 $0x0  }
0x14: {  	s2 =	sld [smem:$0x3F87];
	s0 =	simm.s32 @p1 $0x1  }
0x15: {  	[smem:$0x3FA4] =	sst s0;
	s0 =	simm.s32 @!p2 $0x0  }
0x16: {  	s3 =	sld [smem:$0x3FDB];
	s0 =	simm.s32 @p2 $0x1  }
0x17: {  	s4 =	simm.s32 $0x1BF5;
	[smem:$0x3FA6] =	sst s0  }
0x18: {  	s0 =	sld [smem:$0x3F89];
	_ =	swait.ge [sflag:s4], $0x0  }
0x19: {  	s7 =	sld [smem:$0x3F8A]  }
0x1a: {  	s8 =	sadd.s32 $0xFFFFE003, lr  }
0x1b: {  	s9 =	sadd.s32 $0xFFFFFEF7, lr;
	s5 =	simm.s32 $0xFFFFFFFF;
	p2 =	slt.u32 s8, $0xFFFFF086  }
0x1c: {  	p1 =	slt.u32 s9, $0xF7A;
	s5 =	simm.s32 @!p2 $0x0  }
0x1d: {  	s5 =	simm.s32 @p1 $0x1;
	p0 =	seq.s32 s7, s2  }
0x1e: {  	s7 =	smul.u32 @!p0 $0xF7A, s2;
	p2 =	seq.s32 @!p0 s5, $0x0  }
0x1f: {  	s9 =	smul.u32 $0xF7A, s1;
	s8 =	simm.s32 @!p0 $0x1BF5;
	p2 =	por !p2, p0  }
0x20: {  	[sflag:s8] =	ssyncset.s32 @!p0 $0xFFFFF086;
	s6 =	sadd.s32 @!p0 s3, s7;
	s7 =	simm.s32 @!p0 $0x108  }
0x21: {  	s3 =	sadd.s32 s3, s9;
	s6 =	sadd.s32 @!p0 $0x88, s6;
	s7 =	simm.s32 @p2 $0x1082  }
0x22: {  	[simem:s7], [sflag:s8] =	dma.local @!p0 [hbm:s6], $0xF7A  }
0x23: {  	s9 =	sor.u32 $0xD0000000, s2;
	s6 =	simm.s32 $0x108;
	_ =	swait.ge @!p0 [sflag:s8], $0x0  }
0x24: {  	s3 =	sadd.s32 $0x88, s3;
	s6 =	simm.s32 @!p1 $0x1082;
	[sflag:s4] =	ssyncset.s32 $0xFFFFF086  }
0x25: {  	[simem:s6], [sflag:s4] =	dma.local [hbm:s3], $0xF7A  }
0x26: {  	[smem:$0x3F8A] =	sst s1;
	(tag) =	ssettag s2;
	_ =	strace s9  }
0x27: {  	s1 =	sld [smem:$0x3F9A]  }
0x28: {  	s2 =	sld [smem:$0x3F9B]  }
0x29: {  	s4 =	sld [smem:$0x3F9D]  }
0x2a: {  	p0 =	seq.s32 s5, $0x0;
	s5 =	sld [smem:$0x3F9E]  }
0x2b: {  	s6 =	sld [smem:$0x3F9F]  }
0x2c: {  	s7 =	sld [smem:$0x3FA0]  }
0x2d: {  	s3 =	simm.s32 $0x108;
	s8 =	sld [smem:$0x3FA1]  }
0x2e: {  	s3 =	simm.s32 @!p0 $0x1082;
	s9 =	sld [smem:$0x3FA2]  }
0x2f: {  	lr =	sadd.s32 s0, s3;
	s0 =	sld [smem:$0x3F99]  }
0x30: {  	s3 =	sld [smem:$0x3F9C]  }
0x31: {  	[smem:$0x3FA5] =	sst s10  }
0x32: {  	s10 =	sld [smem:$0x3FA3];
	_ =	sdelay $0x3  }
0x33: {  	p0 =	seq.s32 s10, $0x1;
	s10 =	sld [smem:$0x3FA5];
	_ =	sdelay $0x3  }
0x34: {  	[smem:$0x3FA5] =	sst s10  }
0x35: {  	s10 =	sld [smem:$0x3FA4];
	_ =	sdelay $0x3  }
0x36: {  	p1 =	seq.s32 s10, $0x1;
	s10 =	sld [smem:$0x3FA5];
	_ =	sdelay $0x3  }
0x37: {  	[smem:$0x3FA5] =	sst s10  }
0x38: {  	s10 =	sld [smem:$0x3FA6]  }
0x39: {  	_ = 	snop;
	(pc) =	sbr.ind lr, $3  }
0x3a: {  	_ = 	snop  }
0x3b: {  	_ = 	snop  }
0x3c: {  	p2 =	seq.s32 s10, $0x1;
	s10 =	sld [smem:$0x3FA5]  }
0x3d: {  	_ =	shalt  }
0x3e: {  	_ =	shalt  }
0x3f: {  	_ =	shalt  }
0x40: {  	_ =	shalt  }
0x41: {  	_ =	shalt  }
0x42: {  	_ =	shalt  }
0x43: {  	_ =	shalt  }
0x44: {  	_ =	shalt  }
0x45: {  	_ =	shalt  }
0x46: {  	_ =	shalt  }
0x47: {  	_ =	shalt  }
0x48: {  	_ =	shalt  }
0x49: {  	_ =	shalt  }
0x4a: {  	_ =	shalt  }
0x4b: {  	_ =	shalt  }
0x4c: {  	_ =	shalt  }
0x4d: {  	_ =	shalt  }
0x4e: {  	_ =	shalt  }
0x4f: {  	_ =	shalt  }
0x50: {  	_ =	shalt  }
0x51: {  	_ =	shalt  }
0x52: {  	_ =	shalt  }
0x53: {  	_ =	shalt  }
0x54: {  	_ =	shalt  }
0x55: {  	_ =	shalt  }
0x56: {  	_ =	shalt  }
0x57: {  	_ =	shalt  }
0x58: {  	_ =	shalt  }
0x59: {  	_ =	shalt  }
0x5a: {  	_ =	shalt  }
0x5b: {  	_ =	shalt  }
0x5c: {  	_ =	shalt  }
0x5d: {  	_ =	shalt  }
0x5e: {  	_ =	shalt  }
0x5f: {  	_ =	shalt  }
0x60: {  	_ =	shalt  }
0x61: {  	_ =	shalt  }
0x62: {  	_ =	shalt  }
0x63: {  	_ =	shalt  }
0x64: {  	_ =	shalt  }
0x65: {  	_ =	shalt  }
0x66: {  	_ =	shalt  }
0x67: {  	_ =	shalt  }
0x68: {  	_ =	shalt  }
0x69: {  	_ =	shalt  }
0x6a: {  	_ =	shalt  }
0x6b: {  	_ =	shalt  }
0x6c: {  	_ =	shalt  }
0x6d: {  	_ =	shalt  }
0x6e: {  	_ =	shalt  }
0x6f: {  	_ =	shalt  }
0x70: {  	_ =	shalt  }
0x71: {  	_ =	shalt  }
0x72: {  	_ =	shalt  }
0x73: {  	_ =	shalt  }
0x74: {  	_ =	shalt  }
0x75: {  	_ =	shalt  }
0x76: {  	_ =	shalt  }
0x77: {  	_ =	shalt  }
0x78: {  	_ =	shalt  }
0x79: {  	_ =	shalt  }
0x7a: {  	_ =	shalt  }
0x7b: {  	_ =	shalt  }
0x7c: {  	_ =	shalt  }
0x7d: {  	_ =	shalt  }
0x7e: {  	_ =	shalt  }
0x7f: {  	_ =	shalt  }
0x80: {  	_ =	shalt  }
0x81: {  	_ =	shalt  }
0x82: {  	_ =	shalt  }
0x83: {  	_ =	shalt  }
0x84: {  	_ =	shalt  }
0x85: {  	_ =	shalt  }
0x86: {  	_ =	shalt  }
0x87: {  	_ =	shalt  }
.Lfunc_end0:
.L_simem_size_0:
called_computation.2_lowered:
.L_overlay_start_0:
0x88: {  	s2 =	sld [smem:$0x3FD9]  }
0x89: {  	s3 =	sld [smem:$0x3FFE];
	_ =	sdelay $0x1  }
0x8a: {  	s1 =	srdreg.scid  }
0x8b: {  	s0 =	sand.u32 $0x1, s1  }
0x8c: {  	s16 =	sshll.u32 s0, $0xA;
	s2 =	sadd.s32 s3, s2  }
0x8d: {  	s2 =	sadd.s32 s2, s16  }
0x8e: {  	[smem:$0x3FB1] =	sst s2  }
0x8f: {  	_ = 	snop  }
0x90: {  	(tm) =	ssettm $0x1  }
0x91: {  	s17 =	sld [smem:$0x3FFB];
	_ =	sdelay $0x3  }
0x92: {  	_ =	strace s17  }
0x93: {  	s2 =	sld [smem:$0x3FFC];
	_ =	sdelay $0x3  }
0x94: {  	_ =	strace s2  }
0x95: {  	s2 =	sld [smem:$0x3FFD];
	_ =	sdelay $0x3  }
0x96: {  	_ =	strace s2  }
0x97: {  	_ =	strace $0x8FFFFFFF  }
0x98: {  	s18 =	sld [smem:$0x3FDB];
	_ =	sdelay $0x1  }
0x99: {  	s19 =	simm.s32 $_scs_section_size  }
0x9a: {  	s4 =	simm.s32 $_size__tile_overlayer_lowered;
	s5 =	simm.s32 $_tile_overlayer_lowered  }
0x9b: {  	s22 =	simm.s32 $0x1BFF;
	s21 =	sshll.u32 s5, $0x1;
	s2 =	sadd.s32 s19, s18  }
0x9c: {  	s6 =	simm.s32 $0x0;
	s20 =	sshll.u32 s4, $0x1;
	s4 =	sadd.s32 s21, s2  }
0x9d: {  	[timem:s6], [sflag:s22] =	dma.local [hbm:s4], s20  }
0x9e: {  	_ =	swait.ge [sflag:s22], s20  }
0x9f: {  	s3 =	ssub.s32 $0x0, s20;
	[sflag:s22] =	ssyncset.done $0x0  }
0xa0: {  	[sflag:s22] =	ssyncadd.s32 s3;
	_ =	sdelay $0x1  }
0xa1: {  	s23 =	simm.s32 $0x1B8B  }
0xa2: {  	_ =	swait.ge [sflag:s23], $0x1  }
0xa3: {  	[sflag:s23] =	ssyncset.done $0x0  }
0xa4: {  	s25 =	simm.s32 $0x1B8E;
	s24 =	sld [smem:$0x3FFE];
	[sflag:s23] =	ssyncadd.s32 $0xFFFFFFFF  }
0xa5: {  	s26 =	simm.s32 $execute0_lowered;
	[smem:$0x3FD2] =	sst s25  }
0xa6: {  	s4 =	sshll.u32 s26, $0x1;
	_ =	strace $0x8000004C;
	[dreg:$0x1] =	wrdreg $0xFFFFFFFF  }
0xa7: {  	s28 =	simm.s32 $_size_execute0_lowered;
	s2 =	sadd.s32 s2, s4;
	[dreg:$0x0] =	wrdreg $0x0  }
0xa8: {  	s4 =	sshll.u32 s28, $0x1;
	[dreg:$0x2] =	wrdreg s2  }
0xa9: {  	[dreg:$0x3] =	wrdreg s4  }
0xaa: {  	[dreg:$0x4] =	wrdreg $0xC0  }
0xab: {  	_ =	task [dreg:s6], $0x5FFFF  }
0xac: {  	[dreg:$0x1] =	wrdreg $0xFFFFFFFF  }
0xad: {  	[dreg:$0x0] =	wrdreg $0x60  }
0xae: {  	[dreg:$0x2] =	wrdreg s24  }
0xaf: {  	[dreg:$0x3] =	wrdreg $0xC3000  }
0xb0: {  	[dreg:$0x4] =	wrdreg $0x9  }
0xb1: {  	_ =	task.clear_ibuf [dreg:s6], $0x5FFFF;
	_ =	strace $0x9000004C  }
0xb2: {  	s29 =	simm.s32 $0x9;
	_ =	strace $0x8000004E  }
0xb3: {  	_ =	swait.ge [sflag:s29], $0x1  }
0xb4: {  	[sflag:s29] =	ssyncadd.s32 $0xFFFFFFFF  }
0xb5: {  	_ =	strace $0x9000004E  }
0xb6: {  	_ =	sfence  }
0xb7: {  	s30 =	sld [smem:$0x0];
	_ =	sdelay $0x2  }
0xb8: {  	s31 =	sshll.u32 s1, $0xD;
	s1 =	sshrl.u32 s1, $0x2  }
0xb9: {  	s3 =	sand.u32 $0x4000, s31;
	s1 =	sadd.s32 s1, s30  }
0xba: {  	s0 =	sor.u32 s3, s0;
	s1 =	sshll.u32 s1, $0x11  }
0xbb: {  	s0 =	sor.u32 s1, s0  }
0xbc: {  	s0 =	sadd.s32 $0x8F2B, s0  }
0xbd: {  	[sflag:s0] =	ssyncadd.remote.s32 $0x1  }
0xbe: {  	_ =	sfence.sel $0xFFFF  }
0xbf: {  	[dreg:$0x0] =	wrdreg $0xFFFFFFFF;
	(pc) =	sbr.abs _section_cstart, $3  }
0xc0: {  	[dreg:$0x1] =	wrdreg $0xFFFFFFFF  }
0xc1: {  	_ =	task.clear_ibuf [dreg:s6], $0x2FFFF;
	_ =	strace $0x9FFFFFFF  }
0xc2: {  	(tm) =	ssettm $0x7FFFFFFF  }
0xc3: {  	_ =	shalt  }
tec
execute0_lowered:
.L_overlay_start_1:
0x0: {  	(tag) =	ssettag $0x1  }
0x1: {  	s0 =	rddreg [dreg:$0x0]  }
0x2: {  	s1 =	rddreg [dreg:$0x1]  }
0x3: {  	s3 =	simm.s32 $0x0;
	s11 =	stileid.u32;
	s2 =	srdreg.scid  }
0x4: {  	s28 =	simm.s32 $0x7;
	s29 =	simm.s32 $0x180;
	s30 =	simm.s32 $0x80  }
0x5: {  	s31 =	simm.s32 $0x1;
	[smem:$0x7FF] =	sst s3;
	s4 =	sadd.s32 $0x19000, s0  }
0x6: {  	s13 =	sadd.s32 $0x4000, s0;
	s5 =	smul.u32 $0x4E000, s11;
	s14 =	sadd.s32 $0xE800, s0  }
0x7: {  	s0 =	sadd.s32 $0x67400, s0;
	s2 =	sand.u32 $0x1, s2;
	s19 =	smul.u32 $0x13800, s11  }
0x8: {  	s12 =	sadd.s32 $0x138000, s1;
	s10 =	sadd.s32 $0x13C000, s1;
	s22 =	smul.u32 $0x2A00, s11  }
0x9: {  	p0 =	sne.s32 s11, $0xF;
	_ =	strace $0x8000004D;
	[dreg:$0x9] =	wrdreg s10  }
0xa: {  	s6 =	ssub.s32 $0x2, s2;
	s17 =	smul.u32 $0x138800, s2;
	[dreg:$0x3] =	wrdreg s13  }
0xb: {  	s8 =	sshll.u32 s2, $0x4;
	s2 =	smul.u32 $0x2A000, s2;
	[dreg:$0x4] =	wrdreg s14  }
0xc: {  	s5 =	sshrl.u32 s5, $0x2;
	s9 =	sshrl.u32 s6, $0x1;
	s23 =	sor.u32 s11, s8  }
0xd: {  	s11 =	simm.s32 $0x4;
	s7 =	sadd.s32 s5, s1;
	s6 =	ssub.s32 s6, s9  }
0xe: {  	s5 =	smul.u32 $0x2A00, s23;
	s21 =	sadd.s32 s19, s17;
	s24 =	sadd.s32 $0x4000, s7  }
0xf: {  	s2 =	sadd.s32 s22, s2;
	s25 =	sadd.s32 $0x8000, s7;
	[dreg:$0x5] =	wrdreg s24  }
0x10: {  	s26 =	sadd.s32 $0xC000, s7;
	s9 =	sadd.s32 $0x10000, s7;
	[dreg:$0x6] =	wrdreg s25  }
0x11: {  	s23 =	sshrl.u32 s21, $0x3;
	s22 =	smax.u32 s6, $0x1;
	[dreg:$0x7] =	wrdreg s26  }
0x12: {  	[dreg:$0x8] =	wrdreg s9;
	s5 =	sshrl.u32 s5, $0x3;
	s24 =	sshrl.u32 s17, $0x3  }
0x13: {  	s25 =	sadd.s32 $0x280, s2;
	s26 =	sadd.s32 $0x200, s2;
	s2 =	sor.u32 $0x180, s2  }
0x14: {  	s9 =	simm.s32 $0x3;
	s15 =	sadd.s32 s13, s5;
	s16 =	sor.u32 $0x10, s5  }
0x15: {  	s10 =	sadd.s32 s14, s5;
	s5 =	sor.u32 $0x20, s5;
	[dreg:$0xa] =	wrdreg s15  }
0x16: {  	[dreg:$0xb] =	wrdreg s10;
	s18 =	sadd.s32 s13, s16;
	s8 =	sadd.s32 s14, s16  }
0x17: {  	s20 =	sadd.s32 s13, s5;
	s5 =	sadd.s32 s14, s5;
	[dreg:$0xc] =	wrdreg s18  }
0x18: {  	s10 =	simm.s32 $0x8300;
	s13 =	simm.s32 $0x6;
	[dreg:$0xd] =	wrdreg s8  }
.Ltmp0:
0x19: {  	s14 =	simm.s32 $0x0;
	[dreg:$0xe] =	wrdreg s20;
	(pc) =	sbr.rel .LBB2_1-.Ltmp0, $4  }
0x1a: {  	[dreg:$0xf] =	wrdreg s5;
	s5 =	sadd.s32 s0, s23;
	s0 =	sadd.s32 s0, s24  }
0x1b: {  	s23 =	sshrl.u32 s25, $0x3;
	s24 =	sshrl.u32 s26, $0x3;
	s25 =	sshrl.u32 s2, $0x3  }
0x1c: {  	s26 =	simm.s32 $0x300;
	s2 =	simm.s32 $0x280;
	s8 =	simm.s32 $0x2  }
0x1d: {  	v0 =	vimm.f32 $0.0e+00;
	[dreg:$0x10] =	wrdreg s5;
	s21 =	sadd.s32 $0x27000, s0;
	s0 =	simm.s32 $0x100  }
.LBB2_6:
0x1e: {  	s5 =	stileid.u32  }
0x1f: {  	[bflag:$0x0] =	sbarrier.arrive $0xFFFF;
	s5 =	sshll.u32 s5, $0x6  }
0x20: {  	s6 =	sshrl.u32 s7, $0x3;
	s15 =	rddreg [dreg:$0x10];
	s5 =	sor.u32 $0x1C07, s5  }
0x21: {  	[hbm:s15], [sflag:s5] =	dma.local [spmem:s6], $0x2700  }
0x22: {  	_ =	swait.ge [sflag:s28], $0x2700  }
0x23: {  	s14 =	sadd.s32 $0x1, s14;
	[sflag:s28] =	ssyncset.done $0x0  }
0x24: {  	p1 =	sne.s32 s14, s22;
	s6 =	sshrl.u32 @!p0 s12, $0x3;
	[sflag:s28] =	ssyncadd.s32 $0xFFFFD900  }
0x25: {  	[hbm:s21], [sflag:s5] =	dma.local @!p0 [spmem:s6], $0x100  }
.Ltmp1:
0x26: {  	_ = 	snop;
	(pc) =	sbr.rel @!p1 .LBB2_7-.Ltmp1, $4  }
0x27: {  	s5 =	simm.s32 @!p0 $0x7  }
0x28: {  	_ =	swait.ge @!p0 [sflag:s5], $0x100  }
0x29: {  	[sflag:s5] =	ssyncset.done @!p0 $0x0  }
0x2a: {  	[sflag:s5] =	ssyncadd.s32 @!p0 $0xFFFFFF00  }
.LBB2_1:
0x2b: {  	s5 =	sand.u32 $0xFE00, s3  }
0x2c: {  	s6 =	sand.u32 $0x70, s3;
	s15 =	sshrl.u32 s5, $0x2  }
0x2d: {  	s5 =	simm.s32 $0x40;
	s15 =	sor.u32 s6, s15;
	s6 =	simm.s32 $0x0  }
.LBB2_2:
0x2e: {  	p1 =	sne.s32 s5, $0xFFC0  }
0x2f: {  	[tilespmem:s15+$0x300] =	vst v0;
	s6 =	sadd.s32 $0x10, s6;
	s15 =	smov.u32 s5;
	s5 =	sadd.s32 $0x40, s5  }
.Ltmp2:
0x30: {  	(pc) =	sbr.rel @p1 .LBB2_2-.Ltmp2, $4  }
0x31: {  	_ = 	snop  }
0x32: {  	s15 =	sand.u32 $0xFE00, s15  }
0x33: {  	s17 =	sand.u32 $0x70, s6;
	s15 =	sshrl.u32 s15, $0x2  }
0x34: {  	s15 =	sor.u32 s17, s15  }
0x35: {  	[tilespmem:s15+$0x300] =	vst v0  }
0x36: {  	[spmem:s7] =	stream.linear.scatter [tilespmem:s26], [sflag:$0x7], $0x4000, $0x38;
	[tilespmem:$0x1FF80] =	vst v63  }
0x37: {  	_ =	swait.ge [sflag:s28], $0x4000  }
0x38: {  	[sflag:s28] =	ssyncset.done $0x0  }
0x39: {  	s5 =	rddreg [dreg:$0x5];
	[sflag:s28] =	ssyncadd.s32 $0xFFFFC000  }
0x3a: {  	[spmem:s5] =	stream.linear.scatter [tilespmem:s26], [sflag:$0x7], $0x4000, $0x38;
	[tilespmem:$0x1FF80] =	vst v63  }
0x3b: {  	_ =	swait.ge [sflag:s28], $0x4000  }
0x3c: {  	[sflag:s28] =	ssyncset.done $0x0  }
0x3d: {  	s17 =	rddreg [dreg:$0x6];
	[sflag:s28] =	ssyncadd.s32 $0xFFFFC000  }
0x3e: {  	[spmem:s17] =	stream.linear.scatter [tilespmem:s26], [sflag:$0x7], $0x4000, $0x38;
	[tilespmem:$0x1FF80] =	vst v63  }
0x3f: {  	_ =	swait.ge [sflag:s28], $0x4000  }
0x40: {  	[sflag:s28] =	ssyncset.done $0x0  }
0x41: {  	s18 =	rddreg [dreg:$0x7];
	[sflag:s28] =	ssyncadd.s32 $0xFFFFC000  }
0x42: {  	[spmem:s18] =	stream.linear.scatter [tilespmem:s26], [sflag:$0x7], $0x4000, $0x38;
	[tilespmem:$0x1FF80] =	vst v63  }
0x43: {  	_ =	swait.ge [sflag:s28], $0x4000  }
0x44: {  	[sflag:s28] =	ssyncset.done $0x0  }
0x45: {  	s19 =	rddreg [dreg:$0x8];
	[sflag:s28] =	ssyncadd.s32 $0xFFFFC000  }
0x46: {  	[spmem:s19] =	stream.linear.scatter [tilespmem:s26], [sflag:$0x7], $0x3800, $0x38;
	[tilespmem:$0x1FF80] =	vst v63  }
0x47: {  	_ =	swait.ge [sflag:s28], $0x3800  }
0x48: {  	[sflag:s28] =	ssyncset.done $0x0  }
0x49: {  	s6 =	simm.s32 @!p0 $0x7;
	s5 =	simm.s32 @!p0 $0x300;
	[sflag:s28] =	ssyncadd.s32 $0xFFFFC800  }
0x4a: {  	[spmem:s12] =	stream.linear.scatter @!p0 [tilespmem:s5], [sflag:$0x7], $0x4000, $0x38;
	[tilespmem:$0x1FF80] =	vst v63  }
0x4b: {  	_ =	swait.ge @!p0 [sflag:s6], $0x4000  }
0x4c: {  	[sflag:s6] =	ssyncset.done @!p0 $0x0  }
0x4d: {  	s15 =	rddreg [dreg:$0x9];
	[sflag:s6] =	ssyncadd.s32 @!p0 $0xFFFFC000  }
0x4e: {  	[spmem:s15] =	stream.linear.scatter @!p0 [tilespmem:s5], [sflag:$0x7], $0x800, $0x38;
	[tilespmem:$0x1FF80] =	vst v63  }
0x4f: {  	_ =	swait.ge @!p0 [sflag:s6], $0x800  }
0x50: {  	[sflag:s6] =	ssyncset.done @!p0 $0x0  }
0x51: {  	s20 =	rddreg [dreg:$0xa];
	[sflag:s6] =	ssyncadd.s32 @!p0 $0xFFFFF800  }
0x52: {  	[tilespmem:s3], [sflag:$0x1] =	stream.linear.gather [hbm4b:s20+s3], $0x80, $0x38;
	[tilespmem:$0x1FF80] =	vst v63  }
0x53: {  	s6 =	rddreg [dreg:$0xb]  }
0x54: {  	[tilespmem:s29], [sflag:$0x1] =	stream.linear.gather [hbm4b:s6+s3], $0x80, $0x38;
	[tilespmem:$0x1FF80] =	vst v63  }
0x55: {  	s15 =	rddreg [dreg:$0xc]  }
0x56: {  	[tilespmem:s30], [sflag:$0x2] =	stream.linear.gather [hbm4b:s15+s3], $0x80, $0x38;
	[tilespmem:$0x1FF80] =	vst v63  }
0x57: {  	s17 =	simm.s32 $0x200;
	s16 =	rddreg [dreg:$0xd]  }
0x58: {  	[tilespmem:s17], [sflag:$0x2] =	stream.linear.gather [hbm4b:s16+s3], $0x80, $0x38;
	[tilespmem:$0x1FF80] =	vst v63  }
0x59: {  	s18 =	rddreg [dreg:$0xe]  }
0x5a: {  	[tilespmem:s0], [sflag:$0x3] =	stream.linear.gather [hbm4b:s18+s3], $0x80, $0x38;
	[tilespmem:$0x1FF80] =	vst v63  }
0x5b: {  	s19 =	rddreg [dreg:$0xf]  }
0x5c: {  	[tilespmem:s2], [sflag:$0x3] =	stream.linear.gather [hbm4b:s19+s3], $0x80, $0x38;
	[tilespmem:$0x1FF80] =	vst v63  }
0x5d: {  	_ =	swait.ge [sflag:s31], $0x80  }
0x5e: {  	[sflag:s31] =	ssyncset.done $0x0  }
0x5f: {  	[sflag:s31] =	ssyncadd.s32 $0xFFFFFF80  }
0x60: {  	_ =	swait.ge [sflag:s31], $0x80  }
0x61: {  	[sflag:s31] =	ssyncset.done $0x0  }
0x62: {  	[sflag:s31] =	ssyncadd.s32 $0xFFFFFF80  }
0x63: {  	[tilespmem:s26], [sflag:$0x4] =	stream.indirect.gather [hbm4b:s4+s30], $0x80, s3, s30, $0xb8;
	[tilespmem:$0x1FF80] =	vst v63  }
0x64: {  	_ =	swait.ge [sflag:s8], $0x80  }
0x65: {  	[sflag:s8] =	ssyncset.done $0x0  }
0x66: {  	[sflag:s8] =	ssyncadd.s32 $0xFFFFFF80  }
0x67: {  	_ =	swait.ge [sflag:s8], $0x80  }
0x68: {  	[sflag:s8] =	ssyncset.done $0x0  }
0x69: {  	s20 =	simm.s32 $0x4300;
	[sflag:s8] =	ssyncadd.s32 $0xFFFFFF80  }
0x6a: {  	[tilespmem:s20], [sflag:$0x5] =	stream.indirect.gather [hbm4b:s4+s30], $0x80, s30, s30, $0xb8;
	[tilespmem:$0x1FF80] =	vst v63  }
0x6b: {  	[bflag:$0x0] =	sbarrier.arrive $0xFFFF  }
0x6c: {  	s5 =	rddreg [dreg:$0x3]  }
0x6d: {  	s15 =	simm.s32 $0x1B;
	s6 =	rddreg [dreg:$0x4]  }
.LBB2_4:
0x6e: {  	_ =	swait.ge [sflag:s9], $0x80  }
0x6f: {  	[sflag:s9] =	ssyncset.done $0x0  }
0x70: {  	[sflag:s9] =	ssyncadd.s32 $0xFFFFFF80  }
0x71: {  	_ =	swait.ge [sflag:s9], $0x80  }
0x72: {  	[sflag:s9] =	ssyncset.done $0x0  }
0x73: {  	[sflag:s9] =	ssyncadd.s32 $0xFFFFFF80  }
0x74: {  	[tilespmem:s10], [sflag:$0x6] =	stream.indirect.gather [hbm4b:s4+s30], $0x80, s0, s30, $0xb8;
	[tilespmem:$0x1FF80] =	vst v63  }
0x75: {  	_ =	swait.ge [sflag:s11], $0x4000  }
0x76: {  	[sflag:s11] =	ssyncset.done $0x0  }
0x77: {  	[sflag:s11] =	ssyncadd.s32 $0xFFFFC000  }
0x78: {  	[spmem:s1] =	stream.indirect.scatter.add.f32 [tilespmem:s26], [sflag:$0x7], $0x80, s29, s30, $0xb8;
	[tilespmem:$0x1FF80] =	vst v63  }
0x79: {  	_ =	swait.ge [sflag:s28], $0x4000  }
0x7a: {  	p1 =	seq.s32 s15, $0x0;
	[sflag:s28] =	ssyncset.done $0x0  }
0x7b: {  	s17 =	simm.s32 @p1 $0x5;
	[sflag:s28] =	ssyncadd.s32 $0xFFFFC000  }
0x7c: {  	_ =	swait.ge @p1 [sflag:s17], $0x4000  }
0x7d: {  	s16 =	simm.s32 @p1 $0x200;
	[sflag:s17] =	ssyncset.done @p1 $0x0  }
0x7e: {  	s18 =	simm.s32 @p1 $0x4300;
	[sflag:s17] =	ssyncadd.s32 @p1 $0xFFFFC000;
	s17 =	simm.s32 @p1 $0x80  }
0x7f: {  	[spmem:s1] =	stream.indirect.scatter.add.f32 @p1 [tilespmem:s18], [sflag:$0x7], $0x80, s16, s17, $0xb8;
	[tilespmem:$0x1FF80] =	vst v63  }
0x80: {  	s16 =	simm.s32 @p1 $0x7  }
0x81: {  	_ =	swait.ge @p1 [sflag:s16], $0x4000  }
0x82: {  	[sflag:s16] =	ssyncset.done @p1 $0x0  }
0x83: {  	s17 =	simm.s32 @!p1 $0x0;
	[sflag:s16] =	ssyncadd.s32 @p1 $0xFFFFC000;
	s16 =	sadd.s32 @!p1 s5, s25  }
0x84: {  	[tilespmem:s17], [sflag:$0x1] =	stream.linear.gather @!p1 [hbm4b:s16+s17], $0x80, $0x38;
	[tilespmem:$0x1FF80] =	vst v63  }
0x85: {  	s18 =	simm.s32 @!p1 $0x180;
	s16 =	sadd.s32 @!p1 s6, s25  }
0x86: {  	[tilespmem:s18], [sflag:$0x1] =	stream.linear.gather @!p1 [hbm4b:s16+s17], $0x80, $0x38;
	[tilespmem:$0x1FF80] =	vst v63  }
0x87: {  	s16 =	simm.s32 @!p1 $0x1  }
0x88: {  	_ =	swait.ge @!p1 [sflag:s16], $0x80  }
0x89: {  	[sflag:s16] =	ssyncset.done @!p1 $0x0  }
0x8a: {  	[sflag:s16] =	ssyncadd.s32 @!p1 $0xFFFFFF80  }
0x8b: {  	_ =	swait.ge @!p1 [sflag:s16], $0x80  }
0x8c: {  	[sflag:s16] =	ssyncset.done @!p1 $0x0  }
0x8d: {  	s18 =	simm.s32 @!p1 $0x300;
	[sflag:s16] =	ssyncadd.s32 @!p1 $0xFFFFFF80;
	s16 =	simm.s32 @!p1 $0x80  }
0x8e: {  	[tilespmem:s18], [sflag:$0x4] =	stream.indirect.gather @!p1 [hbm4b:s4+s16], $0x80, s17, s16, $0xb8;
	[tilespmem:$0x1FF80] =	vst v63  }
0x8f: {  	s18 =	simm.s32 @!p1 $0x5  }
0x90: {  	_ =	swait.ge @!p1 [sflag:s18], $0x4000  }
0x91: {  	s19 =	simm.s32 @!p1 $0x4300;
	[sflag:s18] =	ssyncset.done @!p1 $0x0  }
0x92: {  	s20 =	simm.s32 @!p1 $0x7;
	[sflag:s18] =	ssyncadd.s32 @!p1 $0xFFFFC000;
	s18 =	simm.s32 @!p1 $0x200  }
0x93: {  	[spmem:s1] =	stream.indirect.scatter.add.f32 @!p1 [tilespmem:s19], [sflag:$0x7], $0x80, s18, s16, $0xb8;
	[tilespmem:$0x1FF80] =	vst v63  }
0x94: {  	_ =	swait.ge @!p1 [sflag:s20], $0x4000  }
0x95: {  	[sflag:s20] =	ssyncset.done @!p1 $0x0  }
0x96: {  	[sflag:s20] =	ssyncadd.s32 @!p1 $0xFFFFC000;
	s20 =	sadd.s32 @!p1 s5, s24  }
0x97: {  	[tilespmem:s16], [sflag:$0x2] =	stream.linear.gather @!p1 [hbm4b:s20+s17], $0x80, $0x38;
	[tilespmem:$0x1FF80] =	vst v63  }
0x98: {  	s20 =	sadd.s32 @!p1 s6, s24  }
0x99: {  	[tilespmem:s18], [sflag:$0x2] =	stream.linear.gather @!p1 [hbm4b:s20+s17], $0x80, $0x38;
	[tilespmem:$0x1FF80] =	vst v63  }
0x9a: {  	s17 =	simm.s32 @!p1 $0x2  }
0x9b: {  	_ =	swait.ge @!p1 [sflag:s17], $0x80  }
0x9c: {  	[sflag:s17] =	ssyncset.done @!p1 $0x0  }
0x9d: {  	[sflag:s17] =	ssyncadd.s32 @!p1 $0xFFFFFF80  }
0x9e: {  	_ =	swait.ge @!p1 [sflag:s17], $0x80  }
0x9f: {  	[sflag:s17] =	ssyncset.done @!p1 $0x0  }
0xa0: {  	[sflag:s17] =	ssyncadd.s32 @!p1 $0xFFFFFF80  }
0xa1: {  	[tilespmem:s19], [sflag:$0x5] =	stream.indirect.gather @!p1 [hbm4b:s4+s16], $0x80, s16, s16, $0xb8;
	[tilespmem:$0x1FF80] =	vst v63  }
0xa2: {  	_ =	swait.ge [sflag:s13], $0x4000  }
0xa3: {  	[sflag:s13] =	ssyncset.done $0x0  }
.Ltmp3:
0xa4: {  	[sflag:s13] =	ssyncadd.s32 $0xFFFFC000;
	(pc) =	sbr.rel @p1 .LBB2_6-.Ltmp3, $4  }
0xa5: {  	[spmem:s1] =	stream.indirect.scatter.add.f32 [tilespmem:s10], [sflag:$0x7], $0x80, s2, s30, $0xb8;
	[tilespmem:$0x1FF80] =	vst v63  }
0xa6: {  	_ =	swait.ge [sflag:s28], $0x4000  }
0xa7: {  	[sflag:s28] =	ssyncset.done $0x0  }
0xa8: {  	[sflag:s28] =	ssyncadd.s32 $0xFFFFC000  }
.Ltmp4:
0xa9: {  	(pc) =	sbr.rel .LBB2_4-.Ltmp4, $4  }
0xaa: {  	s16 =	sadd.s32 s5, s23;
	s20 =	sadd.s32 s6, s23  }
0xab: {  	[tilespmem:s0], [sflag:$0x3] =	stream.linear.gather [hbm4b:s16+s3], $0x80, $0x38;
	[tilespmem:$0x1FF80] =	vst v63  }
0xac: {  	s6 =	sadd.s32 $0x30, s6;
	s5 =	sadd.s32 $0x30, s5;
	s15 =	sadd.s32 $0xFFFFFFFF, s15  }
0xad: {  	[tilespmem:s2], [sflag:$0x3] =	stream.linear.gather [hbm4b:s20+s3], $0x80, $0x38;
	[tilespmem:$0x1FF80] =	vst v63  }
.LBB2_7:
0xae: {  	_ =	sfence.sel $0x180000  }
0xaf: {  	[bflag:$0x0] =	sbarrier.arrive $0xFFFF  }
0xb0: {  	_ =	strace $0x9000004D  }
0xb1: {  	s0 =	stileid.u32;
	[bflag:$0x2] =	sbarrier.arrive $0xFFFF  }
0xb2: {  	p0 =	sne.s32 s0, $0x0;
	s0 =	rddreg [dreg:$0x2]  }
0xb3: {  	s0 =	sadd.s32 @!p0 $0x100000, s0  }
0xb4: {  	[sflag:s0] =	ssyncadd.tile.s32 @!p0 $0x1;
	_ =	shalt  }
.Lfunc_end2:
_tile_overlayer_lowered:
.L_overlay_start_2:
0xb5: {  	(tag) =	ssettag $0x2  }
0xb6: {  	s0 =	rddreg [dreg:$0x0];
	s2 =	stileid.u32  }
0xb7: {  	s1 =	rddreg [dreg:$0x1];
	p0 =	sne.s32 s2, $0x0  }
0xb8: {  	s3 =	rddreg [dreg:$0x2];
	[bflag:$0x3] =	sbarrier.arrive $0xFFFF;
	s2 =	simm.s32 @!p0 $0x1C07  }
0xb9: {  	[timem:s3], [sflag:s2] =	dma.local @!p0 [hbm:s0], s1  }
0xba: {  	s0 =	simm.s32 @!p0 $0x7  }
0xbb: {  	_ =	swait.ge @!p0 [sflag:s0], s1  }
0xbc: {  	s1 =	ssub.s32 @!p0 $0x0, s1;
	[sflag:s0] =	ssyncset.done @!p0 $0x0  }
0xbd: {  	[sflag:s0] =	ssyncadd.s32 @!p0 s1  }
0xbe: {  	[bflag:$0x3] =	sbarrier.arrive $0xFFFF  }
0xbf: {  	_ =	shalt  }

// kernel: kernel.8.cloned.1.call-start
scs
__scs_entry_jumppad:
0x0: {  	(pc) =	sbr.rel $0x88, $3  }
0x1: {  	(tag) =	ssettag $0x0;
	lr =	simm.s32 $0x1  }
0x2: {  	[smem:$0x3F8A] =	sst lr;
	_ =	strace $0xD0000000  }
0x3: {  	_ = 	snop  }
0x4: {  	_ = 	snop  }
0x5: {  	_ = 	snop  }
0x6: {  	_ = 	snop  }
0x7: {  	_ = 	snop  }
__scs_overlays_trampoline_lowered:
0x8: {  	[smem:$0x3F99] =	sst s0  }
0x9: {  	[smem:$0x3F9A] =	sst s1  }
0xa: {  	[smem:$0x3F9B] =	sst s2  }
0xb: {  	[smem:$0x3F9C] =	sst s3  }
0xc: {  	[smem:$0x3F9D] =	sst s4  }
0xd: {  	[smem:$0x3F9E] =	sst s5  }
0xe: {  	[smem:$0x3F9F] =	sst s6  }
0xf: {  	[smem:$0x3FA0] =	sst s7  }
0x10: {  	[smem:$0x3FA1] =	sst s8  }
0x11: {  	[smem:$0x3FA2] =	sst s9;
	s0 =	simm.s32 @!p0 $0x0  }
0x12: {  	s1 =	sld [smem:$0x3F88];
	s0 =	simm.s32 @p0 $0x1  }
0x13: {  	[smem:$0x3FA3] =	sst s0;
	s0 =	simm.s32 @!p1 $0x0  }
0x14: {  	s2 =	sld [smem:$0x3F87];
	s0 =	simm.s32 @p1 $0x1  }
0x15: {  	[smem:$0x3FA4] =	sst s0;
	s0 =	simm.s32 @!p2 $0x0  }
0x16: {  	s3 =	sld [smem:$0x3FDB];
	s0 =	simm.s32 @p2 $0x1  }
0x17: {  	s4 =	simm.s32 $0x1BF5;
	[smem:$0x3FA6] =	sst s0  }
0x18: {  	s0 =	sld [smem:$0x3F89];
	_ =	swait.ge [sflag:s4], $0x0  }
0x19: {  	s7 =	sld [smem:$0x3F8A]  }
0x1a: {  	s8 =	sadd.s32 $0xFFFFE003, lr  }
0x1b: {  	s9 =	sadd.s32 $0xFFFFFEF7, lr;
	s5 =	simm.s32 $0xFFFFFFFF;
	p2 =	slt.u32 s8, $0xFFFFF086  }
0x1c: {  	p1 =	slt.u32 s9, $0xF7A;
	s5 =	simm.s32 @!p2 $0x0  }
0x1d: {  	s5 =	simm.s32 @p1 $0x1;
	p0 =	seq.s32 s7, s2  }
0x1e: {  	s7 =	smul.u32 @!p0 $0xF7A, s2;
	p2 =	seq.s32 @!p0 s5, $0x0  }
0x1f: {  	s9 =	smul.u32 $0xF7A, s1;
	s8 =	simm.s32 @!p0 $0x1BF5;
	p2 =	por !p2, p0  }
0x20: {  	[sflag:s8] =	ssyncset.s32 @!p0 $0xFFFFF086;
	s6 =	sadd.s32 @!p0 s3, s7;
	s7 =	simm.s32 @!p0 $0x108  }
0x21: {  	s3 =	sadd.s32 s3, s9;
	s6 =	sadd.s32 @!p0 $0x88, s6;
	s7 =	simm.s32 @p2 $0x1082  }
0x22: {  	[simem:s7], [sflag:s8] =	dma.local @!p0 [hbm:s6], $0xF7A  }
0x23: {  	s9 =	sor.u32 $0xD0000000, s2;
	s6 =	simm.s32 $0x108;
	_ =	swait.ge @!p0 [sflag:s8], $0x0  }
0x24: {  	s3 =	sadd.s32 $0x88, s3;
	s6 =	simm.s32 @!p1 $0x1082;
	[sflag:s4] =	ssyncset.s32 $0xFFFFF086  }
0x25: {  	[simem:s6], [sflag:s4] =	dma.local [hbm:s3], $0xF7A  }
0x26: {  	[smem:$0x3F8A] =	sst s1;
	(tag) =	ssettag s2;
	_ =	strace s9  }
0x27: {  	s1 =	sld [smem:$0x3F9A]  }
0x28: {  	s2 =	sld [smem:$0x3F9B]  }
0x29: {  	s4 =	sld [smem:$0x3F9D]  }
0x2a: {  	p0 =	seq.s32 s5, $0x0;
	s5 =	sld [smem:$0x3F9E]  }
0x2b: {  	s6 =	sld [smem:$0x3F9F]  }
0x2c: {  	s7 =	sld [smem:$0x3FA0]  }
0x2d: {  	s3 =	simm.s32 $0x108;
	s8 =	sld [smem:$0x3FA1]  }
0x2e: {  	s3 =	simm.s32 @!p0 $0x1082;
	s9 =	sld [smem:$0x3FA2]  }
0x2f: {  	lr =	sadd.s32 s0, s3;
	s0 =	sld [smem:$0x3F99]  }
0x30: {  	s3 =	sld [smem:$0x3F9C]  }
0x31: {  	[smem:$0x3FA5] =	sst s10  }
0x32: {  	s10 =	sld [smem:$0x3FA3];
	_ =	sdelay $0x3  }
0x33: {  	p0 =	seq.s32 s10, $0x1;
	s10 =	sld [smem:$0x3FA5];
	_ =	sdelay $0x3  }
0x34: {  	[smem:$0x3FA5] =	sst s10  }
0x35: {  	s10 =	sld [smem:$0x3FA4];
	_ =	sdelay $0x3  }
0x36: {  	p1 =	seq.s32 s10, $0x1;
	s10 =	sld [smem:$0x3FA5];
	_ =	sdelay $0x3  }
0x37: {  	[smem:$0x3FA5] =	sst s10  }
0x38: {  	s10 =	sld [smem:$0x3FA6]  }
0x39: {  	_ = 	snop;
	(pc) =	sbr.ind lr, $3  }
0x3a: {  	_ = 	snop  }
0x3b: {  	_ = 	snop  }
0x3c: {  	p2 =	seq.s32 s10, $0x1;
	s10 =	sld [smem:$0x3FA5]  }
0x3d: {  	_ =	shalt  }
0x3e: {  	_ =	shalt  }
0x3f: {  	_ =	shalt  }
0x40: {  	_ =	shalt  }
0x41: {  	_ =	shalt  }
0x42: {  	_ =	shalt  }
0x43: {  	_ =	shalt  }
0x44: {  	_ =	shalt  }
0x45: {  	_ =	shalt  }
0x46: {  	_ =	shalt  }
0x47: {  	_ =	shalt  }
0x48: {  	_ =	shalt  }
0x49: {  	_ =	shalt  }
0x4a: {  	_ =	shalt  }
0x4b: {  	_ =	shalt  }
0x4c: {  	_ =	shalt  }
0x4d: {  	_ =	shalt  }
0x4e: {  	_ =	shalt  }
0x4f: {  	_ =	shalt  }
0x50: {  	_ =	shalt  }
0x51: {  	_ =	shalt  }
0x52: {  	_ =	shalt  }
0x53: {  	_ =	shalt  }
0x54: {  	_ =	shalt  }
0x55: {  	_ =	shalt  }
0x56: {  	_ =	shalt  }
0x57: {  	_ =	shalt  }
0x58: {  	_ =	shalt  }
0x59: {  	_ =	shalt  }
0x5a: {  	_ =	shalt  }
0x5b: {  	_ =	shalt  }
0x5c: {  	_ =	shalt  }
0x5d: {  	_ =	shalt  }
0x5e: {  	_ =	shalt  }
0x5f: {  	_ =	shalt  }
0x60: {  	_ =	shalt  }
0x61: {  	_ =	shalt  }
0x62: {  	_ =	shalt  }
0x63: {  	_ =	shalt  }
0x64: {  	_ =	shalt  }
0x65: {  	_ =	shalt  }
0x66: {  	_ =	shalt  }
0x67: {  	_ =	shalt  }
0x68: {  	_ =	shalt  }
0x69: {  	_ =	shalt  }
0x6a: {  	_ =	shalt  }
0x6b: {  	_ =	shalt  }
0x6c: {  	_ =	shalt  }
0x6d: {  	_ =	shalt  }
0x6e: {  	_ =	shalt  }
0x6f: {  	_ =	shalt  }
0x70: {  	_ =	shalt  }
0x71: {  	_ =	shalt  }
0x72: {  	_ =	shalt  }
0x73: {  	_ =	shalt  }
0x74: {  	_ =	shalt  }
0x75: {  	_ =	shalt  }
0x76: {  	_ =	shalt  }
0x77: {  	_ =	shalt  }
0x78: {  	_ =	shalt  }
0x79: {  	_ =	shalt  }
0x7a: {  	_ =	shalt  }
0x7b: {  	_ =	shalt  }
0x7c: {  	_ =	shalt  }
0x7d: {  	_ =	shalt  }
0x7e: {  	_ =	shalt  }
0x7f: {  	_ =	shalt  }
0x80: {  	_ =	shalt  }
0x81: {  	_ =	shalt  }
0x82: {  	_ =	shalt  }
0x83: {  	_ =	shalt  }
0x84: {  	_ =	shalt  }
0x85: {  	_ =	shalt  }
0x86: {  	_ =	shalt  }
0x87: {  	_ =	shalt  }
.Lfunc_end0:
.L_simem_size_0:
called_computation_lowered:
.L_overlay_start_0:
0x88: {  	s2 =	sld [smem:$0x3FD9]  }
0x89: {  	s3 =	sld [smem:$0x3FFE];
	_ =	sdelay $0x1  }
0x8a: {  	s1 =	srdreg.scid  }
0x8b: {  	s0 =	sand.u32 $0x1, s1  }
0x8c: {  	s17 =	sshll.u32 s0, $0xA;
	s2 =	sadd.s32 s3, s2  }
0x8d: {  	s2 =	sadd.s32 s2, s17  }
0x8e: {  	[smem:$0x3FB1] =	sst s2  }
0x8f: {  	_ = 	snop  }
0x90: {  	(tm) =	ssettm $0x1  }
0x91: {  	s18 =	sld [smem:$0x3FFB];
	_ =	sdelay $0x3  }
0x92: {  	_ =	strace s18  }
0x93: {  	s2 =	sld [smem:$0x3FFC];
	_ =	sdelay $0x3  }
0x94: {  	_ =	strace s2  }
0x95: {  	s2 =	sld [smem:$0x3FFD];
	_ =	sdelay $0x3  }
0x96: {  	_ =	strace s2  }
0x97: {  	_ =	strace $0x8FFFFFFF  }
0x98: {  	s19 =	sld [smem:$0x3FDB];
	_ =	sdelay $0x1  }
0x99: {  	s20 =	simm.s32 $_scs_section_size  }
0x9a: {  	s4 =	simm.s32 $_size__tile_overlayer_lowered;
	s5 =	simm.s32 $_tile_overlayer_lowered  }
0x9b: {  	s6 =	simm.s32 $0x1BFF;
	s21 =	sshll.u32 s5, $0x1;
	s3 =	sadd.s32 s20, s19  }
0x9c: {  	s22 =	simm.s32 $0x0;
	s4 =	sshll.u32 s4, $0x1;
	s5 =	sadd.s32 s21, s3  }
0x9d: {  	[timem:s22], [sflag:s6] =	dma.local [hbm:s5], s4  }
0x9e: {  	_ =	swait.ge [sflag:s6], s4  }
0x9f: {  	s4 =	ssub.s32 $0x0, s4;
	[sflag:s6] =	ssyncset.done $0x0  }
0xa0: {  	[sflag:s6] =	ssyncadd.s32 s4;
	_ =	sdelay $0x1  }
0xa1: {  	s23 =	simm.s32 $0x1B8B  }
0xa2: {  	_ =	swait.ge [sflag:s23], $0x1  }
0xa3: {  	[sflag:s23] =	ssyncset.done $0x0  }
0xa4: {  	[sflag:s23] =	ssyncadd.s32 $0xFFFFFFFF  }
0xa5: {  	s4 =	sld [smem:$0x0]  }
0xa6: {  	s5 =	sand.u32 $0xFFFFFFFE, s1  }
0xa7: {  	p0 =	sne.s32 s1, s5  }
0xa8: {  	s5 =	sshll.u32 @p0 s5, $0xE  }
0xa9: {  	s5 =	sadd.s32 @p0 $0x11B8D, s5;
	s6 =	sshll.u32 @p0 s4, $0x11  }
0xaa: {  	s5 =	sor.u32 @p0 s6, s5  }
0xab: {  	[sflag:s5] =	ssyncadd.remote.s32 @p0 $0x1;
	_ =	sdelay $0x1  }
0xac: {  	s5 =	simm.s32 @p0 $0x1B8D  }
0xad: {  	_ =	swait.eq @p0 [sflag:s5], $0x1  }
0xae: {  	[sflag:s5] =	ssyncadd.s32 @p0 $0xFFFFFFFF  }
0xaf: {  	s6 =	sshll.u32 @!p0 s1, $0xE  }
0xb0: {  	s6 =	sor.u32 @!p0 $0x4000, s6;
	s5 =	simm.s32 @!p0 $0x1B8D  }
0xb1: {  	s4 =	sshll.u32 @!p0 s4, $0x11;
	s6 =	sadd.s32 @!p0 $0x11B8D, s6;
	_ =	swait.eq @!p0 [sflag:s5], $0x1  }
0xb2: {  	s4 =	sor.u32 @!p0 s4, s6;
	[sflag:s5] =	ssyncadd.s32 @!p0 $0xFFFFFFFF  }
0xb3: {  	s25 =	simm.s32 $0x1B8E;
	s24 =	sld [smem:$0x3FFE];
	[sflag:s4] =	ssyncadd.remote.s32 @!p0 $0x1  }
0xb4: {  	s26 =	simm.s32 $execute0_lowered;
	[smem:$0x3FD2] =	sst s25  }
0xb5: {  	s5 =	sshll.u32 s26, $0x1;
	_ =	strace $0x80000049;
	[dreg:$0x1] =	wrdreg $0xFFFFFFFF  }
0xb6: {  	s28 =	simm.s32 $_size_execute0_lowered;
	s3 =	sadd.s32 s3, s5;
	[dreg:$0x0] =	wrdreg $0x0  }
0xb7: {  	s5 =	sshll.u32 s28, $0x1;
	[dreg:$0x2] =	wrdreg s3  }
0xb8: {  	[dreg:$0x3] =	wrdreg s5  }
0xb9: {  	[dreg:$0x4] =	wrdreg $0xC0  }
0xba: {  	_ =	task [dreg:s22], $0x5FFFF  }
0xbb: {  	[dreg:$0x1] =	wrdreg $0xFFFFFFFF  }
0xbc: {  	[dreg:$0x0] =	wrdreg $0x60  }
0xbd: {  	[dreg:$0x2] =	wrdreg s24  }
0xbe: {  	[dreg:$0x3] =	wrdreg $0x81800  }
0xbf: {  	[dreg:$0x4] =	wrdreg $0x9  }
0xc0: {  	_ =	task.clear_ibuf [dreg:s22], $0x5FFFF;
	_ =	strace $0x90000049  }
0xc1: {  	s29 =	simm.s32 $0x9;
	_ =	strace $0x8000004B  }
0xc2: {  	_ =	swait.ge [sflag:s29], $0x1  }
0xc3: {  	[sflag:s29] =	ssyncadd.s32 $0xFFFFFFFF  }
0xc4: {  	_ =	strace $0x9000004B  }
0xc5: {  	_ =	sfence  }
0xc6: {  	s30 =	sld [smem:$0x0];
	_ =	sdelay $0x2  }
0xc7: {  	s31 =	sshll.u32 s1, $0xD;
	s1 =	sshrl.u32 s1, $0x2  }
0xc8: {  	s4 =	sand.u32 $0x4000, s31;
	s1 =	sadd.s32 s1, s30  }
0xc9: {  	s0 =	sor.u32 s4, s0;
	s1 =	sshll.u32 s1, $0x11  }
0xca: {  	s0 =	sor.u32 s1, s0  }
0xcb: {  	s0 =	sadd.s32 $0x8F2B, s0  }
0xcc: {  	[sflag:s0] =	ssyncadd.remote.s32 $0x1  }
0xcd: {  	_ =	sfence.sel $0xFFFF  }
0xce: {  	[dreg:$0x0] =	wrdreg $0xFFFFFFFF;
	(pc) =	sbr.abs _section_cstart, $3  }
0xcf: {  	[dreg:$0x1] =	wrdreg $0xFFFFFFFF  }
0xd0: {  	_ =	task.clear_ibuf [dreg:s22], $0x2FFFF;
	_ =	strace $0x9FFFFFFF  }
0xd1: {  	(tm) =	ssettm $0x7FFFFFFF  }
tec
execute0_lowered:
.L_overlay_start_1:
0x0: {  	(tag) =	ssettag $0x1  }
0x1: {  	s0 =	rddreg [dreg:$0x0]  }
0x2: {  	s1 =	rddreg [dreg:$0x1];
	s3 =	simm.s32 $0x0  }
0x3: {  	s4 =	srdreg.scid;
	s2 =	stileid.u32;
	s21 =	simm.s32 $0x4  }
0x4: {  	s22 =	simm.s32 $0x80;
	s23 =	simm.s32 $0x100;
	s28 =	simm.s32 $0x3  }
0x5: {  	[smem:$0x7FF] =	sst s3;
	s12 =	sand.u32 $0x1, s4;
	s24 =	smul.u32 $0x4E000, s2  }
0x6: {  	s19 =	sadd.s32 $0xE800, s0;
	s0 =	sadd.s32 $0x8E400, s0;
	s13 =	smul.u32 $0x13800, s2  }
0x7: {  	s9 =	sadd.s32 $0x138000, s1;
	s18 =	smul.u32 $0x2A00, s2;
	p0 =	sne.s32 s2, $0xF  }
0x8: {  	s29 =	simm.s32 $0x0;
	_ =	strace $0x8000004A;
	s14 =	smul.u32 $0x138800, s12  }
0x9: {  	s5 =	ssub.s32 $0x2, s12;
	s7 =	sshll.u32 s12, $0x4;
	s15 =	smul.u32 $0x2A000, s12  }
0xa: {  	s6 =	sshrl.u32 s5, $0x1;
	s4 =	sshrl.u32 s24, $0x2;
	s7 =	sor.u32 s2, s7  }
0xb: {  	s24 =	simm.s32 $0x1;
	s16 =	ssub.s32 s5, s6;
	s4 =	sadd.s32 s4, s1  }
0xc: {  	s10 =	smul.u32 $0x2A00, s7;
	s17 =	sadd.s32 s13, s14;
	s20 =	sshrl.u32 s14, $0x3  }
0xd: {  	s25 =	sadd.s32 s18, s15;
	s5 =	sadd.s32 $0x4000, s4;
	s6 =	sadd.s32 $0x8000, s4  }
0xe: {  	s7 =	sadd.s32 $0xC000, s4;
	s8 =	sadd.s32 $0x10000, s4;
	s17 =	sshrl.u32 s17, $0x3  }
0xf: {  	s16 =	smax.u32 s16, $0x1;
	s26 =	sadd.s32 $0x280, s25;
	s18 =	sadd.s32 $0x200, s25  }
0x10: {  	s30 =	sor.u32 $0x180, s25;
	s25 =	simm.s32 $0x180;
	s11 =	sshrl.u32 s10, $0x3  }
0x11: {  	s10 =	sadd.s32 $0x13C000, s1;
	s14 =	sadd.s32 s0, s17;
	s0 =	sadd.s32 s0, s20  }
0x12: {  	s31 =	sshrl.u32 s18, $0x3;
	s20 =	sshrl.u32 s30, $0x3;
	s11 =	sadd.s32 s19, s11  }
0x13: {  	s15 =	sadd.s32 $0x27000, s0;
	s0 =	sshrl.u32 s26, $0x3;
	s18 =	sadd.s32 s31, s19  }
0x14: {  	s26 =	simm.s32 $0x2;
	s12 =	sadd.s32 $0x10, s11;
	s13 =	sadd.s32 $0x20, s11  }
0x15: {  	v0 =	vimm.f32 $0.0e+00;
	v1 =	vimm.f32 $1.000000000e+00;
	s17 =	sadd.s32 s0, s19;
	s19 =	sadd.s32 s20, s19;
	s20 =	simm.s32 $0x4180  }
.LBB2_1:
0x16: {  	s30 =	simm.s32 $0x0;
	s31 =	simm.s32 $0x0  }
.LBB2_2:
0x17: {  	p1 =	sne.s32 s31, $0xFFC0  }
.Ltmp0:
0x18: {  	_ = 	snop;
	(pc) =	sbr.rel @p1 .LBB2_2-.Ltmp0, $4  }
0x19: {  	s0 =	sand.u32 $0xFE00, s31  }
0x1a: {  	s2 =	sand.u32 $0x70, s30;
	s0 =	sshrl.u32 s0, $0x2  }
0x1b: {  	s0 =	sor.u32 s2, s0  }
0x1c: {  	s30 =	sadd.s32 $0x10, s30;
	s31 =	sadd.s32 $0x40, s31;
	[tilespmem:s0+$0x4180] =	vst v0  }
0x1d: {  	s30 =	simm.s32 $0x0  }
0x1e: {  	s0 =	sand.u32 $0xFE00, s30  }
0x1f: {  	s2 =	sand.u32 $0x70, s30;
	s0 =	sshrl.u32 s0, $0x2  }
0x20: {  	s31 =	simm.s32 $0x40;
	s0 =	sor.u32 s2, s0  }
.LBB2_4:
0x21: {  	p1 =	sne.s32 s31, $0xFFC0  }
0x22: {  	[tilespmem:s0+$0x180] =	vst v1;
	s30 =	sadd.s32 $0x10, s30;
	s0 =	smov.u32 s31;
	s31 =	sadd.s32 $0x40, s31  }
.Ltmp1:
0x23: {  	(pc) =	sbr.rel @p1 .LBB2_4-.Ltmp1, $4  }
0x24: {  	_ = 	snop  }
0x25: {  	s0 =	sand.u32 $0xFE00, s0  }
0x26: {  	s2 =	sand.u32 $0x70, s30;
	s0 =	sshrl.u32 s0, $0x2  }
0x27: {  	s0 =	sor.u32 s2, s0  }
0x28: {  	[tilespmem:s0+$0x180] =	vst v1  }
0x29: {  	[spmem:s4] =	stream.linear.scatter [tilespmem:s20], [sflag:$0x4], $0x4000, $0x38;
	[tilespmem:$0x1BE00] =	vst v63  }
0x2a: {  	_ =	swait.ge [sflag:s21], $0x4000  }
0x2b: {  	[sflag:s21] =	ssyncset.done $0x0  }
0x2c: {  	[sflag:s21] =	ssyncadd.s32 $0xFFFFC000  }
0x2d: {  	[spmem:s5] =	stream.linear.scatter [tilespmem:s20], [sflag:$0x4], $0x4000, $0x38;
	[tilespmem:$0x1BE00] =	vst v63  }
0x2e: {  	_ =	swait.ge [sflag:s21], $0x4000  }
0x2f: {  	[sflag:s21] =	ssyncset.done $0x0  }
0x30: {  	[sflag:s21] =	ssyncadd.s32 $0xFFFFC000  }
0x31: {  	[spmem:s6] =	stream.linear.scatter [tilespmem:s20], [sflag:$0x4], $0x4000, $0x38;
	[tilespmem:$0x1BE00] =	vst v63  }
0x32: {  	_ =	swait.ge [sflag:s21], $0x4000  }
0x33: {  	[sflag:s21] =	ssyncset.done $0x0  }
0x34: {  	[sflag:s21] =	ssyncadd.s32 $0xFFFFC000  }
0x35: {  	[spmem:s7] =	stream.linear.scatter [tilespmem:s20], [sflag:$0x4], $0x4000, $0x38;
	[tilespmem:$0x1BE00] =	vst v63  }
0x36: {  	_ =	swait.ge [sflag:s21], $0x4000  }
0x37: {  	[sflag:s21] =	ssyncset.done $0x0  }
0x38: {  	[sflag:s21] =	ssyncadd.s32 $0xFFFFC000  }
0x39: {  	[spmem:s8] =	stream.linear.scatter [tilespmem:s20], [sflag:$0x4], $0x3800, $0x38;
	[tilespmem:$0x1BE00] =	vst v63  }
0x3a: {  	_ =	swait.ge [sflag:s21], $0x3800  }
0x3b: {  	[sflag:s21] =	ssyncset.done $0x0  }
0x3c: {  	s0 =	simm.s32 @!p0 $0x4180;
	s2 =	simm.s32 @!p0 $0x4;
	[sflag:s21] =	ssyncadd.s32 $0xFFFFC800  }
0x3d: {  	[spmem:s9] =	stream.linear.scatter @!p0 [tilespmem:s0], [sflag:$0x4], $0x4000, $0x38;
	[tilespmem:$0x1BE00] =	vst v63  }
0x3e: {  	_ =	swait.ge @!p0 [sflag:s2], $0x4000  }
0x3f: {  	[sflag:s2] =	ssyncset.done @!p0 $0x0  }
0x40: {  	[sflag:s2] =	ssyncadd.s32 @!p0 $0xFFFFC000  }
0x41: {  	[spmem:s10] =	stream.linear.scatter @!p0 [tilespmem:s0], [sflag:$0x4], $0x800, $0x38;
	[tilespmem:$0x1BE00] =	vst v63  }
0x42: {  	_ =	swait.ge @!p0 [sflag:s2], $0x800  }
0x43: {  	[sflag:s2] =	ssyncset.done @!p0 $0x0  }
0x44: {  	s31 =	simm.s32 $0x0;
	[sflag:s2] =	ssyncadd.s32 @!p0 $0xFFFFF800  }
0x45: {  	[tilespmem:s31], [sflag:$0x1] =	stream.linear.gather [hbm4b:s11+s31], $0x80, $0x38;
	[tilespmem:$0x1BE00] =	vst v63  }
0x46: {  	_ = 	snop  }
0x47: {  	[tilespmem:s22], [sflag:$0x2] =	stream.linear.gather [hbm4b:s12+s31], $0x80, $0x38;
	[tilespmem:$0x1BE00] =	vst v63  }
0x48: {  	_ = 	snop  }
0x49: {  	[tilespmem:s23], [sflag:$0x3] =	stream.linear.gather [hbm4b:s13+s31], $0x80, $0x38;
	[tilespmem:$0x1BE00] =	vst v63  }
0x4a: {  	[bflag:$0x0] =	sbarrier.arrive $0xFFFF  }
0x4b: {  	_ =	swait.ge [sflag:s24], $0x80  }
0x4c: {  	[sflag:s24] =	ssyncset.done $0x0  }
0x4d: {  	[sflag:s24] =	ssyncadd.s32 $0xFFFFFF80  }
0x4e: {  	[spmem:s1] =	stream.indirect.scatter.add.f32 [tilespmem:s25], [sflag:$0x4], $0x80, s3, s22, $0xb8;
	[tilespmem:$0x1BE00] =	vst v63  }
0x4f: {  	_ =	swait.ge [sflag:s21], $0x4000  }
0x50: {  	[sflag:s21] =	ssyncset.done $0x0  }
0x51: {  	s2 =	sadd.s32 $0x0, s19;
	[sflag:s21] =	ssyncadd.s32 $0xFFFFC000  }
0x52: {  	[tilespmem:s3], [sflag:$0x1] =	stream.linear.gather [hbm4b:s2+s3], $0x80, $0x38;
	[tilespmem:$0x1BE00] =	vst v63  }
0x53: {  	_ =	swait.ge [sflag:s26], $0x80  }
0x54: {  	[sflag:s26] =	ssyncset.done $0x0  }
0x55: {  	[sflag:s26] =	ssyncadd.s32 $0xFFFFFF80  }
0x56: {  	[spmem:s1] =	stream.indirect.scatter.add.f32 [tilespmem:s25], [sflag:$0x4], $0x80, s22, s22, $0xb8;
	[tilespmem:$0x1BE00] =	vst v63  }
0x57: {  	_ =	swait.ge [sflag:s21], $0x4000  }
0x58: {  	[sflag:s21] =	ssyncset.done $0x0  }
0x59: {  	s31 =	sadd.s32 $0x0, s18;
	[sflag:s21] =	ssyncadd.s32 $0xFFFFC000  }
0x5a: {  	[tilespmem:s22], [sflag:$0x2] =	stream.linear.gather [hbm4b:s31+s3], $0x80, $0x38;
	[tilespmem:$0x1BE00] =	vst v63  }
0x5b: {  	_ =	swait.ge [sflag:s28], $0x80  }
0x5c: {  	[sflag:s28] =	ssyncset.done $0x0  }
0x5d: {  	[sflag:s28] =	ssyncadd.s32 $0xFFFFFF80  }
0x5e: {  	[spmem:s1] =	stream.indirect.scatter.add.f32 [tilespmem:s25], [sflag:$0x4], $0x80, s23, s22, $0xb8;
	[tilespmem:$0x1BE00] =	vst v63  }
0x5f: {  	_ =	swait.ge [sflag:s21], $0x4000  }
0x60: {  	[sflag:s21] =	ssyncset.done $0x0  }
0x61: {  	s30 =	simm.s32 $0x30;
	s0 =	sadd.s32 $0x0, s17;
	[sflag:s21] =	ssyncadd.s32 $0xFFFFC000  }
.LBB2_6:
0x62: {  	[tilespmem:s23], [sflag:$0x3] =	stream.linear.gather [hbm4b:s0+s3], $0x80, $0x38;
	[tilespmem:$0x1BE00] =	vst v63  }
0x63: {  	s0 =	smov.u32 s30  }
0x64: {  	p1 =	sne.s32 s30, $0x4E0;
	s30 =	sadd.s32 $0x30, s30;
	_ =	swait.ge [sflag:s24], $0x80  }
0x65: {  	[sflag:s24] =	ssyncset.done $0x0  }
0x66: {  	[sflag:s24] =	ssyncadd.s32 $0xFFFFFF80  }
0x67: {  	[spmem:s1] =	stream.indirect.scatter.add.f32 [tilespmem:s25], [sflag:$0x4], $0x80, s3, s22, $0xb8;
	[tilespmem:$0x1BE00] =	vst v63  }
0x68: {  	_ =	swait.ge [sflag:s21], $0x4000  }
0x69: {  	[sflag:s21] =	ssyncset.done $0x0  }
0x6a: {  	s2 =	sadd.s32 s0, s19;
	[sflag:s21] =	ssyncadd.s32 $0xFFFFC000  }
0x6b: {  	[tilespmem:s3], [sflag:$0x1] =	stream.linear.gather [hbm4b:s2+s3], $0x80, $0x38;
	[tilespmem:$0x1BE00] =	vst v63  }
0x6c: {  	_ =	swait.ge [sflag:s26], $0x80  }
0x6d: {  	[sflag:s26] =	ssyncset.done $0x0  }
0x6e: {  	[sflag:s26] =	ssyncadd.s32 $0xFFFFFF80  }
0x6f: {  	[spmem:s1] =	stream.indirect.scatter.add.f32 [tilespmem:s25], [sflag:$0x4], $0x80, s22, s22, $0xb8;
	[tilespmem:$0x1BE00] =	vst v63  }
0x70: {  	_ =	swait.ge [sflag:s21], $0x4000  }
0x71: {  	[sflag:s21] =	ssyncset.done $0x0  }
0x72: {  	s2 =	sadd.s32 s0, s18;
	[sflag:s21] =	ssyncadd.s32 $0xFFFFC000  }
0x73: {  	[tilespmem:s22], [sflag:$0x2] =	stream.linear.gather [hbm4b:s2+s3], $0x80, $0x38;
	[tilespmem:$0x1BE00] =	vst v63  }
0x74: {  	_ =	swait.ge [sflag:s28], $0x80  }
0x75: {  	[sflag:s28] =	ssyncset.done $0x0  }
.Ltmp2:
0x76: {  	[sflag:s28] =	ssyncadd.s32 $0xFFFFFF80;
	(pc) =	sbr.rel @p1 .LBB2_6-.Ltmp2, $4  }
0x77: {  	[spmem:s1] =	stream.indirect.scatter.add.f32 [tilespmem:s25], [sflag:$0x4], $0x80, s23, s22, $0xb8;
	[tilespmem:$0x1BE00] =	vst v63  }
0x78: {  	_ =	swait.ge [sflag:s21], $0x4000  }
0x79: {  	[sflag:s21] =	ssyncset.done $0x0  }
0x7a: {  	s0 =	sadd.s32 s0, s17;
	[sflag:s21] =	ssyncadd.s32 $0xFFFFC000  }
0x7b: {  	[tilespmem:s23], [sflag:$0x3] =	stream.linear.gather [hbm4b:s0+s3], $0x80, $0x38;
	[tilespmem:$0x1BE00] =	vst v63  }
0x7c: {  	_ =	swait.ge [sflag:s24], $0x80  }
0x7d: {  	[sflag:s24] =	ssyncset.done $0x0  }
0x7e: {  	[sflag:s24] =	ssyncadd.s32 $0xFFFFFF80  }
0x7f: {  	[spmem:s1] =	stream.indirect.scatter.add.f32 [tilespmem:s25], [sflag:$0x4], $0x80, s3, s22, $0xb8;
	[tilespmem:$0x1BE00] =	vst v63  }
0x80: {  	_ =	swait.ge [sflag:s21], $0x4000  }
0x81: {  	[sflag:s21] =	ssyncset.done $0x0  }
0x82: {  	[sflag:s21] =	ssyncadd.s32 $0xFFFFC000  }
0x83: {  	_ =	swait.ge [sflag:s26], $0x80  }
0x84: {  	[sflag:s26] =	ssyncset.done $0x0  }
0x85: {  	[sflag:s26] =	ssyncadd.s32 $0xFFFFFF80  }
0x86: {  	[spmem:s1] =	stream.indirect.scatter.add.f32 [tilespmem:s25], [sflag:$0x4], $0x80, s22, s22, $0xb8;
	[tilespmem:$0x1BE00] =	vst v63  }
0x87: {  	_ =	swait.ge [sflag:s21], $0x4000  }
0x88: {  	[sflag:s21] =	ssyncset.done $0x0  }
0x89: {  	[sflag:s21] =	ssyncadd.s32 $0xFFFFC000  }
0x8a: {  	_ =	swait.ge [sflag:s28], $0x80  }
0x8b: {  	[sflag:s28] =	ssyncset.done $0x0  }
0x8c: {  	[sflag:s28] =	ssyncadd.s32 $0xFFFFFF80  }
0x8d: {  	[spmem:s1] =	stream.indirect.scatter.add.f32 [tilespmem:s25], [sflag:$0x4], $0x80, s23, s22, $0xb8;
	[tilespmem:$0x1BE00] =	vst v63  }
0x8e: {  	_ =	swait.ge [sflag:s21], $0x4000  }
0x8f: {  	s31 =	stileid.u32;
	[sflag:s21] =	ssyncset.done $0x0  }
0x90: {  	s0 =	sshll.u32 s31, $0x6;
	[sflag:s21] =	ssyncadd.s32 $0xFFFFC000  }
0x91: {  	s2 =	sshrl.u32 s4, $0x3;
	s0 =	sor.u32 $0x1C04, s0;
	[bflag:$0x0] =	sbarrier.arrive $0xFFFF  }
0x92: {  	[hbm:s14], [sflag:s0] =	dma.local [spmem:s2], $0x2700  }
0x93: {  	_ =	swait.ge [sflag:s21], $0x2700  }
0x94: {  	s29 =	sadd.s32 $0x1, s29;
	[sflag:s21] =	ssyncset.done $0x0  }
0x95: {  	p1 =	sne.s32 s29, s16;
	s2 =	sshrl.u32 @!p0 s9, $0x3;
	[sflag:s21] =	ssyncadd.s32 $0xFFFFD900  }
0x96: {  	[hbm:s15], [sflag:s0] =	dma.local @!p0 [spmem:s2], $0x100  }
.Ltmp3:
0x97: {  	_ = 	snop;
	(pc) =	sbr.rel @p1 .LBB2_1-.Ltmp3, $4  }
0x98: {  	s0 =	simm.s32 @!p0 $0x4  }
0x99: {  	_ =	swait.ge @!p0 [sflag:s0], $0x100  }
0x9a: {  	[sflag:s0] =	ssyncset.done @!p0 $0x0  }
0x9b: {  	[sflag:s0] =	ssyncadd.s32 @!p0 $0xFFFFFF00  }
0x9c: {  	_ =	sfence.sel $0x180000  }
0x9d: {  	[bflag:$0x0] =	sbarrier.arrive $0xFFFF  }
0x9e: {  	_ =	strace $0x9000004A  }
0x9f: {  	s0 =	stileid.u32;
	[bflag:$0x2] =	sbarrier.arrive $0xFFFF  }
0xa0: {  	p0 =	sne.s32 s0, $0x0;
	s0 =	rddreg [dreg:$0x2]  }
0xa1: {  	s0 =	sadd.s32 @!p0 $0x100000, s0  }
0xa2: {  	[sflag:s0] =	ssyncadd.tile.s32 @!p0 $0x1;
	_ =	shalt  }
.Lfunc_end2:
_tile_overlayer_lowered:
.L_overlay_start_2:
0xa3: {  	(tag) =	ssettag $0x2  }
0xa4: {  	s0 =	rddreg [dreg:$0x0];
	s2 =	stileid.u32  }
0xa5: {  	s1 =	rddreg [dreg:$0x1];
	p0 =	sne.s32 s2, $0x0  }
0xa6: {  	s3 =	rddreg [dreg:$0x2];
	[bflag:$0x3] =	sbarrier.arrive $0xFFFF;
	s2 =	simm.s32 @!p0 $0x1C04  }
0xa7: {  	[timem:s3], [sflag:s2] =	dma.local @!p0 [hbm:s0], s1  }
0xa8: {  	s0 =	simm.s32 @!p0 $0x4  }
0xa9: {  	_ =	swait.ge @!p0 [sflag:s0], s1  }
0xaa: {  	s1 =	ssub.s32 @!p0 $0x0, s1;
	[sflag:s0] =	ssyncset.done @!p0 $0x0  }
0xab: {  	[sflag:s0] =	ssyncadd.s32 @!p0 s1  }
0xac: {  	[bflag:$0x3] =	sbarrier.arrive $0xFFFF  }
0xad: {  	_ =	shalt  }

</sc_bundles>
